<compile_context>
chip_gen: v7x
topology: tpu7x:2x2x1
jax: 0.10.2.dev20260603
libtpu: 0.0.44.dev20260713+nightly
codegen_flags: <defaults>
</compile_context>

<pallas_src>
import functools

import jax
import jax.numpy as jnp
from jax import lax
from jax.experimental import pallas as pl
from jax.experimental.pallas import tpu as pltpu
from jax.experimental.pallas import tpu_sc as plsc

S = 256
R = 1000

_NC, _NS, _NL = 2, 16, 16

_ARB = pltpu.CompilerParams(dimension_semantics=("arbitrary",))


def _gate(x_ref, gw_ref, gb_ref):
    return jax.lax.dot_general(x_ref[...], gw_ref[...], (((1,), (0,)), ((), ())),
                               preferred_element_type=jnp.float32) + gb_ref[...]


def _wcontrib(x_ref, w1_ref, b1_ref, a_ref, ids_ref, gate_ref, m_ref):
    e = jnp.exp(gate_ref[...] - m_ref[...])
    eq = ids_ref[...] == jax.lax.broadcasted_iota(jnp.int32, (1, S), 1)
    ohw = (eq.astype(jnp.float32) * e).astype(jnp.bfloat16)
    u = jax.lax.dot_general(x_ref[...].astype(jnp.bfloat16), w1_ref[...],
                            (((1,), (0,)), ((), ())),
                            preferred_element_type=jnp.float32
                            ).astype(jnp.bfloat16) + b1_ref[...]
    u = jnp.where(u >= 0, u, a_ref[...] * u)
    return jax.lax.dot_general(ohw, u, (((0,), (0,)), ((), ())),
                               preferred_element_type=jnp.float32)


def _k1_body(nbm, xa_ref, xm_ref, gw_ref, gb_ref, ga_ref, gm_ref):
    i = pl.program_id(0)
    ga_ref[...] = _gate(xa_ref, gw_ref, gb_ref)

    @pl.when(i < nbm)
    def _():
        gm_ref[...] = _gate(xm_ref, gw_ref, gb_ref)


def _k2_body(xa_ref, w1_ref, b1_ref, a_ref, ids_ref, gate_ref, m_ref,
             xb_ref, gw_ref, gb_ref, acc_ref, gb_out_ref):
    i = pl.program_id(0)
    gb_out_ref[...] = _gate(xb_ref, gw_ref, gb_ref)
    contrib = _wcontrib(xa_ref, w1_ref, b1_ref, a_ref, ids_ref, gate_ref, m_ref)

    @pl.when(i == 0)
    def _():
        acc_ref[...] = contrib

    @pl.when(i > 0)
    def _():
        acc_ref[...] += contrib


def _k3_body(nbm, xb_ref, w1_ref, b1_ref, a_ref, idsb_ref, gateb_ref, mb_ref,
             xm_ref, idsm_ref, gatem_ref, mm_ref, accb_ref, accm_ref):
    i = pl.program_id(0)
    contrib_b = _wcontrib(xb_ref, w1_ref, b1_ref, a_ref, idsb_ref, gateb_ref,
                          mb_ref)

    @pl.when(i == 0)
    def _():
        accb_ref[...] = contrib_b

    @pl.when(i > 0)
    def _():
        accb_ref[...] += contrib_b

    @pl.when(i < nbm)
    def _():
        contrib_m = _wcontrib(xm_ref, w1_ref, b1_ref, a_ref, idsm_ref,
                              gatem_ref, mm_ref)

        @pl.when(i == 0)
        def _():
            accm_ref[...] = contrib_m

        @pl.when(i > 0)
        def _():
            accm_ref[...] += contrib_m


def _epilogue_body(aa_ref, ab_ref, am_ref, kam_ref, kb_ref, den_ref,
                   gsc_ref, beta_ref, w2_ref, b2_ref, out_ref):
    acc = kam_ref[...] * (aa_ref[...] + am_ref[...]) + kb_ref[...] * ab_ref[...]
    den = den_ref[...] + 1e-16
    sumw = den_ref[...] / den
    z = (acc / den) * gsc_ref[...] + sumw * beta_ref[...]
    out_ref[...] = jax.lax.dot_general(
        z, w2_ref[...], (((1,), (0,)), ((), ())),
        preferred_element_type=jnp.float32) + sumw * b2_ref[...]


def _sc_stats_body(rows_per_sub, g_hbm, ids_hbm, m_hbm, s_hbm,
                   g_v, e_v, idx_v, vbuf, mxv, mx_my, stage, s_sh):
    chunk = rows_per_sub * 128
    c = lax.axis_index("c")
    sid = lax.axis_index("s")
    base_row = (c * _NS + sid) * rows_per_sub
    pltpu.sync_copy(g_hbm.at[pl.ds(base_row * 128, chunk)], g_v)
    pltpu.sync_copy(ids_hbm.at[pl.ds(base_row, rows_per_sub)], idx_v)

    def mx_body(i, acc):
        return jnp.maximum(acc, g_v[pl.ds(i * _NL, _NL)])

    loc = lax.fori_loop(0, chunk // _NL, mx_body,
                        jnp.full((_NL,), -1e30, jnp.float32))
    mx_my[...] = loc
    pltpu.sync_copy(mx_my, stage.at[pl.ds(sid * _NL, _NL)])
    plsc.subcore_barrier()
    pltpu.sync_copy(stage, mxv)

    def mx2_body(i, acc):
        return jnp.maximum(acc, mxv[pl.ds(i * _NL, _NL)])

    m_vec = lax.fori_loop(0, _NS, mx2_body,
                          jnp.full((_NL,), -1e30, jnp.float32))
    for dist in (8, 4, 2, 1):
        idx = lax.iota(jnp.int32, _NL) ^ dist
        m_vec = jnp.maximum(m_vec,
                            m_vec.at[idx].get(mode="promise_in_bounds"))

    def exp_body(i, carry):
        e_v[pl.ds(i * _NL, _NL)] = jnp.exp(g_v[pl.ds(i * _NL, _NL)] - m_vec)
        return carry

    lax.fori_loop(0, chunk // _NL, exp_body, 0)

    @pl.when(sid == 0)
    def _():
        for i in range(S // _NL):
            vbuf[pl.ds(i * _NL, _NL)] = jnp.zeros((_NL,), jnp.float32)
        pltpu.sync_copy(vbuf, s_sh)

    plsc.subcore_barrier()
    for j in range(rows_per_sub):
        pltpu.sync_copy(e_v.at[pl.ds(j * 128, 128)],
                        s_sh.at[idx_v.at[j]], add=True)
    plsc.subcore_barrier()

    @pl.when(sid == 0)
    def _():
        pltpu.sync_copy(s_sh, s_hbm.at[pl.ds(c * S, S)])
        for i in range(S // _NL):
            vbuf[pl.ds(i * _NL, _NL)] = m_vec
        pltpu.sync_copy(vbuf, m_hbm.at[pl.ds(c * S, S)])


def _sc_stats(g_flat, ids_flat):
    n = g_flat.shape[0]
    rows_per_sub = -(-n // (_NC * _NS * 128))
    rows_per_sub = -(-rows_per_sub // 8) * 8
    npad = _NC * _NS * rows_per_sub * 128
    g_pad = jnp.full((npad,), -1e30, jnp.float32).at[:n].set(g_flat)
    ids_pad = jnp.zeros((npad,), jnp.int32).at[:n].set(ids_flat)
    ids2d = ids_pad.reshape(npad // 128, 128)
    mesh = plsc.VectorSubcoreMesh(core_axis_name="c", subcore_axis_name="s",
                                  num_cores=_NC, num_subcores=_NS)
    m_out, s_out = pl.kernel(
        functools.partial(_sc_stats_body, rows_per_sub),
        out_type=[
            jax.ShapeDtypeStruct((_NC * S,), jnp.float32),
            jax.ShapeDtypeStruct((_NC * S,), jnp.float32),
        ],
        mesh=mesh,
        scratch_types=[
            pltpu.VMEM((rows_per_sub * 128,), jnp.float32),
            pltpu.VMEM((rows_per_sub * 128,), jnp.float32),
            pltpu.VMEM((rows_per_sub, 128), jnp.int32),
            pltpu.VMEM((S,), jnp.float32),
            pltpu.VMEM((_NS * _NL,), jnp.float32),
            pltpu.VMEM((_NL,), jnp.float32),
            pltpu.VMEM_SHARED((_NS * _NL,), jnp.float32),
            pltpu.VMEM_SHARED((S,), jnp.float32),
        ],
    )(g_pad, ids2d)
    return m_out.reshape(_NC, S), s_out.reshape(_NC, S)


def _merge_cores(m_out, s_out):
    m_g = jnp.max(m_out)
    s_g = jnp.sum(s_out * jnp.exp(m_out - m_g), axis=0)
    return m_g, s_g


def kernel(nodes_atoms, nodes_bonds, nodes_monosacchs, batch_ids_atoms,
           batch_ids_bonds, batch_ids_monosacchs, gate_W, gate_b, W1, b1,
           prelu_a, bn_gamma, bn_beta, W2, b2):
    d = nodes_atoms.shape[1]
    na, nb, nm = (nodes_atoms.shape[0], nodes_bonds.shape[0],
                  nodes_monosacchs.shape[0])
    nba, nbb, nbm = na // R, nb // R, nm // R
    gw_col = gate_W.reshape(d, 1).astype(jnp.float32)
    gb11 = gate_b.reshape(1, 1).astype(jnp.float32)
    a11 = jnp.asarray(prelu_a, jnp.bfloat16).reshape(1, 1)
    b1_row = b1.reshape(1, d).astype(jnp.bfloat16)
    b2_row = b2.reshape(1, d)
    beta_row = bn_beta.reshape(1, d)
    gscale_row = (bn_gamma * (1.0 / jnp.sqrt(1.0 + 1e-5))).reshape(1, d)
    w1_bf = W1.astype(jnp.bfloat16)
    ids_a = batch_ids_atoms.astype(jnp.int32)
    ids_b = batch_ids_bonds.astype(jnp.int32)
    ids_m = batch_ids_monosacchs.astype(jnp.int32)

    blk = lambda shp, im: pl.BlockSpec(shp, im)
    row0 = lambda i: (i, 0)
    const0 = lambda i: (0, 0)
    rowm = lambda i: (jnp.minimum(i, nbm - 1), 0)

    gate_a, gate_m = pl.pallas_call(
        functools.partial(_k1_body, nbm),
        grid=(nba,),
        in_specs=[blk((R, d), row0), blk((R, d), rowm),
                  blk((d, 1), const0), blk((1, 1), const0)],
        out_specs=[blk((R, 1), row0), blk((R, 1), rowm)],
        out_shape=[jax.ShapeDtypeStruct((na, 1), jnp.float32),
                   jax.ShapeDtypeStruct((nm, 1), jnp.float32)],
        compiler_params=_ARB,
    )(nodes_atoms, nodes_monosacchs, gw_col, gb11)

    m_am_out, s_am_out = _sc_stats(
        jnp.concatenate([gate_a.reshape(-1), gate_m.reshape(-1)]),
        jnp.concatenate([ids_a, ids_m]))
    m_am, s_am = _merge_cores(m_am_out, s_am_out)
    m_am11 = m_am.reshape(1, 1)

    acc_a, gate_b_col = pl.pallas_call(
        _k2_body,
        grid=(nba,),
        in_specs=[blk((R, d), row0), blk((d, d), const0), blk((1, d), const0),
                  blk((1, 1), const0), blk((R, 1), row0), blk((R, 1), row0),
                  blk((1, 1), const0),
                  blk((R, d), row0), blk((d, 1), const0), blk((1, 1), const0)],
        out_specs=[blk((S, d), const0), blk((R, 1), row0)],
        out_shape=[jax.ShapeDtypeStruct((S, d), jnp.float32),
                   jax.ShapeDtypeStruct((nb, 1), jnp.float32)],
        compiler_params=_ARB,
    )(nodes_atoms, w1_bf, b1_row, a11, ids_a.reshape(na, 1), gate_a, m_am11,
      nodes_bonds, gw_col, gb11)

    m_b_out, s_b_out = _sc_stats(gate_b_col.reshape(-1), ids_b)
    m_b, s_b = _merge_cores(m_b_out, s_b_out)
    m_b11 = m_b.reshape(1, 1)

    acc_b, acc_m = pl.pallas_call(
        functools.partial(_k3_body, nbm),
        grid=(nbb,),
        in_specs=[blk((R, d), row0), blk((d, d), const0), blk((1, d), const0),
                  blk((1, 1), const0), blk((R, 1), row0), blk((R, 1), row0),
                  blk((1, 1), const0),
                  blk((R, d), rowm), blk((R, 1), rowm), blk((R, 1), rowm),
                  blk((1, 1), const0)],
        out_specs=[blk((S, d), const0), blk((S, d), const0)],
        out_shape=[jax.ShapeDtypeStruct((S, d), jnp.float32),
                   jax.ShapeDtypeStruct((S, d), jnp.float32)],
        compiler_params=_ARB,
    )(nodes_bonds, w1_bf, b1_row, a11, ids_b.reshape(nb, 1), gate_b_col,
      m_b11, nodes_monosacchs, ids_m.reshape(nm, 1), gate_m, m_am11)

    m_glob = jnp.maximum(m_am, m_b)
    k_am = jnp.exp(m_am - m_glob).reshape(1, 1)
    k_b = jnp.exp(m_b - m_glob).reshape(1, 1)
    den_col = (k_am[0, 0] * s_am + k_b[0, 0] * s_b).reshape(S, 1)

    out = pl.pallas_call(
        _epilogue_body,
        out_shape=jax.ShapeDtypeStruct((S, d), jnp.float32),
    )(acc_a, acc_b, acc_m, k_am, k_b, den_col, gscale_row, beta_row, W2,
      b2_row)
    return out

# --- scband reference (transcript-rebuilt; emitter-appended) ---
"""Pipeline reference for scband-gifflarpooling-11020886081539 (READ-ONLY COPY).

The authoritative reference and input builder live on the scoring server;
editing this copy changes nothing except your own understanding.
"""

import jax, jax.numpy as jnp
import numpy as np

D = 1024
B = 256
NA, NB, NM = 50000, 50000, 10000


def setup_inputs(seed: int = 0) -> dict:
    key = jax.random.key(seed)
    ks = jax.random.split(key, 16)
    inp = {}
    inp["nodes_atoms"] = jax.random.normal(ks[0], (NA, D), dtype=jnp.float32)
    inp["nodes_bonds"] = jax.random.normal(ks[1], (NB, D), dtype=jnp.float32)
    inp["nodes_monosacchs"] = jax.random.normal(ks[2], (NM, D), dtype=jnp.float32)
    inp["batch_ids_atoms"] = jnp.sort(jax.random.randint(ks[3], (NA,), 0, B, dtype=jnp.int64))
    inp["batch_ids_bonds"] = jnp.sort(jax.random.randint(ks[4], (NB,), 0, B, dtype=jnp.int64))
    inp["batch_ids_monosacchs"] = jnp.sort(jax.random.randint(ks[5], (NM,), 0, B, dtype=jnp.int64))
    # learned parameters (GlobalAttention: gate_nn = Linear(1024,1); nn = Linear->PReLU->Dropout->BN->Linear)
    s = 1.0 / np.sqrt(D)
    inp["gate_W"] = jax.random.uniform(ks[6], (D, 1), jnp.float32, -s, s)
    inp["gate_b"] = jax.random.uniform(ks[7], (1,), jnp.float32, -s, s)
    inp["W1"] = jax.random.uniform(ks[8], (D, D), jnp.float32, -s, s)
    inp["b1"] = jax.random.uniform(ks[9], (D,), jnp.float32, -s, s)
    inp["prelu_a"] = jnp.asarray(0.25, dtype=jnp.float32)
    inp["bn_gamma"] = jnp.ones((D,), dtype=jnp.float32)
    inp["bn_beta"] = jnp.zeros((D,), dtype=jnp.float32)
    inp["W2"] = jax.random.uniform(ks[10], (D, D), jnp.float32, -s, s)
    inp["b2"] = jax.random.uniform(ks[11], (D,), jnp.float32, -s, s)
    return inp


def reference(nodes_atoms, nodes_bonds, nodes_monosacchs,
              batch_ids_atoms, batch_ids_bonds, batch_ids_monosacchs,
              gate_W, gate_b, W1, b1, prelu_a, bn_gamma, bn_beta, W2, b2):
    # mode == 'global_attention'
    x = jnp.concatenate([nodes_atoms, nodes_bonds, nodes_monosacchs], axis=0)
    batch = jnp.concatenate([batch_ids_atoms, batch_ids_bonds, batch_ids_monosacchs], axis=0)
    size = B
    # gate_nn
    gate = (x @ gate_W + gate_b).reshape(-1, 1)
    # nn: Linear -> PReLU -> Dropout(eval: identity) -> BatchNorm1d(eval, running stats 0/1) -> Linear
    h = x @ W1 + b1
    h = jnp.where(h >= 0, h, prelu_a * h)
    h = (h - 0.0) / jnp.sqrt(1.0 + 1e-5) * bn_gamma + bn_beta
    h = h @ W2 + b2
    # per-graph softmax over gate scores
    gmax = jax.ops.segment_max(gate, batch, num_segments=size)
    gate = jnp.exp(gate - gmax[batch])
    gsum = jax.ops.segment_sum(gate, batch, num_segments=size)
    gate = gate / (gsum[batch] + 1e-16)
    # scatter_add of gated features per graph
    out = jax.ops.segment_sum(gate * h, batch, num_segments=size)
    return out

if __name__ == "__main__":
    import jax
    _d = setup_inputs()
    print(jax.jit(kernel)(*tuple(_d.values())))

</pallas_src>

<mosaic_0001>
#map = affine_map<(d0, d1) -> (0)>
#map1 = affine_map<(d0, d1) -> (0, 0)>
module attributes {stable_mosaic.version = 14 : i64} {
  func.func @_sc_stats_body(%arg0: i32, %arg1: i32, %arg2: memref<65536xf32, #tpu.memory_space<hbm>>, %arg3: memref<512x128xi32, #tpu.memory_space<hbm>>, %arg4: memref<512xf32, #tpu.memory_space<hbm>>, %arg5: memref<512xf32, #tpu.memory_space<hbm>>, %arg6: memref<2048xf32, #tpu.memory_space<vmem>>, %arg7: memref<2048xf32, #tpu.memory_space<vmem>>, %arg8: memref<16x128xi32, #tpu.memory_space<vmem>>, %arg9: memref<256xf32, #tpu.memory_space<vmem>>, %arg10: memref<256xf32, #tpu.memory_space<vmem>>, %arg11: memref<16xf32, #tpu.memory_space<vmem>>, %arg12: memref<256xf32, #tpu.memory_space<vmem_shared>>, %arg13: memref<256xf32, #tpu.memory_space<vmem_shared>>) attributes {dimension_semantics = [#tpu.dimension_semantics<core_parallel>, #tpu.dimension_semantics<subcore_parallel>], iteration_bounds = array<i64: 2, 16>, scalar_prefetch = 0 : i64, scratch_operands = 8 : i64, tpu.core_type = #tpu.core_type<sc_vector_subcore>, window_params = [{transform_indices = #map}, {transform_indices = #map1}, {transform_indices = #map}, {transform_indices = #map}]} {
    %mul3A = arith.constant 16 : i32
    %mul3A_0 = arith.muli %arg0, %mul3A : i32
    %add3A = arith.addi %mul3A_0, %arg1 : i32
    %mul3A_1 = arith.constant 16 : i32
    %mul3A_2 = arith.muli %add3A, %mul3A_1 : i32
    %mul3A_3 = arith.constant 128 : i32
    %mul3A_4 = arith.muli %mul3A_2, %mul3A_3 : i32
    "tpu.region"() ({
      %run_scoped3A_108 = tpu.sem_alloc : memref<!tpu.dma_semaphore, #tpu.memory_space<semaphore_mem>>
      %dma_start3A = tpu.memref_slice %arg2[%mul3A_4] : memref<65536xf32, #tpu.memory_space<hbm>> -> memref<2048xf32, #tpu.memory_space<hbm>>
      %dma_start3A_109 = tpu.memref_slice %arg2[%mul3A_4] : memref<65536xf32, #tpu.memory_space<hbm>> -> memref<2048xf32, #tpu.memory_space<hbm>>
      tpu.enqueue_dma source(%dma_start3A_109 : memref<2048xf32, #tpu.memory_space<hbm>>) target(%arg6 : memref<2048xf32, #tpu.memory_space<vmem>>) target_semaphore(%run_scoped3A_108 : memref<!tpu.dma_semaphore, #tpu.memory_space<semaphore_mem>>)
      %dma_wait3A = tpu.memref_slice %arg2[%mul3A_4] : memref<65536xf32, #tpu.memory_space<hbm>> -> memref<2048xf32, #tpu.memory_space<hbm>>
      %dma_wait3A_110 = tpu.memref_slice %arg2[%mul3A_4] : memref<65536xf32, #tpu.memory_space<hbm>> -> memref<2048xf32, #tpu.memory_space<hbm>>
      tpu.wait_dma2 semaphore(%run_scoped3A_108 : memref<!tpu.dma_semaphore, #tpu.memory_space<semaphore_mem>>) src(%dma_wait3A_110 : memref<2048xf32, #tpu.memory_space<hbm>>) dst(%arg6 : memref<2048xf32, #tpu.memory_space<vmem>>)
      tpu.yield
    }) : () -> ()
    "tpu.region"() ({
      %run_scoped3A_108 = tpu.sem_alloc : memref<!tpu.dma_semaphore, #tpu.memory_space<semaphore_mem>>
      %dma_start3A = arith.constant 0 : i32
      %dma_start3A_109 = tpu.memref_slice %arg3[%mul3A_2, %dma_start3A] : memref<512x128xi32, #tpu.memory_space<hbm>> -> memref<16x128xi32, #tpu.memory_space<hbm>>
      %dma_start3A_110 = arith.constant 0 : i32
      %dma_start3A_111 = tpu.memref_slice %arg3[%mul3A_2, %dma_start3A_110] : memref<512x128xi32, #tpu.memory_space<hbm>> -> memref<16x128xi32, #tpu.memory_space<hbm>>
      tpu.enqueue_dma source(%dma_start3A_111 : memref<16x128xi32, #tpu.memory_space<hbm>>) target(%arg8 : memref<16x128xi32, #tpu.memory_space<vmem>>) target_semaphore(%run_scoped3A_108 : memref<!tpu.dma_semaphore, #tpu.memory_space<semaphore_mem>>)
      %dma_wait3A = arith.constant 0 : i32
      %dma_wait3A_112 = tpu.memref_slice %arg3[%mul3A_2, %dma_wait3A] : memref<512x128xi32, #tpu.memory_space<hbm>> -> memref<16x128xi32, #tpu.memory_space<hbm>>
      %dma_wait3A_113 = arith.constant 0 : i32
      %dma_wait3A_114 = tpu.memref_slice %arg3[%mul3A_2, %dma_wait3A_113] : memref<512x128xi32, #tpu.memory_space<hbm>> -> memref<16x128xi32, #tpu.memory_space<hbm>>
      tpu.wait_dma2 semaphore(%run_scoped3A_108 : memref<!tpu.dma_semaphore, #tpu.memory_space<semaphore_mem>>) src(%dma_wait3A_114 : memref<16x128xi32, #tpu.memory_space<hbm>>) dst(%arg8 : memref<16x128xi32, #tpu.memory_space<vmem>>)
      tpu.yield
    }) : () -> ()
    %broadcast_in_dim3A = arith.constant -1.000000e+30 : f32
    %broadcast_in_dim3A_5 = vector.broadcast %broadcast_in_dim3A : f32 to vector<16xf32>
    %scan3A = arith.constant 0 : i32
    %scan3A_6 = arith.constant 128 : i32
    %scan3A_7 = arith.addi %scan3A, %scan3A_6 : i32
    %scan3A_8 = arith.constant 1 : i32
    %scan3A_9 = scf.for %scan3A_108 = %scan3A to %scan3A_7 step %scan3A_8 iter_args(%scan3A_109 = %broadcast_in_dim3A_5) -> (vector<16xf32>)  : i32 {
      %mul3A_110 = arith.constant 16 : i32
      %mul3A_111 = arith.muli %scan3A_108, %mul3A_110 : i32
      %get3A = arith.index_cast %mul3A_111 : i32 to index
      %get3A_112 = tpu.vector_load %arg6[%get3A] {strides = array<i32>} : memref<2048xf32, #tpu.memory_space<vmem>>, vector<16xf32>,
      %get3A_113 = vector.shape_cast %get3A_112 : vector<16xf32> to vector<16xf32>
      %max3A_114 = arith.maximumf %scan3A_109, %get3A_113 : vector<16xf32>
      scf.yield %max3A_114 : vector<16xf32>
    }
    %scan3A_10 = arith.constant 128 : i32
    %swap3A = arith.constant 0 : index
    %swap3A_11 = tpu.vector_load %arg11[%swap3A] {strides = array<i32>} : memref<16xf32, #tpu.memory_space<vmem>>, vector<16xf32>,
    %swap3A_12 = vector.shape_cast %swap3A_11 : vector<16xf32> to vector<16xf32>
    %swap3A_13 = vector.shape_cast %scan3A_9 : vector<16xf32> to vector<16xf32>
    tpu.vector_store %arg11[%swap3A], %swap3A_13 {strides = array<i32>} : memref<16xf32, #tpu.memory_space<vmem>>, vector<16xf32>,
    %mul3A_14 = arith.constant 16 : i32
    %mul3A_15 = arith.muli %arg1, %mul3A_14 : i32
    "tpu.region"() ({
      %run_scoped3A_108 = tpu.sem_alloc : memref<!tpu.dma_semaphore, #tpu.memory_space<semaphore_mem>>
      %dma_start3A = tpu.memref_slice %arg12[%mul3A_15] : memref<256xf32, #tpu.memory_space<vmem_shared>> -> memref<16xf32, #tpu.memory_space<vmem_shared>>
      %dma_start3A_109 = tpu.memref_slice %arg12[%mul3A_15] : memref<256xf32, #tpu.memory_space<vmem_shared>> -> memref<16xf32, #tpu.memory_space<vmem_shared>>
      tpu.enqueue_dma source(%arg11 : memref<16xf32, #tpu.memory_space<vmem>>) target(%dma_start3A_109 : memref<16xf32, #tpu.memory_space<vmem_shared>>) target_semaphore(%run_scoped3A_108 : memref<!tpu.dma_semaphore, #tpu.memory_space<semaphore_mem>>)
      %dma_wait3A = tpu.memref_slice %arg12[%mul3A_15] : memref<256xf32, #tpu.memory_space<vmem_shared>> -> memref<16xf32, #tpu.memory_space<vmem_shared>>
      %dma_wait3A_110 = tpu.memref_slice %arg12[%mul3A_15] : memref<256xf32, #tpu.memory_space<vmem_shared>> -> memref<16xf32, #tpu.memory_space<vmem_shared>>
      tpu.wait_dma2 semaphore(%run_scoped3A_108 : memref<!tpu.dma_semaphore, #tpu.memory_space<semaphore_mem>>) src(%arg11 : memref<16xf32, #tpu.memory_space<vmem>>) dst(%dma_wait3A_110 : memref<16xf32, #tpu.memory_space<vmem_shared>>)
      tpu.yield
    }) : () -> ()
    %barrier3A = arith.constant 0 : index
    tpu.barrier barrier_id(%barrier3A)
    "tpu.region"() ({
      %run_scoped3A_108 = tpu.sem_alloc : memref<!tpu.dma_semaphore, #tpu.memory_space<semaphore_mem>>
      tpu.enqueue_dma source(%arg12 : memref<256xf32, #tpu.memory_space<vmem_shared>>) target(%arg10 : memref<256xf32, #tpu.memory_space<vmem>>) target_semaphore(%run_scoped3A_108 : memref<!tpu.dma_semaphore, #tpu.memory_space<semaphore_mem>>)
      tpu.wait_dma2 semaphore(%run_scoped3A_108 : memref<!tpu.dma_semaphore, #tpu.memory_space<semaphore_mem>>) src(%arg12 : memref<256xf32, #tpu.memory_space<vmem_shared>>) dst(%arg10 : memref<256xf32, #tpu.memory_space<vmem>>)
      tpu.yield
    }) : () -> ()
    %broadcast_in_dim3A_16 = arith.constant -1.000000e+30 : f32
    %broadcast_in_dim3A_17 = vector.broadcast %broadcast_in_dim3A_16 : f32 to vector<16xf32>
    %scan3A_18 = arith.constant 0 : i32
    %scan3A_19 = arith.constant 16 : i32
    %scan3A_20 = arith.addi %scan3A_18, %scan3A_19 : i32
    %scan3A_21 = arith.constant 1 : i32
    %scan3A_22 = scf.for %scan3A_108 = %scan3A_18 to %scan3A_20 step %scan3A_21 iter_args(%scan3A_109 = %broadcast_in_dim3A_17) -> (vector<16xf32>)  : i32 {
      %mul3A_110 = arith.constant 16 : i32
      %mul3A_111 = arith.muli %scan3A_108, %mul3A_110 : i32
      %get3A = arith.index_cast %mul3A_111 : i32 to index
      %get3A_112 = tpu.vector_load %arg10[%get3A] {strides = array<i32>} : memref<256xf32, #tpu.memory_space<vmem>>, vector<16xf32>,
      %get3A_113 = vector.shape_cast %get3A_112 : vector<16xf32> to vector<16xf32>
      %max3A_114 = arith.maximumf %scan3A_109, %get3A_113 : vector<16xf32>
      scf.yield %max3A_114 : vector<16xf32>
    }
    %scan3A_23 = arith.constant 16 : i32
    %iota3A = tpu.iota {dimensions = array<i32: 0>} : vector<16xi32>
    %xor3A = arith.constant 8 : i32
    %xor3A_24 = vector.broadcast %xor3A : i32 to vector<16xi32>
    %xor3A_25 = arith.xori %iota3A, %xor3A_24 : vector<16xi32>
    %lt3A = arith.constant 0 : i32
    %lt3A_26 = vector.broadcast %lt3A : i32 to vector<16xi32>
    %lt3A_27 = arith.cmpi slt, %xor3A_25, %lt3A_26 : vector<16xi32>
    %add3A_28 = arith.constant 16 : i32
    %add3A_29 = vector.broadcast %add3A_28 : i32 to vector<16xi32>
    %add3A_30 = arith.addi %xor3A_25, %add3A_29 : vector<16xi32>
    %select_n3A = arith.select %lt3A_27, %add3A_30, %xor3A_25 : vector<16xi1>, vector<16xi32>
    %broadcast_in_dim3A_31 = vector.shape_cast %select_n3A : vector<16xi32> to vector<16x1xi32>
    %gather3A = vector.shape_cast %broadcast_in_dim3A_31 : vector<16x1xi32> to vector<16xi32>
    %gather3A_32 = tpu.dynamic_gather %scan3A_22[%gather3A] in [0] : vector<16xf32>, vector<16xi32> -> vector<16xf32>
    %max3A = arith.maximumf %scan3A_22, %gather3A_32 : vector<16xf32>
    %iota3A_33 = tpu.iota {dimensions = array<i32: 0>} : vector<16xi32>
    %xor3A_34 = arith.constant 4 : i32
    %xor3A_35 = vector.broadcast %xor3A_34 : i32 to vector<16xi32>
    %xor3A_36 = arith.xori %iota3A_33, %xor3A_35 : vector<16xi32>
    %lt3A_37 = arith.constant 0 : i32
    %lt3A_38 = vector.broadcast %lt3A_37 : i32 to vector<16xi32>
    %lt3A_39 = arith.cmpi slt, %xor3A_36, %lt3A_38 : vector<16xi32>
    %add3A_40 = arith.constant 16 : i32
    %add3A_41 = vector.broadcast %add3A_40 : i32 to vector<16xi32>
    %add3A_42 = arith.addi %xor3A_36, %add3A_41 : vector<16xi32>
    %select_n3A_43 = arith.select %lt3A_39, %add3A_42, %xor3A_36 : vector<16xi1>, vector<16xi32>
    %broadcast_in_dim3A_44 = vector.shape_cast %select_n3A_43 : vector<16xi32> to vector<16x1xi32>
    %gather3A_45 = vector.shape_cast %broadcast_in_dim3A_44 : vector<16x1xi32> to vector<16xi32>
    %gather3A_46 = tpu.dynamic_gather %max3A[%gather3A_45] in [0] : vector<16xf32>, vector<16xi32> -> vector<16xf32>
    %max3A_47 = arith.maximumf %max3A, %gather3A_46 : vector<16xf32>
    %iota3A_48 = tpu.iota {dimensions = array<i32: 0>} : vector<16xi32>
    %xor3A_49 = arith.constant 2 : i32
    %xor3A_50 = vector.broadcast %xor3A_49 : i32 to vector<16xi32>
    %xor3A_51 = arith.xori %iota3A_48, %xor3A_50 : vector<16xi32>
    %lt3A_52 = arith.constant 0 : i32
    %lt3A_53 = vector.broadcast %lt3A_52 : i32 to vector<16xi32>
    %lt3A_54 = arith.cmpi slt, %xor3A_51, %lt3A_53 : vector<16xi32>
    %add3A_55 = arith.constant 16 : i32
    %add3A_56 = vector.broadcast %add3A_55 : i32 to vector<16xi32>
    %add3A_57 = arith.addi %xor3A_51, %add3A_56 : vector<16xi32>
    %select_n3A_58 = arith.select %lt3A_54, %add3A_57, %xor3A_51 : vector<16xi1>, vector<16xi32>
    %broadcast_in_dim3A_59 = vector.shape_cast %select_n3A_58 : vector<16xi32> to vector<16x1xi32>
    %gather3A_60 = vector.shape_cast %broadcast_in_dim3A_59 : vector<16x1xi32> to vector<16xi32>
    %gather3A_61 = tpu.dynamic_gather %max3A_47[%gather3A_60] in [0] : vector<16xf32>, vector<16xi32> -> vector<16xf32>
    %max3A_62 = arith.maximumf %max3A_47, %gather3A_61 : vector<16xf32>
    %iota3A_63 = tpu.iota {dimensions = array<i32: 0>} : vector<16xi32>
    %xor3A_64 = arith.constant 1 : i32
    %xor3A_65 = vector.broadcast %xor3A_64 : i32 to vector<16xi32>
    %xor3A_66 = arith.xori %iota3A_63, %xor3A_65 : vector<16xi32>
    %lt3A_67 = arith.constant 0 : i32
    %lt3A_68 = vector.broadcast %lt3A_67 : i32 to vector<16xi32>
    %lt3A_69 = arith.cmpi slt, %xor3A_66, %lt3A_68 : vector<16xi32>
    %add3A_70 = arith.constant 16 : i32
    %add3A_71 = vector.broadcast %add3A_70 : i32 to vector<16xi32>
    %add3A_72 = arith.addi %xor3A_66, %add3A_71 : vector<16xi32>
    %select_n3A_73 = arith.select %lt3A_69, %add3A_72, %xor3A_66 : vector<16xi1>, vector<16xi32>
    %broadcast_in_dim3A_74 = vector.shape_cast %select_n3A_73 : vector<16xi32> to vector<16x1xi32>
    %gather3A_75 = vector.shape_cast %broadcast_in_dim3A_74 : vector<16x1xi32> to vector<16xi32>
    %gather3A_76 = tpu.dynamic_gather %max3A_62[%gather3A_75] in [0] : vector<16xf32>, vector<16xi32> -> vector<16xf32>
    %max3A_77 = arith.maximumf %max3A_62, %gather3A_76 : vector<16xf32>
    %scan3A_78 = arith.constant 0 : i32
    %scan3A_79 = arith.constant 0 : i32
    %scan3A_80 = arith.constant 128 : i32
    %scan3A_81 = arith.addi %scan3A_79, %scan3A_80 : i32
    %scan3A_82 = arith.constant 1 : i32
    scf.for %scan3A_108 = %scan3A_79 to %scan3A_81 step %scan3A_82  : i32 {
      %mul3A_109 = arith.constant 16 : i32
      %mul3A_110 = arith.muli %scan3A_108, %mul3A_109 : i32
      %get3A = arith.index_cast %mul3A_110 : i32 to index
      %get3A_111 = tpu.vector_load %arg6[%get3A] {strides = array<i32>} : memref<2048xf32, #tpu.memory_space<vmem>>, vector<16xf32>,
      %get3A_112 = vector.shape_cast %get3A_111 : vector<16xf32> to vector<16xf32>
      %sub3A = arith.subf %get3A_112, %max3A_77 : vector<16xf32>
      %exp3A = math.exp %sub3A : vector<16xf32>
      %mul3A_113 = arith.constant 16 : i32
      %mul3A_114 = arith.muli %scan3A_108, %mul3A_113 : i32
      %swap3A_115 = arith.index_cast %mul3A_114 : i32 to index
      %swap3A_116 = tpu.vector_load %arg7[%swap3A_115] {strides = array<i32>} : memref<2048xf32, #tpu.memory_space<vmem>>, vector<16xf32>,
      %swap3A_117 = vector.shape_cast %swap3A_116 : vector<16xf32> to vector<16xf32>
      %swap3A_118 = vector.shape_cast %exp3A : vector<16xf32> to vector<16xf32>
      tpu.vector_store %arg7[%swap3A_115], %swap3A_118 {strides = array<i32>} : memref<2048xf32, #tpu.memory_space<vmem>>, vector<16xf32>,
    }
    %scan3A_83 = arith.constant 128 : i32
    %eq3A = arith.constant 0 : i32
    %eq3A_84 = arith.cmpi eq, %arg1, %eq3A : i32
    %convert_element_type3A = arith.extui %eq3A_84 : i1 to i32
    %cond3A = arith.constant 0 : i32
    %cond3A_85 = arith.cmpi ne, %convert_element_type3A, %cond3A : i32
    scf.if %cond3A_85 {
      %broadcast_in_dim3A_108 = arith.constant 0.000000e+00 : f32
      %broadcast_in_dim3A_109 = vector.broadcast %broadcast_in_dim3A_108 : f32 to vector<16xf32>
      %swap3A_110 = arith.constant 0 : index
      %swap3A_111 = tpu.vector_load %arg9[%swap3A_110] {strides = array<i32>} : memref<256xf32, #tpu.memory_space<vmem>>, vector<16xf32>,
      %swap3A_112 = vector.shape_cast %swap3A_111 : vector<16xf32> to vector<16xf32>
      %swap3A_113 = vector.shape_cast %broadcast_in_dim3A_109 : vector<16xf32> to vector<16xf32>
      tpu.vector_store %arg9[%swap3A_110], %swap3A_113 {strides = array<i32>} : memref<256xf32, #tpu.memory_space<vmem>>, vector<16xf32>,
      %broadcast_in_dim3A_114 = arith.constant 0.000000e+00 : f32
      %broadcast_in_dim3A_115 = vector.broadcast %broadcast_in_dim3A_114 : f32 to vector<16xf32>
      %swap3A_116 = arith.constant 16 : index
      %swap3A_117 = tpu.vector_load %arg9[%swap3A_116] {strides = array<i32>} : memref<256xf32, #tpu.memory_space<vmem>>, vector<16xf32>,
      %swap3A_118 = vector.shape_cast %swap3A_117 : vector<16xf32> to vector<16xf32>
      %swap3A_119 = vector.shape_cast %broadcast_in_dim3A_115 : vector<16xf32> to vector<16xf32>
      tpu.vector_store %arg9[%swap3A_116], %swap3A_119 {strides = array<i32>} : memref<256xf32, #tpu.memory_space<vmem>>, vector<16xf32>,
      %broadcast_in_dim3A_120 = arith.constant 0.000000e+00 : f32
      %broadcast_in_dim3A_121 = vector.broadcast %broadcast_in_dim3A_120 : f32 to vector<16xf32>
      %swap3A_122 = arith.constant 32 : index
      %swap3A_123 = tpu.vector_load %arg9[%swap3A_122] {strides = array<i32>} : memref<256xf32, #tpu.memory_space<vmem>>, vector<16xf32>,
      %swap3A_124 = vector.shape_cast %swap3A_123 : vector<16xf32> to vector<16xf32>
      %swap3A_125 = vector.shape_cast %broadcast_in_dim3A_121 : vector<16xf32> to vector<16xf32>
      tpu.vector_store %arg9[%swap3A_122], %swap3A_125 {strides = array<i32>} : memref<256xf32, #tpu.memory_space<vmem>>, vector<16xf32>,
      %broadcast_in_dim3A_126 = arith.constant 0.000000e+00 : f32
      %broadcast_in_dim3A_127 = vector.broadcast %broadcast_in_dim3A_126 : f32 to vector<16xf32>
      %swap3A_128 = arith.constant 48 : index
      %swap3A_129 = tpu.vector_load %arg9[%swap3A_128] {strides = array<i32>} : memref<256xf32, #tpu.memory_space<vmem>>, vector<16xf32>,
      %swap3A_130 = vector.shape_cast %swap3A_129 : vector<16xf32> to vector<16xf32>
      %swap3A_131 = vector.shape_cast %broadcast_in_dim3A_127 : vector<16xf32> to vector<16xf32>
      tpu.vector_store %arg9[%swap3A_128], %swap3A_131 {strides = array<i32>} : memref<256xf32, #tpu.memory_space<vmem>>, vector<16xf32>,
      %broadcast_in_dim3A_132 = arith.constant 0.000000e+00 : f32
      %broadcast_in_dim3A_133 = vector.broadcast %broadcast_in_dim3A_132 : f32 to vector<16xf32>
      %swap3A_134 = arith.constant 64 : index
      %swap3A_135 = tpu.vector_load %arg9[%swap3A_134] {strides = array<i32>} : memref<256xf32, #tpu.memory_space<vmem>>, vector<16xf32>,
      %swap3A_136 = vector.shape_cast %swap3A_135 : vector<16xf32> to vector<16xf32>
      %swap3A_137 = vector.shape_cast %broadcast_in_dim3A_133 : vector<16xf32> to vector<16xf32>
      tpu.vector_store %arg9[%swap3A_134], %swap3A_137 {strides = array<i32>} : memref<256xf32, #tpu.memory_space<vmem>>, vector<16xf32>,
      %broadcast_in_dim3A_138 = arith.constant 0.000000e+00 : f32
      %broadcast_in_dim3A_139 = vector.broadcast %broadcast_in_dim3A_138 : f32 to vector<16xf32>
      %swap3A_140 = arith.constant 80 : index
      %swap3A_141 = tpu.vector_load %arg9[%swap3A_140] {strides = array<i32>} : memref<256xf32, #tpu.memory_space<vmem>>, vector<16xf32>,
      %swap3A_142 = vector.shape_cast %swap3A_141 : vector<16xf32> to vector<16xf32>
      %swap3A_143 = vector.shape_cast %broadcast_in_dim3A_139 : vector<16xf32> to vector<16xf32>
      tpu.vector_store %arg9[%swap3A_140], %swap3A_143 {strides = array<i32>} : memref<256xf32, #tpu.memory_space<vmem>>, vector<16xf32>,
      %broadcast_in_dim3A_144 = arith.constant 0.000000e+00 : f32
      %broadcast_in_dim3A_145 = vector.broadcast %broadcast_in_dim3A_144 : f32 to vector<16xf32>
      %swap3A_146 = arith.constant 96 : index
      %swap3A_147 = tpu.vector_load %arg9[%swap3A_146] {strides = array<i32>} : memref<256xf32, #tpu.memory_space<vmem>>, vector<16xf32>,
      %swap3A_148 = vector.shape_cast %swap3A_147 : vector<16xf32> to vector<16xf32>
      %swap3A_149 = vector.shape_cast %broadcast_in_dim3A_145 : vector<16xf32> to vector<16xf32>
      tpu.vector_store %arg9[%swap3A_146], %swap3A_149 {strides = array<i32>} : memref<256xf32, #tpu.memory_space<vmem>>, vector<16xf32>,
      %broadcast_in_dim3A_150 = arith.constant 0.000000e+00 : f32
      %broadcast_in_dim3A_151 = vector.broadcast %broadcast_in_dim3A_150 : f32 to vector<16xf32>
      %swap3A_152 = arith.constant 112 : index
      %swap3A_153 = tpu.vector_load %arg9[%swap3A_152] {strides = array<i32>} : memref<256xf32, #tpu.memory_space<vmem>>, vector<16xf32>,
      %swap3A_154 = vector.shape_cast %swap3A_153 : vector<16xf32> to vector<16xf32>
      %swap3A_155 = vector.shape_cast %broadcast_in_dim3A_151 : vector<16xf32> to vector<16xf32>
      tpu.vector_store %arg9[%swap3A_152], %swap3A_155 {strides = array<i32>} : memref<256xf32, #tpu.memory_space<vmem>>, vector<16xf32>,
      %broadcast_in_dim3A_156 = arith.constant 0.000000e+00 : f32
      %broadcast_in_dim3A_157 = vector.broadcast %broadcast_in_dim3A_156 : f32 to vector<16xf32>
      %swap3A_158 = arith.constant 128 : index
      %swap3A_159 = tpu.vector_load %arg9[%swap3A_158] {strides = array<i32>} : memref<256xf32, #tpu.memory_space<vmem>>, vector<16xf32>,
      %swap3A_160 = vector.shape_cast %swap3A_159 : vector<16xf32> to vector<16xf32>
      %swap3A_161 = vector.shape_cast %broadcast_in_dim3A_157 : vector<16xf32> to vector<16xf32>
      tpu.vector_store %arg9[%swap3A_158], %swap3A_161 {strides = array<i32>} : memref<256xf32, #tpu.memory_space<vmem>>, vector<16xf32>,
      %broadcast_in_dim3A_162 = arith.constant 0.000000e+00 : f32
      %broadcast_in_dim3A_163 = vector.broadcast %broadcast_in_dim3A_162 : f32 to vector<16xf32>
      %swap3A_164 = arith.constant 144 : index
      %swap3A_165 = tpu.vector_load %arg9[%swap3A_164] {strides = array<i32>} : memref<256xf32, #tpu.memory_space<vmem>>, vector<16xf32>,
      %swap3A_166 = vector.shape_cast %swap3A_165 : vector<16xf32> to vector<16xf32>
      %swap3A_167 = vector.shape_cast %broadcast_in_dim3A_163 : vector<16xf32> to vector<16xf32>
      tpu.vector_store %arg9[%swap3A_164], %swap3A_167 {strides = array<i32>} : memref<256xf32, #tpu.memory_space<vmem>>, vector<16xf32>,
      %broadcast_in_dim3A_168 = arith.constant 0.000000e+00 : f32
      %broadcast_in_dim3A_169 = vector.broadcast %broadcast_in_dim3A_168 : f32 to vector<16xf32>
      %swap3A_170 = arith.constant 160 : index
      %swap3A_171 = tpu.vector_load %arg9[%swap3A_170] {strides = array<i32>} : memref<256xf32, #tpu.memory_space<vmem>>, vector<16xf32>,
      %swap3A_172 = vector.shape_cast %swap3A_171 : vector<16xf32> to vector<16xf32>
      %swap3A_173 = vector.shape_cast %broadcast_in_dim3A_169 : vector<16xf32> to vector<16xf32>
      tpu.vector_store %arg9[%swap3A_170], %swap3A_173 {strides = array<i32>} : memref<256xf32, #tpu.memory_space<vmem>>, vector<16xf32>,
      %broadcast_in_dim3A_174 = arith.constant 0.000000e+00 : f32
      %broadcast_in_dim3A_175 = vector.broadcast %broadcast_in_dim3A_174 : f32 to vector<16xf32>
      %swap3A_176 = arith.constant 176 : index
      %swap3A_177 = tpu.vector_load %arg9[%swap3A_176] {strides = array<i32>} : memref<256xf32, #tpu.memory_space<vmem>>, vector<16xf32>,
      %swap3A_178 = vector.shape_cast %swap3A_177 : vector<16xf32> to vector<16xf32>
      %swap3A_179 = vector.shape_cast %broadcast_in_dim3A_175 : vector<16xf32> to vector<16xf32>
      tpu.vector_store %arg9[%swap3A_176], %swap3A_179 {strides = array<i32>} : memref<256xf32, #tpu.memory_space<vmem>>, vector<16xf32>,
      %broadcast_in_dim3A_180 = arith.constant 0.000000e+00 : f32
      %broadcast_in_dim3A_181 = vector.broadcast %broadcast_in_dim3A_180 : f32 to vector<16xf32>
      %swap3A_182 = arith.constant 192 : index
      %swap3A_183 = tpu.vector_load %arg9[%swap3A_182] {strides = array<i32>} : memref<256xf32, #tpu.memory_space<vmem>>, vector<16xf32>,
      %swap3A_184 = vector.shape_cast %swap3A_183 : vector<16xf32> to vector<16xf32>
      %swap3A_185 = vector.shape_cast %broadcast_in_dim3A_181 : vector<16xf32> to vector<16xf32>
      tpu.vector_store %arg9[%swap3A_182], %swap3A_185 {strides = array<i32>} : memref<256xf32, #tpu.memory_space<vmem>>, vector<16xf32>,
      %broadcast_in_dim3A_186 = arith.constant 0.000000e+00 : f32
      %broadcast_in_dim3A_187 = vector.broadcast %broadcast_in_dim3A_186 : f32 to vector<16xf32>
      %swap3A_188 = arith.constant 208 : index
      %swap3A_189 = tpu.vector_load %arg9[%swap3A_188] {strides = array<i32>} : memref<256xf32, #tpu.memory_space<vmem>>, vector<16xf32>,
      %swap3A_190 = vector.shape_cast %swap3A_189 : vector<16xf32> to vector<16xf32>
      %swap3A_191 = vector.shape_cast %broadcast_in_dim3A_187 : vector<16xf32> to vector<16xf32>
      tpu.vector_store %arg9[%swap3A_188], %swap3A_191 {strides = array<i32>} : memref<256xf32, #tpu.memory_space<vmem>>, vector<16xf32>,
      %broadcast_in_dim3A_192 = arith.constant 0.000000e+00 : f32
      %broadcast_in_dim3A_193 = vector.broadcast %broadcast_in_dim3A_192 : f32 to vector<16xf32>
      %swap3A_194 = arith.constant 224 : index
      %swap3A_195 = tpu.vector_load %arg9[%swap3A_194] {strides = array<i32>} : memref<256xf32, #tpu.memory_space<vmem>>, vector<16xf32>,
      %swap3A_196 = vector.shape_cast %swap3A_195 : vector<16xf32> to vector<16xf32>
      %swap3A_197 = vector.shape_cast %broadcast_in_dim3A_193 : vector<16xf32> to vector<16xf32>
      tpu.vector_store %arg9[%swap3A_194], %swap3A_197 {strides = array<i32>} : memref<256xf32, #tpu.memory_space<vmem>>, vector<16xf32>,
      %broadcast_in_dim3A_198 = arith.constant 0.000000e+00 : f32
      %broadcast_in_dim3A_199 = vector.broadcast %broadcast_in_dim3A_198 : f32 to vector<16xf32>
      %swap3A_200 = arith.constant 240 : index
      %swap3A_201 = tpu.vector_load %arg9[%swap3A_200] {strides = array<i32>} : memref<256xf32, #tpu.memory_space<vmem>>, vector<16xf32>,
      %swap3A_202 = vector.shape_cast %swap3A_201 : vector<16xf32> to vector<16xf32>
      %swap3A_203 = vector.shape_cast %broadcast_in_dim3A_199 : vector<16xf32> to vector<16xf32>
      tpu.vector_store %arg9[%swap3A_200], %swap3A_203 {strides = array<i32>} : memref<256xf32, #tpu.memory_space<vmem>>, vector<16xf32>,
      "tpu.region"() ({
        %run_scoped3A_204 = tpu.sem_alloc : memref<!tpu.dma_semaphore, #tpu.memory_space<semaphore_mem>>
        tpu.enqueue_dma source(%arg9 : memref<256xf32, #tpu.memory_space<vmem>>) target(%arg13 : memref<256xf32, #tpu.memory_space<vmem_shared>>) target_semaphore(%run_scoped3A_204 : memref<!tpu.dma_semaphore, #tpu.memory_space<semaphore_mem>>)
        tpu.wait_dma2 semaphore(%run_scoped3A_204 : memref<!tpu.dma_semaphore, #tpu.memory_space<semaphore_mem>>) src(%arg9 : memref<256xf32, #tpu.memory_space<vmem>>) dst(%arg13 : memref<256xf32, #tpu.memory_space<vmem_shared>>)
        tpu.yield
      }) : () -> ()
    } else {
    }
    %barrier3A_86 = arith.constant 0 : index
    tpu.barrier barrier_id(%barrier3A_86)
    %run_scoped3A = arith.constant 0 : i32
    "tpu.region"() ({
      %run_scoped3A_108 = tpu.sem_alloc : memref<!tpu.dma_semaphore, #tpu.memory_space<semaphore_mem>>
      %dma_start3A = arith.constant 0 : i32
      %dma_start3A_109 = tpu.memref_slice %arg7[%dma_start3A] : memref<2048xf32, #tpu.memory_space<vmem>> -> memref<128xf32, #tpu.memory_space<vmem>>
      %dma_start3A_110 = arith.constant 0 : i32
      %dma_start3A_111 = tpu.memref_slice %arg8[%run_scoped3A, %dma_start3A_110] : memref<16x128xi32, #tpu.memory_space<vmem>> -> memref<1x128xi32, #tpu.memory_space<vmem>>
      %dma_start3A_112 = tpu.memref_squeeze %dma_start3A_111 : memref<1x128xi32, #tpu.memory_space<vmem>> -> memref<128xi32, #tpu.memory_space<vmem>>
      %dma_start3A_113 = arith.constant 0 : i32
      %dma_start3A_114 = tpu.memref_slice %arg13[%dma_start3A_113] : memref<256xf32, #tpu.memory_space<vmem_shared>> -> memref<256xf32, #tpu.memory_space<vmem_shared>>
      tpu.enqueue_indirect_dma source(%dma_start3A_109 : memref<128xf32, #tpu.memory_space<vmem>>) target(%dma_start3A_114 : memref<256xf32, #tpu.memory_space<vmem_shared>>) offsets(%dma_start3A_112 : memref<128xi32, #tpu.memory_space<vmem>>) semaphore(%run_scoped3A_108 : memref<!tpu.dma_semaphore, #tpu.memory_space<semaphore_mem>>) {add = true}
      %dma_wait3A = arith.constant 0 : i32
      %dma_wait3A_115 = tpu.memref_slice %arg7[%dma_wait3A] : memref<2048xf32, #tpu.memory_space<vmem>> -> memref<128xf32, #tpu.memory_space<vmem>>
      %dma_wait3A_116 = arith.constant 0 : i32
      %dma_wait3A_117 = tpu.memref_slice %arg8[%run_scoped3A, %dma_wait3A_116] : memref<16x128xi32, #tpu.memory_space<vmem>> -> memref<1x128xi32, #tpu.memory_space<vmem>>
      %dma_wait3A_118 = tpu.memref_squeeze %dma_wait3A_117 : memref<1x128xi32, #tpu.memory_space<vmem>> -> memref<128xi32, #tpu.memory_space<vmem>>
      %dma_wait3A_119 = arith.constant 0 : i32
      %dma_wait3A_120 = tpu.memref_slice %arg13[%dma_wait3A_119] : memref<256xf32, #tpu.memory_space<vmem_shared>> -> memref<256xf32, #tpu.memory_space<vmem_shared>>
      tpu.wait_indirect_dma semaphore(%run_scoped3A_108 : memref<!tpu.dma_semaphore, #tpu.memory_space<semaphore_mem>>) src(%dma_wait3A_115 : memref<128xf32, #tpu.memory_space<vmem>>) dst(%dma_wait3A_120 : memref<256xf32, #tpu.memory_space<vmem_shared>>)
      tpu.yield
    }) : () -> ()
    %run_scoped3A_87 = arith.constant 1 : i32
    "tpu.region"() ({
      %run_scoped3A_108 = tpu.sem_alloc : memref<!tpu.dma_semaphore, #tpu.memory_space<semaphore_mem>>
      %dma_start3A = arith.constant 128 : i32
      %dma_start3A_109 = tpu.memref_slice %arg7[%dma_start3A] : memref<2048xf32, #tpu.memory_space<vmem>> -> memref<128xf32, #tpu.memory_space<vmem>>
      %dma_start3A_110 = arith.constant 0 : i32
      %dma_start3A_111 = tpu.memref_slice %arg8[%run_scoped3A_87, %dma_start3A_110] : memref<16x128xi32, #tpu.memory_space<vmem>> -> memref<1x128xi32, #tpu.memory_space<vmem>>
      %dma_start3A_112 = tpu.memref_squeeze %dma_start3A_111 : memref<1x128xi32, #tpu.memory_space<vmem>> -> memref<128xi32, #tpu.memory_space<vmem>>
      %dma_start3A_113 = arith.constant 0 : i32
      %dma_start3A_114 = tpu.memref_slice %arg13[%dma_start3A_113] : memref<256xf32, #tpu.memory_space<vmem_shared>> -> memref<256xf32, #tpu.memory_space<vmem_shared>>
      tpu.enqueue_indirect_dma source(%dma_start3A_109 : memref<128xf32, #tpu.memory_space<vmem>>) target(%dma_start3A_114 : memref<256xf32, #tpu.memory_space<vmem_shared>>) offsets(%dma_start3A_112 : memref<128xi32, #tpu.memory_space<vmem>>) semaphore(%run_scoped3A_108 : memref<!tpu.dma_semaphore, #tpu.memory_space<semaphore_mem>>) {add = true}
      %dma_wait3A = arith.constant 128 : i32
      %dma_wait3A_115 = tpu.memref_slice %arg7[%dma_wait3A] : memref<2048xf32, #tpu.memory_space<vmem>> -> memref<128xf32, #tpu.memory_space<vmem>>
      %dma_wait3A_116 = arith.constant 0 : i32
      %dma_wait3A_117 = tpu.memref_slice %arg8[%run_scoped3A_87, %dma_wait3A_116] : memref<16x128xi32, #tpu.memory_space<vmem>> -> memref<1x128xi32, #tpu.memory_space<vmem>>
      %dma_wait3A_118 = tpu.memref_squeeze %dma_wait3A_117 : memref<1x128xi32, #tpu.memory_space<vmem>> -> memref<128xi32, #tpu.memory_space<vmem>>
      %dma_wait3A_119 = arith.constant 0 : i32
      %dma_wait3A_120 = tpu.memref_slice %arg13[%dma_wait3A_119] : memref<256xf32, #tpu.memory_space<vmem_shared>> -> memref<256xf32, #tpu.memory_space<vmem_shared>>
      tpu.wait_indirect_dma semaphore(%run_scoped3A_108 : memref<!tpu.dma_semaphore, #tpu.memory_space<semaphore_mem>>) src(%dma_wait3A_115 : memref<128xf32, #tpu.memory_space<vmem>>) dst(%dma_wait3A_120 : memref<256xf32, #tpu.memory_space<vmem_shared>>)
      tpu.yield
    }) : () -> ()
    %run_scoped3A_88 = arith.constant 2 : i32
    "tpu.region"() ({
      %run_scoped3A_108 = tpu.sem_alloc : memref<!tpu.dma_semaphore, #tpu.memory_space<semaphore_mem>>
      %dma_start3A = arith.constant 256 : i32
      %dma_start3A_109 = tpu.memref_slice %arg7[%dma_start3A] : memref<2048xf32, #tpu.memory_space<vmem>> -> memref<128xf32, #tpu.memory_space<vmem>>
      %dma_start3A_110 = arith.constant 0 : i32
      %dma_start3A_111 = tpu.memref_slice %arg8[%run_scoped3A_88, %dma_start3A_110] : memref<16x128xi32, #tpu.memory_space<vmem>> -> memref<1x128xi32, #tpu.memory_space<vmem>>
      %dma_start3A_112 = tpu.memref_squeeze %dma_start3A_111 : memref<1x128xi32, #tpu.memory_space<vmem>> -> memref<128xi32, #tpu.memory_space<vmem>>
      %dma_start3A_113 = arith.constant 0 : i32
      %dma_start3A_114 = tpu.memref_slice %arg13[%dma_start3A_113] : memref<256xf32, #tpu.memory_space<vmem_shared>> -> memref<256xf32, #tpu.memory_space<vmem_shared>>
      tpu.enqueue_indirect_dma source(%dma_start3A_109 : memref<128xf32, #tpu.memory_space<vmem>>) target(%dma_start3A_114 : memref<256xf32, #tpu.memory_space<vmem_shared>>) offsets(%dma_start3A_112 : memref<128xi32, #tpu.memory_space<vmem>>) semaphore(%run_scoped3A_108 : memref<!tpu.dma_semaphore, #tpu.memory_space<semaphore_mem>>) {add = true}
      %dma_wait3A = arith.constant 256 : i32
      %dma_wait3A_115 = tpu.memref_slice %arg7[%dma_wait3A] : memref<2048xf32, #tpu.memory_space<vmem>> -> memref<128xf32, #tpu.memory_space<vmem>>
      %dma_wait3A_116 = arith.constant 0 : i32
      %dma_wait3A_117 = tpu.memref_slice %arg8[%run_scoped3A_88, %dma_wait3A_116] : memref<16x128xi32, #tpu.memory_space<vmem>> -> memref<1x128xi32, #tpu.memory_space<vmem>>
      %dma_wait3A_118 = tpu.memref_squeeze %dma_wait3A_117 : memref<1x128xi32, #tpu.memory_space<vmem>> -> memref<128xi32, #tpu.memory_space<vmem>>
      %dma_wait3A_119 = arith.constant 0 : i32
      %dma_wait3A_120 = tpu.memref_slice %arg13[%dma_wait3A_119] : memref<256xf32, #tpu.memory_space<vmem_shared>> -> memref<256xf32, #tpu.memory_space<vmem_shared>>
      tpu.wait_indirect_dma semaphore(%run_scoped3A_108 : memref<!tpu.dma_semaphore, #tpu.memory_space<semaphore_mem>>) src(%dma_wait3A_115 : memref<128xf32, #tpu.memory_space<vmem>>) dst(%dma_wait3A_120 : memref<256xf32, #tpu.memory_space<vmem_shared>>)
      tpu.yield
    }) : () -> ()
    %run_scoped3A_89 = arith.constant 3 : i32
    "tpu.region"() ({
      %run_scoped3A_108 = tpu.sem_alloc : memref<!tpu.dma_semaphore, #tpu.memory_space<semaphore_mem>>
      %dma_start3A = arith.constant 384 : i32
      %dma_start3A_109 = tpu.memref_slice %arg7[%dma_start3A] : memref<2048xf32, #tpu.memory_space<vmem>> -> memref<128xf32, #tpu.memory_space<vmem>>
      %dma_start3A_110 = arith.constant 0 : i32
      %dma_start3A_111 = tpu.memref_slice %arg8[%run_scoped3A_89, %dma_start3A_110] : memref<16x128xi32, #tpu.memory_space<vmem>> -> memref<1x128xi32, #tpu.memory_space<vmem>>
      %dma_start3A_112 = tpu.memref_squeeze %dma_start3A_111 : memref<1x128xi32, #tpu.memory_space<vmem>> -> memref<128xi32, #tpu.memory_space<vmem>>
      %dma_start3A_113 = arith.constant 0 : i32
      %dma_start3A_114 = tpu.memref_slice %arg13[%dma_start3A_113] : memref<256xf32, #tpu.memory_space<vmem_shared>> -> memref<256xf32, #tpu.memory_space<vmem_shared>>
      tpu.enqueue_indirect_dma source(%dma_start3A_109 : memref<128xf32, #tpu.memory_space<vmem>>) target(%dma_start3A_114 : memref<256xf32, #tpu.memory_space<vmem_shared>>) offsets(%dma_start3A_112 : memref<128xi32, #tpu.memory_space<vmem>>) semaphore(%run_scoped3A_108 : memref<!tpu.dma_semaphore, #tpu.memory_space<semaphore_mem>>) {add = true}
      %dma_wait3A = arith.constant 384 : i32
      %dma_wait3A_115 = tpu.memref_slice %arg7[%dma_wait3A] : memref<2048xf32, #tpu.memory_space<vmem>> -> memref<128xf32, #tpu.memory_space<vmem>>
      %dma_wait3A_116 = arith.constant 0 : i32
      %dma_wait3A_117 = tpu.memref_slice %arg8[%run_scoped3A_89, %dma_wait3A_116] : memref<16x128xi32, #tpu.memory_space<vmem>> -> memref<1x128xi32, #tpu.memory_space<vmem>>
      %dma_wait3A_118 = tpu.memref_squeeze %dma_wait3A_117 : memref<1x128xi32, #tpu.memory_space<vmem>> -> memref<128xi32, #tpu.memory_space<vmem>>
      %dma_wait3A_119 = arith.constant 0 : i32
      %dma_wait3A_120 = tpu.memref_slice %arg13[%dma_wait3A_119] : memref<256xf32, #tpu.memory_space<vmem_shared>> -> memref<256xf32, #tpu.memory_space<vmem_shared>>
      tpu.wait_indirect_dma semaphore(%run_scoped3A_108 : memref<!tpu.dma_semaphore, #tpu.memory_space<semaphore_mem>>) src(%dma_wait3A_115 : memref<128xf32, #tpu.memory_space<vmem>>) dst(%dma_wait3A_120 : memref<256xf32, #tpu.memory_space<vmem_shared>>)
      tpu.yield
    }) : () -> ()
    %run_scoped3A_90 = arith.constant 4 : i32
    "tpu.region"() ({
      %run_scoped3A_108 = tpu.sem_alloc : memref<!tpu.dma_semaphore, #tpu.memory_space<semaphore_mem>>
      %dma_start3A = arith.constant 512 : i32
      %dma_start3A_109 = tpu.memref_slice %arg7[%dma_start3A] : memref<2048xf32, #tpu.memory_space<vmem>> -> memref<128xf32, #tpu.memory_space<vmem>>
      %dma_start3A_110 = arith.constant 0 : i32
      %dma_start3A_111 = tpu.memref_slice %arg8[%run_scoped3A_90, %dma_start3A_110] : memref<16x128xi32, #tpu.memory_space<vmem>> -> memref<1x128xi32, #tpu.memory_space<vmem>>
      %dma_start3A_112 = tpu.memref_squeeze %dma_start3A_111 : memref<1x128xi32, #tpu.memory_space<vmem>> -> memref<128xi32, #tpu.memory_space<vmem>>
      %dma_start3A_113 = arith.constant 0 : i32
      %dma_start3A_114 = tpu.memref_slice %arg13[%dma_start3A_113] : memref<256xf32, #tpu.memory_space<vmem_shared>> -> memref<256xf32, #tpu.memory_space<vmem_shared>>
      tpu.enqueue_indirect_dma source(%dma_start3A_109 : memref<128xf32, #tpu.memory_space<vmem>>) target(%dma_start3A_114 : memref<256xf32, #tpu.memory_space<vmem_shared>>) offsets(%dma_start3A_112 : memref<128xi32, #tpu.memory_space<vmem>>) semaphore(%run_scoped3A_108 : memref<!tpu.dma_semaphore, #tpu.memory_space<semaphore_mem>>) {add = true}
      %dma_wait3A = arith.constant 512 : i32
      %dma_wait3A_115 = tpu.memref_slice %arg7[%dma_wait3A] : memref<2048xf32, #tpu.memory_space<vmem>> -> memref<128xf32, #tpu.memory_space<vmem>>
      %dma_wait3A_116 = arith.constant 0 : i32
      %dma_wait3A_117 = tpu.memref_slice %arg8[%run_scoped3A_90, %dma_wait3A_116] : memref<16x128xi32, #tpu.memory_space<vmem>> -> memref<1x128xi32, #tpu.memory_space<vmem>>
      %dma_wait3A_118 = tpu.memref_squeeze %dma_wait3A_117 : memref<1x128xi32, #tpu.memory_space<vmem>> -> memref<128xi32, #tpu.memory_space<vmem>>
      %dma_wait3A_119 = arith.constant 0 : i32
      %dma_wait3A_120 = tpu.memref_slice %arg13[%dma_wait3A_119] : memref<256xf32, #tpu.memory_space<vmem_shared>> -> memref<256xf32, #tpu.memory_space<vmem_shared>>
      tpu.wait_indirect_dma semaphore(%run_scoped3A_108 : memref<!tpu.dma_semaphore, #tpu.memory_space<semaphore_mem>>) src(%dma_wait3A_115 : memref<128xf32, #tpu.memory_space<vmem>>) dst(%dma_wait3A_120 : memref<256xf32, #tpu.memory_space<vmem_shared>>)
      tpu.yield
    }) : () -> ()
    %run_scoped3A_91 = arith.constant 5 : i32
    "tpu.region"() ({
      %run_scoped3A_108 = tpu.sem_alloc : memref<!tpu.dma_semaphore, #tpu.memory_space<semaphore_mem>>
      %dma_start3A = arith.constant 640 : i32
      %dma_start3A_109 = tpu.memref_slice %arg7[%dma_start3A] : memref<2048xf32, #tpu.memory_space<vmem>> -> memref<128xf32, #tpu.memory_space<vmem>>
      %dma_start3A_110 = arith.constant 0 : i32
      %dma_start3A_111 = tpu.memref_slice %arg8[%run_scoped3A_91, %dma_start3A_110] : memref<16x128xi32, #tpu.memory_space<vmem>> -> memref<1x128xi32, #tpu.memory_space<vmem>>
      %dma_start3A_112 = tpu.memref_squeeze %dma_start3A_111 : memref<1x128xi32, #tpu.memory_space<vmem>> -> memref<128xi32, #tpu.memory_space<vmem>>
      %dma_start3A_113 = arith.constant 0 : i32
      %dma_start3A_114 = tpu.memref_slice %arg13[%dma_start3A_113] : memref<256xf32, #tpu.memory_space<vmem_shared>> -> memref<256xf32, #tpu.memory_space<vmem_shared>>
      tpu.enqueue_indirect_dma source(%dma_start3A_109 : memref<128xf32, #tpu.memory_space<vmem>>) target(%dma_start3A_114 : memref<256xf32, #tpu.memory_space<vmem_shared>>) offsets(%dma_start3A_112 : memref<128xi32, #tpu.memory_space<vmem>>) semaphore(%run_scoped3A_108 : memref<!tpu.dma_semaphore, #tpu.memory_space<semaphore_mem>>) {add = true}
      %dma_wait3A = arith.constant 640 : i32
      %dma_wait3A_115 = tpu.memref_slice %arg7[%dma_wait3A] : memref<2048xf32, #tpu.memory_space<vmem>> -> memref<128xf32, #tpu.memory_space<vmem>>
      %dma_wait3A_116 = arith.constant 0 : i32
      %dma_wait3A_117 = tpu.memref_slice %arg8[%run_scoped3A_91, %dma_wait3A_116] : memref<16x128xi32, #tpu.memory_space<vmem>> -> memref<1x128xi32, #tpu.memory_space<vmem>>
      %dma_wait3A_118 = tpu.memref_squeeze %dma_wait3A_117 : memref<1x128xi32, #tpu.memory_space<vmem>> -> memref<128xi32, #tpu.memory_space<vmem>>
      %dma_wait3A_119 = arith.constant 0 : i32
      %dma_wait3A_120 = tpu.memref_slice %arg13[%dma_wait3A_119] : memref<256xf32, #tpu.memory_space<vmem_shared>> -> memref<256xf32, #tpu.memory_space<vmem_shared>>
      tpu.wait_indirect_dma semaphore(%run_scoped3A_108 : memref<!tpu.dma_semaphore, #tpu.memory_space<semaphore_mem>>) src(%dma_wait3A_115 : memref<128xf32, #tpu.memory_space<vmem>>) dst(%dma_wait3A_120 : memref<256xf32, #tpu.memory_space<vmem_shared>>)
      tpu.yield
    }) : () -> ()
    %run_scoped3A_92 = arith.constant 6 : i32
    "tpu.region"() ({
      %run_scoped3A_108 = tpu.sem_alloc : memref<!tpu.dma_semaphore, #tpu.memory_space<semaphore_mem>>
      %dma_start3A = arith.constant 768 : i32
      %dma_start3A_109 = tpu.memref_slice %arg7[%dma_start3A] : memref<2048xf32, #tpu.memory_space<vmem>> -> memref<128xf32, #tpu.memory_space<vmem>>
      %dma_start3A_110 = arith.constant 0 : i32
      %dma_start3A_111 = tpu.memref_slice %arg8[%run_scoped3A_92, %dma_start3A_110] : memref<16x128xi32, #tpu.memory_space<vmem>> -> memref<1x128xi32, #tpu.memory_space<vmem>>
      %dma_start3A_112 = tpu.memref_squeeze %dma_start3A_111 : memref<1x128xi32, #tpu.memory_space<vmem>> -> memref<128xi32, #tpu.memory_space<vmem>>
      %dma_start3A_113 = arith.constant 0 : i32
      %dma_start3A_114 = tpu.memref_slice %arg13[%dma_start3A_113] : memref<256xf32, #tpu.memory_space<vmem_shared>> -> memref<256xf32, #tpu.memory_space<vmem_shared>>
      tpu.enqueue_indirect_dma source(%dma_start3A_109 : memref<128xf32, #tpu.memory_space<vmem>>) target(%dma_start3A_114 : memref<256xf32, #tpu.memory_space<vmem_shared>>) offsets(%dma_start3A_112 : memref<128xi32, #tpu.memory_space<vmem>>) semaphore(%run_scoped3A_108 : memref<!tpu.dma_semaphore, #tpu.memory_space<semaphore_mem>>) {add = true}
      %dma_wait3A = arith.constant 768 : i32
      %dma_wait3A_115 = tpu.memref_slice %arg7[%dma_wait3A] : memref<2048xf32, #tpu.memory_space<vmem>> -> memref<128xf32, #tpu.memory_space<vmem>>
      %dma_wait3A_116 = arith.constant 0 : i32
      %dma_wait3A_117 = tpu.memref_slice %arg8[%run_scoped3A_92, %dma_wait3A_116] : memref<16x128xi32, #tpu.memory_space<vmem>> -> memref<1x128xi32, #tpu.memory_space<vmem>>
      %dma_wait3A_118 = tpu.memref_squeeze %dma_wait3A_117 : memref<1x128xi32, #tpu.memory_space<vmem>> -> memref<128xi32, #tpu.memory_space<vmem>>
      %dma_wait3A_119 = arith.constant 0 : i32
      %dma_wait3A_120 = tpu.memref_slice %arg13[%dma_wait3A_119] : memref<256xf32, #tpu.memory_space<vmem_shared>> -> memref<256xf32, #tpu.memory_space<vmem_shared>>
      tpu.wait_indirect_dma semaphore(%run_scoped3A_108 : memref<!tpu.dma_semaphore, #tpu.memory_space<semaphore_mem>>) src(%dma_wait3A_115 : memref<128xf32, #tpu.memory_space<vmem>>) dst(%dma_wait3A_120 : memref<256xf32, #tpu.memory_space<vmem_shared>>)
      tpu.yield
    }) : () -> ()
    %run_scoped3A_93 = arith.constant 7 : i32
    "tpu.region"() ({
      %run_scoped3A_108 = tpu.sem_alloc : memref<!tpu.dma_semaphore, #tpu.memory_space<semaphore_mem>>
      %dma_start3A = arith.constant 896 : i32
      %dma_start3A_109 = tpu.memref_slice %arg7[%dma_start3A] : memref<2048xf32, #tpu.memory_space<vmem>> -> memref<128xf32, #tpu.memory_space<vmem>>
      %dma_start3A_110 = arith.constant 0 : i32
      %dma_start3A_111 = tpu.memref_slice %arg8[%run_scoped3A_93, %dma_start3A_110] : memref<16x128xi32, #tpu.memory_space<vmem>> -> memref<1x128xi32, #tpu.memory_space<vmem>>
      %dma_start3A_112 = tpu.memref_squeeze %dma_start3A_111 : memref<1x128xi32, #tpu.memory_space<vmem>> -> memref<128xi32, #tpu.memory_space<vmem>>
      %dma_start3A_113 = arith.constant 0 : i32
      %dma_start3A_114 = tpu.memref_slice %arg13[%dma_start3A_113] : memref<256xf32, #tpu.memory_space<vmem_shared>> -> memref<256xf32, #tpu.memory_space<vmem_shared>>
      tpu.enqueue_indirect_dma source(%dma_start3A_109 : memref<128xf32, #tpu.memory_space<vmem>>) target(%dma_start3A_114 : memref<256xf32, #tpu.memory_space<vmem_shared>>) offsets(%dma_start3A_112 : memref<128xi32, #tpu.memory_space<vmem>>) semaphore(%run_scoped3A_108 : memref<!tpu.dma_semaphore, #tpu.memory_space<semaphore_mem>>) {add = true}
      %dma_wait3A = arith.constant 896 : i32
      %dma_wait3A_115 = tpu.memref_slice %arg7[%dma_wait3A] : memref<2048xf32, #tpu.memory_space<vmem>> -> memref<128xf32, #tpu.memory_space<vmem>>
      %dma_wait3A_116 = arith.constant 0 : i32
      %dma_wait3A_117 = tpu.memref_slice %arg8[%run_scoped3A_93, %dma_wait3A_116] : memref<16x128xi32, #tpu.memory_space<vmem>> -> memref<1x128xi32, #tpu.memory_space<vmem>>
      %dma_wait3A_118 = tpu.memref_squeeze %dma_wait3A_117 : memref<1x128xi32, #tpu.memory_space<vmem>> -> memref<128xi32, #tpu.memory_space<vmem>>
      %dma_wait3A_119 = arith.constant 0 : i32
      %dma_wait3A_120 = tpu.memref_slice %arg13[%dma_wait3A_119] : memref<256xf32, #tpu.memory_space<vmem_shared>> -> memref<256xf32, #tpu.memory_space<vmem_shared>>
      tpu.wait_indirect_dma semaphore(%run_scoped3A_108 : memref<!tpu.dma_semaphore, #tpu.memory_space<semaphore_mem>>) src(%dma_wait3A_115 : memref<128xf32, #tpu.memory_space<vmem>>) dst(%dma_wait3A_120 : memref<256xf32, #tpu.memory_space<vmem_shared>>)
      tpu.yield
    }) : () -> ()
    %run_scoped3A_94 = arith.constant 8 : i32
    "tpu.region"() ({
      %run_scoped3A_108 = tpu.sem_alloc : memref<!tpu.dma_semaphore, #tpu.memory_space<semaphore_mem>>
      %dma_start3A = arith.constant 1024 : i32
      %dma_start3A_109 = tpu.memref_slice %arg7[%dma_start3A] : memref<2048xf32, #tpu.memory_space<vmem>> -> memref<128xf32, #tpu.memory_space<vmem>>
      %dma_start3A_110 = arith.constant 0 : i32
      %dma_start3A_111 = tpu.memref_slice %arg8[%run_scoped3A_94, %dma_start3A_110] : memref<16x128xi32, #tpu.memory_space<vmem>> -> memref<1x128xi32, #tpu.memory_space<vmem>>
      %dma_start3A_112 = tpu.memref_squeeze %dma_start3A_111 : memref<1x128xi32, #tpu.memory_space<vmem>> -> memref<128xi32, #tpu.memory_space<vmem>>
      %dma_start3A_113 = arith.constant 0 : i32
      %dma_start3A_114 = tpu.memref_slice %arg13[%dma_start3A_113] : memref<256xf32, #tpu.memory_space<vmem_shared>> -> memref<256xf32, #tpu.memory_space<vmem_shared>>
      tpu.enqueue_indirect_dma source(%dma_start3A_109 : memref<128xf32, #tpu.memory_space<vmem>>) target(%dma_start3A_114 : memref<256xf32, #tpu.memory_space<vmem_shared>>) offsets(%dma_start3A_112 : memref<128xi32, #tpu.memory_space<vmem>>) semaphore(%run_scoped3A_108 : memref<!tpu.dma_semaphore, #tpu.memory_space<semaphore_mem>>) {add = true}
      %dma_wait3A = arith.constant 1024 : i32
      %dma_wait3A_115 = tpu.memref_slice %arg7[%dma_wait3A] : memref<2048xf32, #tpu.memory_space<vmem>> -> memref<128xf32, #tpu.memory_space<vmem>>
      %dma_wait3A_116 = arith.constant 0 : i32
      %dma_wait3A_117 = tpu.memref_slice %arg8[%run_scoped3A_94, %dma_wait3A_116] : memref<16x128xi32, #tpu.memory_space<vmem>> -> memref<1x128xi32, #tpu.memory_space<vmem>>
      %dma_wait3A_118 = tpu.memref_squeeze %dma_wait3A_117 : memref<1x128xi32, #tpu.memory_space<vmem>> -> memref<128xi32, #tpu.memory_space<vmem>>
      %dma_wait3A_119 = arith.constant 0 : i32
      %dma_wait3A_120 = tpu.memref_slice %arg13[%dma_wait3A_119] : memref<256xf32, #tpu.memory_space<vmem_shared>> -> memref<256xf32, #tpu.memory_space<vmem_shared>>
      tpu.wait_indirect_dma semaphore(%run_scoped3A_108 : memref<!tpu.dma_semaphore, #tpu.memory_space<semaphore_mem>>) src(%dma_wait3A_115 : memref<128xf32, #tpu.memory_space<vmem>>) dst(%dma_wait3A_120 : memref<256xf32, #tpu.memory_space<vmem_shared>>)
      tpu.yield
    }) : () -> ()
    %run_scoped3A_95 = arith.constant 9 : i32
    "tpu.region"() ({
      %run_scoped3A_108 = tpu.sem_alloc : memref<!tpu.dma_semaphore, #tpu.memory_space<semaphore_mem>>
      %dma_start3A = arith.constant 1152 : i32
      %dma_start3A_109 = tpu.memref_slice %arg7[%dma_start3A] : memref<2048xf32, #tpu.memory_space<vmem>> -> memref<128xf32, #tpu.memory_space<vmem>>
      %dma_start3A_110 = arith.constant 0 : i32
      %dma_start3A_111 = tpu.memref_slice %arg8[%run_scoped3A_95, %dma_start3A_110] : memref<16x128xi32, #tpu.memory_space<vmem>> -> memref<1x128xi32, #tpu.memory_space<vmem>>
      %dma_start3A_112 = tpu.memref_squeeze %dma_start3A_111 : memref<1x128xi32, #tpu.memory_space<vmem>> -> memref<128xi32, #tpu.memory_space<vmem>>
      %dma_start3A_113 = arith.constant 0 : i32
      %dma_start3A_114 = tpu.memref_slice %arg13[%dma_start3A_113] : memref<256xf32, #tpu.memory_space<vmem_shared>> -> memref<256xf32, #tpu.memory_space<vmem_shared>>
      tpu.enqueue_indirect_dma source(%dma_start3A_109 : memref<128xf32, #tpu.memory_space<vmem>>) target(%dma_start3A_114 : memref<256xf32, #tpu.memory_space<vmem_shared>>) offsets(%dma_start3A_112 : memref<128xi32, #tpu.memory_space<vmem>>) semaphore(%run_scoped3A_108 : memref<!tpu.dma_semaphore, #tpu.memory_space<semaphore_mem>>) {add = true}
      %dma_wait3A = arith.constant 1152 : i32
      %dma_wait3A_115 = tpu.memref_slice %arg7[%dma_wait3A] : memref<2048xf32, #tpu.memory_space<vmem>> -> memref<128xf32, #tpu.memory_space<vmem>>
      %dma_wait3A_116 = arith.constant 0 : i32
      %dma_wait3A_117 = tpu.memref_slice %arg8[%run_scoped3A_95, %dma_wait3A_116] : memref<16x128xi32, #tpu.memory_space<vmem>> -> memref<1x128xi32, #tpu.memory_space<vmem>>
      %dma_wait3A_118 = tpu.memref_squeeze %dma_wait3A_117 : memref<1x128xi32, #tpu.memory_space<vmem>> -> memref<128xi32, #tpu.memory_space<vmem>>
      %dma_wait3A_119 = arith.constant 0 : i32
      %dma_wait3A_120 = tpu.memref_slice %arg13[%dma_wait3A_119] : memref<256xf32, #tpu.memory_space<vmem_shared>> -> memref<256xf32, #tpu.memory_space<vmem_shared>>
      tpu.wait_indirect_dma semaphore(%run_scoped3A_108 : memref<!tpu.dma_semaphore, #tpu.memory_space<semaphore_mem>>) src(%dma_wait3A_115 : memref<128xf32, #tpu.memory_space<vmem>>) dst(%dma_wait3A_120 : memref<256xf32, #tpu.memory_space<vmem_shared>>)
      tpu.yield
    }) : () -> ()
    %run_scoped3A_96 = arith.constant 10 : i32
    "tpu.region"() ({
      %run_scoped3A_108 = tpu.sem_alloc : memref<!tpu.dma_semaphore, #tpu.memory_space<semaphore_mem>>
      %dma_start3A = arith.constant 1280 : i32
      %dma_start3A_109 = tpu.memref_slice %arg7[%dma_start3A] : memref<2048xf32, #tpu.memory_space<vmem>> -> memref<128xf32, #tpu.memory_space<vmem>>
      %dma_start3A_110 = arith.constant 0 : i32
      %dma_start3A_111 = tpu.memref_slice %arg8[%run_scoped3A_96, %dma_start3A_110] : memref<16x128xi32, #tpu.memory_space<vmem>> -> memref<1x128xi32, #tpu.memory_space<vmem>>
      %dma_start3A_112 = tpu.memref_squeeze %dma_start3A_111 : memref<1x128xi32, #tpu.memory_space<vmem>> -> memref<128xi32, #tpu.memory_space<vmem>>
      %dma_start3A_113 = arith.constant 0 : i32
      %dma_start3A_114 = tpu.memref_slice %arg13[%dma_start3A_113] : memref<256xf32, #tpu.memory_space<vmem_shared>> -> memref<256xf32, #tpu.memory_space<vmem_shared>>
      tpu.enqueue_indirect_dma source(%dma_start3A_109 : memref<128xf32, #tpu.memory_space<vmem>>) target(%dma_start3A_114 : memref<256xf32, #tpu.memory_space<vmem_shared>>) offsets(%dma_start3A_112 : memref<128xi32, #tpu.memory_space<vmem>>) semaphore(%run_scoped3A_108 : memref<!tpu.dma_semaphore, #tpu.memory_space<semaphore_mem>>) {add = true}
      %dma_wait3A = arith.constant 1280 : i32
      %dma_wait3A_115 = tpu.memref_slice %arg7[%dma_wait3A] : memref<2048xf32, #tpu.memory_space<vmem>> -> memref<128xf32, #tpu.memory_space<vmem>>
      %dma_wait3A_116 = arith.constant 0 : i32
      %dma_wait3A_117 = tpu.memref_slice %arg8[%run_scoped3A_96, %dma_wait3A_116] : memref<16x128xi32, #tpu.memory_space<vmem>> -> memref<1x128xi32, #tpu.memory_space<vmem>>
      %dma_wait3A_118 = tpu.memref_squeeze %dma_wait3A_117 : memref<1x128xi32, #tpu.memory_space<vmem>> -> memref<128xi32, #tpu.memory_space<vmem>>
      %dma_wait3A_119 = arith.constant 0 : i32
      %dma_wait3A_120 = tpu.memref_slice %arg13[%dma_wait3A_119] : memref<256xf32, #tpu.memory_space<vmem_shared>> -> memref<256xf32, #tpu.memory_space<vmem_shared>>
      tpu.wait_indirect_dma semaphore(%run_scoped3A_108 : memref<!tpu.dma_semaphore, #tpu.memory_space<semaphore_mem>>) src(%dma_wait3A_115 : memref<128xf32, #tpu.memory_space<vmem>>) dst(%dma_wait3A_120 : memref<256xf32, #tpu.memory_space<vmem_shared>>)
      tpu.yield
    }) : () -> ()
    %run_scoped3A_97 = arith.constant 11 : i32
    "tpu.region"() ({
      %run_scoped3A_108 = tpu.sem_alloc : memref<!tpu.dma_semaphore, #tpu.memory_space<semaphore_mem>>
      %dma_start3A = arith.constant 1408 : i32
      %dma_start3A_109 = tpu.memref_slice %arg7[%dma_start3A] : memref<2048xf32, #tpu.memory_space<vmem>> -> memref<128xf32, #tpu.memory_space<vmem>>
      %dma_start3A_110 = arith.constant 0 : i32
      %dma_start3A_111 = tpu.memref_slice %arg8[%run_scoped3A_97, %dma_start3A_110] : memref<16x128xi32, #tpu.memory_space<vmem>> -> memref<1x128xi32, #tpu.memory_space<vmem>>
      %dma_start3A_112 = tpu.memref_squeeze %dma_start3A_111 : memref<1x128xi32, #tpu.memory_space<vmem>> -> memref<128xi32, #tpu.memory_space<vmem>>
      %dma_start3A_113 = arith.constant 0 : i32
      %dma_start3A_114 = tpu.memref_slice %arg13[%dma_start3A_113] : memref<256xf32, #tpu.memory_space<vmem_shared>> -> memref<256xf32, #tpu.memory_space<vmem_shared>>
      tpu.enqueue_indirect_dma source(%dma_start3A_109 : memref<128xf32, #tpu.memory_space<vmem>>) target(%dma_start3A_114 : memref<256xf32, #tpu.memory_space<vmem_shared>>) offsets(%dma_start3A_112 : memref<128xi32, #tpu.memory_space<vmem>>) semaphore(%run_scoped3A_108 : memref<!tpu.dma_semaphore, #tpu.memory_space<semaphore_mem>>) {add = true}
      %dma_wait3A = arith.constant 1408 : i32
      %dma_wait3A_115 = tpu.memref_slice %arg7[%dma_wait3A] : memref<2048xf32, #tpu.memory_space<vmem>> -> memref<128xf32, #tpu.memory_space<vmem>>
      %dma_wait3A_116 = arith.constant 0 : i32
      %dma_wait3A_117 = tpu.memref_slice %arg8[%run_scoped3A_97, %dma_wait3A_116] : memref<16x128xi32, #tpu.memory_space<vmem>> -> memref<1x128xi32, #tpu.memory_space<vmem>>
      %dma_wait3A_118 = tpu.memref_squeeze %dma_wait3A_117 : memref<1x128xi32, #tpu.memory_space<vmem>> -> memref<128xi32, #tpu.memory_space<vmem>>
      %dma_wait3A_119 = arith.constant 0 : i32
      %dma_wait3A_120 = tpu.memref_slice %arg13[%dma_wait3A_119] : memref<256xf32, #tpu.memory_space<vmem_shared>> -> memref<256xf32, #tpu.memory_space<vmem_shared>>
      tpu.wait_indirect_dma semaphore(%run_scoped3A_108 : memref<!tpu.dma_semaphore, #tpu.memory_space<semaphore_mem>>) src(%dma_wait3A_115 : memref<128xf32, #tpu.memory_space<vmem>>) dst(%dma_wait3A_120 : memref<256xf32, #tpu.memory_space<vmem_shared>>)
      tpu.yield
    }) : () -> ()
    %run_scoped3A_98 = arith.constant 12 : i32
    "tpu.region"() ({
      %run_scoped3A_108 = tpu.sem_alloc : memref<!tpu.dma_semaphore, #tpu.memory_space<semaphore_mem>>
      %dma_start3A = arith.constant 1536 : i32
      %dma_start3A_109 = tpu.memref_slice %arg7[%dma_start3A] : memref<2048xf32, #tpu.memory_space<vmem>> -> memref<128xf32, #tpu.memory_space<vmem>>
      %dma_start3A_110 = arith.constant 0 : i32
      %dma_start3A_111 = tpu.memref_slice %arg8[%run_scoped3A_98, %dma_start3A_110] : memref<16x128xi32, #tpu.memory_space<vmem>> -> memref<1x128xi32, #tpu.memory_space<vmem>>
      %dma_start3A_112 = tpu.memref_squeeze %dma_start3A_111 : memref<1x128xi32, #tpu.memory_space<vmem>> -> memref<128xi32, #tpu.memory_space<vmem>>
      %dma_start3A_113 = arith.constant 0 : i32
      %dma_start3A_114 = tpu.memref_slice %arg13[%dma_start3A_113] : memref<256xf32, #tpu.memory_space<vmem_shared>> -> memref<256xf32, #tpu.memory_space<vmem_shared>>
      tpu.enqueue_indirect_dma source(%dma_start3A_109 : memref<128xf32, #tpu.memory_space<vmem>>) target(%dma_start3A_114 : memref<256xf32, #tpu.memory_space<vmem_shared>>) offsets(%dma_start3A_112 : memref<128xi32, #tpu.memory_space<vmem>>) semaphore(%run_scoped3A_108 : memref<!tpu.dma_semaphore, #tpu.memory_space<semaphore_mem>>) {add = true}
      %dma_wait3A = arith.constant 1536 : i32
      %dma_wait3A_115 = tpu.memref_slice %arg7[%dma_wait3A] : memref<2048xf32, #tpu.memory_space<vmem>> -> memref<128xf32, #tpu.memory_space<vmem>>
      %dma_wait3A_116 = arith.constant 0 : i32
      %dma_wait3A_117 = tpu.memref_slice %arg8[%run_scoped3A_98, %dma_wait3A_116] : memref<16x128xi32, #tpu.memory_space<vmem>> -> memref<1x128xi32, #tpu.memory_space<vmem>>
      %dma_wait3A_118 = tpu.memref_squeeze %dma_wait3A_117 : memref<1x128xi32, #tpu.memory_space<vmem>> -> memref<128xi32, #tpu.memory_space<vmem>>
      %dma_wait3A_119 = arith.constant 0 : i32
      %dma_wait3A_120 = tpu.memref_slice %arg13[%dma_wait3A_119] : memref<256xf32, #tpu.memory_space<vmem_shared>> -> memref<256xf32, #tpu.memory_space<vmem_shared>>
      tpu.wait_indirect_dma semaphore(%run_scoped3A_108 : memref<!tpu.dma_semaphore, #tpu.memory_space<semaphore_mem>>) src(%dma_wait3A_115 : memref<128xf32, #tpu.memory_space<vmem>>) dst(%dma_wait3A_120 : memref<256xf32, #tpu.memory_space<vmem_shared>>)
      tpu.yield
    }) : () -> ()
    %run_scoped3A_99 = arith.constant 13 : i32
    "tpu.region"() ({
      %run_scoped3A_108 = tpu.sem_alloc : memref<!tpu.dma_semaphore, #tpu.memory_space<semaphore_mem>>
      %dma_start3A = arith.constant 1664 : i32
      %dma_start3A_109 = tpu.memref_slice %arg7[%dma_start3A] : memref<2048xf32, #tpu.memory_space<vmem>> -> memref<128xf32, #tpu.memory_space<vmem>>
      %dma_start3A_110 = arith.constant 0 : i32
      %dma_start3A_111 = tpu.memref_slice %arg8[%run_scoped3A_99, %dma_start3A_110] : memref<16x128xi32, #tpu.memory_space<vmem>> -> memref<1x128xi32, #tpu.memory_space<vmem>>
      %dma_start3A_112 = tpu.memref_squeeze %dma_start3A_111 : memref<1x128xi32, #tpu.memory_space<vmem>> -> memref<128xi32, #tpu.memory_space<vmem>>
      %dma_start3A_113 = arith.constant 0 : i32
      %dma_start3A_114 = tpu.memref_slice %arg13[%dma_start3A_113] : memref<256xf32, #tpu.memory_space<vmem_shared>> -> memref<256xf32, #tpu.memory_space<vmem_shared>>
      tpu.enqueue_indirect_dma source(%dma_start3A_109 : memref<128xf32, #tpu.memory_space<vmem>>) target(%dma_start3A_114 : memref<256xf32, #tpu.memory_space<vmem_shared>>) offsets(%dma_start3A_112 : memref<128xi32, #tpu.memory_space<vmem>>) semaphore(%run_scoped3A_108 : memref<!tpu.dma_semaphore, #tpu.memory_space<semaphore_mem>>) {add = true}
      %dma_wait3A = arith.constant 1664 : i32
      %dma_wait3A_115 = tpu.memref_slice %arg7[%dma_wait3A] : memref<2048xf32, #tpu.memory_space<vmem>> -> memref<128xf32, #tpu.memory_space<vmem>>
      %dma_wait3A_116 = arith.constant 0 : i32
      %dma_wait3A_117 = tpu.memref_slice %arg8[%run_scoped3A_99, %dma_wait3A_116] : memref<16x128xi32, #tpu.memory_space<vmem>> -> memref<1x128xi32, #tpu.memory_space<vmem>>
      %dma_wait3A_118 = tpu.memref_squeeze %dma_wait3A_117 : memref<1x128xi32, #tpu.memory_space<vmem>> -> memref<128xi32, #tpu.memory_space<vmem>>
      %dma_wait3A_119 = arith.constant 0 : i32
      %dma_wait3A_120 = tpu.memref_slice %arg13[%dma_wait3A_119] : memref<256xf32, #tpu.memory_space<vmem_shared>> -> memref<256xf32, #tpu.memory_space<vmem_shared>>
      tpu.wait_indirect_dma semaphore(%run_scoped3A_108 : memref<!tpu.dma_semaphore, #tpu.memory_space<semaphore_mem>>) src(%dma_wait3A_115 : memref<128xf32, #tpu.memory_space<vmem>>) dst(%dma_wait3A_120 : memref<256xf32, #tpu.memory_space<vmem_shared>>)
      tpu.yield
    }) : () -> ()
    %run_scoped3A_100 = arith.constant 14 : i32
    "tpu.region"() ({
      %run_scoped3A_108 = tpu.sem_alloc : memref<!tpu.dma_semaphore, #tpu.memory_space<semaphore_mem>>
      %dma_start3A = arith.constant 1792 : i32
      %dma_start3A_109 = tpu.memref_slice %arg7[%dma_start3A] : memref<2048xf32, #tpu.memory_space<vmem>> -> memref<128xf32, #tpu.memory_space<vmem>>
      %dma_start3A_110 = arith.constant 0 : i32
      %dma_start3A_111 = tpu.memref_slice %arg8[%run_scoped3A_100, %dma_start3A_110] : memref<16x128xi32, #tpu.memory_space<vmem>> -> memref<1x128xi32, #tpu.memory_space<vmem>>
      %dma_start3A_112 = tpu.memref_squeeze %dma_start3A_111 : memref<1x128xi32, #tpu.memory_space<vmem>> -> memref<128xi32, #tpu.memory_space<vmem>>
      %dma_start3A_113 = arith.constant 0 : i32
      %dma_start3A_114 = tpu.memref_slice %arg13[%dma_start3A_113] : memref<256xf32, #tpu.memory_space<vmem_shared>> -> memref<256xf32, #tpu.memory_space<vmem_shared>>
      tpu.enqueue_indirect_dma source(%dma_start3A_109 : memref<128xf32, #tpu.memory_space<vmem>>) target(%dma_start3A_114 : memref<256xf32, #tpu.memory_space<vmem_shared>>) offsets(%dma_start3A_112 : memref<128xi32, #tpu.memory_space<vmem>>) semaphore(%run_scoped3A_108 : memref<!tpu.dma_semaphore, #tpu.memory_space<semaphore_mem>>) {add = true}
      %dma_wait3A = arith.constant 1792 : i32
      %dma_wait3A_115 = tpu.memref_slice %arg7[%dma_wait3A] : memref<2048xf32, #tpu.memory_space<vmem>> -> memref<128xf32, #tpu.memory_space<vmem>>
      %dma_wait3A_116 = arith.constant 0 : i32
      %dma_wait3A_117 = tpu.memref_slice %arg8[%run_scoped3A_100, %dma_wait3A_116] : memref<16x128xi32, #tpu.memory_space<vmem>> -> memref<1x128xi32, #tpu.memory_space<vmem>>
      %dma_wait3A_118 = tpu.memref_squeeze %dma_wait3A_117 : memref<1x128xi32, #tpu.memory_space<vmem>> -> memref<128xi32, #tpu.memory_space<vmem>>
      %dma_wait3A_119 = arith.constant 0 : i32
      %dma_wait3A_120 = tpu.memref_slice %arg13[%dma_wait3A_119] : memref<256xf32, #tpu.memory_space<vmem_shared>> -> memref<256xf32, #tpu.memory_space<vmem_shared>>
      tpu.wait_indirect_dma semaphore(%run_scoped3A_108 : memref<!tpu.dma_semaphore, #tpu.memory_space<semaphore_mem>>) src(%dma_wait3A_115 : memref<128xf32, #tpu.memory_space<vmem>>) dst(%dma_wait3A_120 : memref<256xf32, #tpu.memory_space<vmem_shared>>)
      tpu.yield
    }) : () -> ()
    %run_scoped3A_101 = arith.constant 15 : i32
    "tpu.region"() ({
      %run_scoped3A_108 = tpu.sem_alloc : memref<!tpu.dma_semaphore, #tpu.memory_space<semaphore_mem>>
      %dma_start3A = arith.constant 1920 : i32
      %dma_start3A_109 = tpu.memref_slice %arg7[%dma_start3A] : memref<2048xf32, #tpu.memory_space<vmem>> -> memref<128xf32, #tpu.memory_space<vmem>>
      %dma_start3A_110 = arith.constant 0 : i32
      %dma_start3A_111 = tpu.memref_slice %arg8[%run_scoped3A_101, %dma_start3A_110] : memref<16x128xi32, #tpu.memory_space<vmem>> -> memref<1x128xi32, #tpu.memory_space<vmem>>
      %dma_start3A_112 = tpu.memref_squeeze %dma_start3A_111 : memref<1x128xi32, #tpu.memory_space<vmem>> -> memref<128xi32, #tpu.memory_space<vmem>>
      %dma_start3A_113 = arith.constant 0 : i32
      %dma_start3A_114 = tpu.memref_slice %arg13[%dma_start3A_113] : memref<256xf32, #tpu.memory_space<vmem_shared>> -> memref<256xf32, #tpu.memory_space<vmem_shared>>
      tpu.enqueue_indirect_dma source(%dma_start3A_109 : memref<128xf32, #tpu.memory_space<vmem>>) target(%dma_start3A_114 : memref<256xf32, #tpu.memory_space<vmem_shared>>) offsets(%dma_start3A_112 : memref<128xi32, #tpu.memory_space<vmem>>) semaphore(%run_scoped3A_108 : memref<!tpu.dma_semaphore, #tpu.memory_space<semaphore_mem>>) {add = true}
      %dma_wait3A = arith.constant 1920 : i32
      %dma_wait3A_115 = tpu.memref_slice %arg7[%dma_wait3A] : memref<2048xf32, #tpu.memory_space<vmem>> -> memref<128xf32, #tpu.memory_space<vmem>>
      %dma_wait3A_116 = arith.constant 0 : i32
      %dma_wait3A_117 = tpu.memref_slice %arg8[%run_scoped3A_101, %dma_wait3A_116] : memref<16x128xi32, #tpu.memory_space<vmem>> -> memref<1x128xi32, #tpu.memory_space<vmem>>
      %dma_wait3A_118 = tpu.memref_squeeze %dma_wait3A_117 : memref<1x128xi32, #tpu.memory_space<vmem>> -> memref<128xi32, #tpu.memory_space<vmem>>
      %dma_wait3A_119 = arith.constant 0 : i32
      %dma_wait3A_120 = tpu.memref_slice %arg13[%dma_wait3A_119] : memref<256xf32, #tpu.memory_space<vmem_shared>> -> memref<256xf32, #tpu.memory_space<vmem_shared>>
      tpu.wait_indirect_dma semaphore(%run_scoped3A_108 : memref<!tpu.dma_semaphore, #tpu.memory_space<semaphore_mem>>) src(%dma_wait3A_115 : memref<128xf32, #tpu.memory_space<vmem>>) dst(%dma_wait3A_120 : memref<256xf32, #tpu.memory_space<vmem_shared>>)
      tpu.yield
    }) : () -> ()
    %barrier3A_102 = arith.constant 0 : index
    tpu.barrier barrier_id(%barrier3A_102)
    %eq3A_103 = arith.constant 0 : i32
    %eq3A_104 = arith.cmpi eq, %arg1, %eq3A_103 : i32
    %convert_element_type3A_105 = arith.extui %eq3A_104 : i1 to i32
    %cond3A_106 = arith.constant 0 : i32
    %cond3A_107 = arith.cmpi ne, %convert_element_type3A_105, %cond3A_106 : i32
    scf.if %cond3A_107 {
      %mul3A_108 = arith.constant 256 : i32
      %mul3A_109 = arith.muli %arg0, %mul3A_108 : i32
      "tpu.region"() ({
        %run_scoped3A_176 = tpu.sem_alloc : memref<!tpu.dma_semaphore, #tpu.memory_space<semaphore_mem>>
        %dma_start3A = tpu.memref_slice %arg5[%mul3A_109] : memref<512xf32, #tpu.memory_space<hbm>> -> memref<256xf32, #tpu.memory_space<hbm>>
        tpu.enqueue_dma source(%arg13 : memref<256xf32, #tpu.memory_space<vmem_shared>>) target(%dma_start3A : memref<256xf32, #tpu.memory_space<hbm>>) target_semaphore(%run_scoped3A_176 : memref<!tpu.dma_semaphore, #tpu.memory_space<semaphore_mem>>)
        %dma_wait3A = tpu.memref_slice %arg5[%mul3A_109] : memref<512xf32, #tpu.memory_space<hbm>> -> memref<256xf32, #tpu.memory_space<hbm>>
        tpu.wait_dma2 semaphore(%run_scoped3A_176 : memref<!tpu.dma_semaphore, #tpu.memory_space<semaphore_mem>>) src(%arg13 : memref<256xf32, #tpu.memory_space<vmem_shared>>) dst(%dma_wait3A : memref<256xf32, #tpu.memory_space<hbm>>)
        tpu.yield
      }) : () -> ()
      %swap3A_110 = arith.constant 0 : index
      %swap3A_111 = tpu.vector_load %arg9[%swap3A_110] {strides = array<i32>} : memref<256xf32, #tpu.memory_space<vmem>>, vector<16xf32>,
      %swap3A_112 = vector.shape_cast %swap3A_111 : vector<16xf32> to vector<16xf32>
      %swap3A_113 = vector.shape_cast %max3A_77 : vector<16xf32> to vector<16xf32>
      tpu.vector_store %arg9[%swap3A_110], %swap3A_113 {strides = array<i32>} : memref<256xf32, #tpu.memory_space<vmem>>, vector<16xf32>,
      %swap3A_114 = arith.constant 16 : index
      %swap3A_115 = tpu.vector_load %arg9[%swap3A_114] {strides = array<i32>} : memref<256xf32, #tpu.memory_space<vmem>>, vector<16xf32>,
      %swap3A_116 = vector.shape_cast %swap3A_115 : vector<16xf32> to vector<16xf32>
      %swap3A_117 = vector.shape_cast %max3A_77 : vector<16xf32> to vector<16xf32>
      tpu.vector_store %arg9[%swap3A_114], %swap3A_117 {strides = array<i32>} : memref<256xf32, #tpu.memory_space<vmem>>, vector<16xf32>,
      %swap3A_118 = arith.constant 32 : index
      %swap3A_119 = tpu.vector_load %arg9[%swap3A_118] {strides = array<i32>} : memref<256xf32, #tpu.memory_space<vmem>>, vector<16xf32>,
      %swap3A_120 = vector.shape_cast %swap3A_119 : vector<16xf32> to vector<16xf32>
      %swap3A_121 = vector.shape_cast %max3A_77 : vector<16xf32> to vector<16xf32>
      tpu.vector_store %arg9[%swap3A_118], %swap3A_121 {strides = array<i32>} : memref<256xf32, #tpu.memory_space<vmem>>, vector<16xf32>,
      %swap3A_122 = arith.constant 48 : index
      %swap3A_123 = tpu.vector_load %arg9[%swap3A_122] {strides = array<i32>} : memref<256xf32, #tpu.memory_space<vmem>>, vector<16xf32>,
      %swap3A_124 = vector.shape_cast %swap3A_123 : vector<16xf32> to vector<16xf32>
      %swap3A_125 = vector.shape_cast %max3A_77 : vector<16xf32> to vector<16xf32>
      tpu.vector_store %arg9[%swap3A_122], %swap3A_125 {strides = array<i32>} : memref<256xf32, #tpu.memory_space<vmem>>, vector<16xf32>,
      %swap3A_126 = arith.constant 64 : index
      %swap3A_127 = tpu.vector_load %arg9[%swap3A_126] {strides = array<i32>} : memref<256xf32, #tpu.memory_space<vmem>>, vector<16xf32>,
      %swap3A_128 = vector.shape_cast %swap3A_127 : vector<16xf32> to vector<16xf32>
      %swap3A_129 = vector.shape_cast %max3A_77 : vector<16xf32> to vector<16xf32>
      tpu.vector_store %arg9[%swap3A_126], %swap3A_129 {strides = array<i32>} : memref<256xf32, #tpu.memory_space<vmem>>, vector<16xf32>,
      %swap3A_130 = arith.constant 80 : index
      %swap3A_131 = tpu.vector_load %arg9[%swap3A_130] {strides = array<i32>} : memref<256xf32, #tpu.memory_space<vmem>>, vector<16xf32>,
      %swap3A_132 = vector.shape_cast %swap3A_131 : vector<16xf32> to vector<16xf32>
      %swap3A_133 = vector.shape_cast %max3A_77 : vector<16xf32> to vector<16xf32>
      tpu.vector_store %arg9[%swap3A_130], %swap3A_133 {strides = array<i32>} : memref<256xf32, #tpu.memory_space<vmem>>, vector<16xf32>,
      %swap3A_134 = arith.constant 96 : index
      %swap3A_135 = tpu.vector_load %arg9[%swap3A_134] {strides = array<i32>} : memref<256xf32, #tpu.memory_space<vmem>>, vector<16xf32>,
      %swap3A_136 = vector.shape_cast %swap3A_135 : vector<16xf32> to vector<16xf32>
      %swap3A_137 = vector.shape_cast %max3A_77 : vector<16xf32> to vector<16xf32>
      tpu.vector_store %arg9[%swap3A_134], %swap3A_137 {strides = array<i32>} : memref<256xf32, #tpu.memory_space<vmem>>, vector<16xf32>,
      %swap3A_138 = arith.constant 112 : index
      %swap3A_139 = tpu.vector_load %arg9[%swap3A_138] {strides = array<i32>} : memref<256xf32, #tpu.memory_space<vmem>>, vector<16xf32>,
      %swap3A_140 = vector.shape_cast %swap3A_139 : vector<16xf32> to vector<16xf32>
      %swap3A_141 = vector.shape_cast %max3A_77 : vector<16xf32> to vector<16xf32>
      tpu.vector_store %arg9[%swap3A_138], %swap3A_141 {strides = array<i32>} : memref<256xf32, #tpu.memory_space<vmem>>, vector<16xf32>,
      %swap3A_142 = arith.constant 128 : index
      %swap3A_143 = tpu.vector_load %arg9[%swap3A_142] {strides = array<i32>} : memref<256xf32, #tpu.memory_space<vmem>>, vector<16xf32>,
      %swap3A_144 = vector.shape_cast %swap3A_143 : vector<16xf32> to vector<16xf32>
      %swap3A_145 = vector.shape_cast %max3A_77 : vector<16xf32> to vector<16xf32>
      tpu.vector_store %arg9[%swap3A_142], %swap3A_145 {strides = array<i32>} : memref<256xf32, #tpu.memory_space<vmem>>, vector<16xf32>,
      %swap3A_146 = arith.constant 144 : index
      %swap3A_147 = tpu.vector_load %arg9[%swap3A_146] {strides = array<i32>} : memref<256xf32, #tpu.memory_space<vmem>>, vector<16xf32>,
      %swap3A_148 = vector.shape_cast %swap3A_147 : vector<16xf32> to vector<16xf32>
      %swap3A_149 = vector.shape_cast %max3A_77 : vector<16xf32> to vector<16xf32>
      tpu.vector_store %arg9[%swap3A_146], %swap3A_149 {strides = array<i32>} : memref<256xf32, #tpu.memory_space<vmem>>, vector<16xf32>,
      %swap3A_150 = arith.constant 160 : index
      %swap3A_151 = tpu.vector_load %arg9[%swap3A_150] {strides = array<i32>} : memref<256xf32, #tpu.memory_space<vmem>>, vector<16xf32>,
      %swap3A_152 = vector.shape_cast %swap3A_151 : vector<16xf32> to vector<16xf32>
      %swap3A_153 = vector.shape_cast %max3A_77 : vector<16xf32> to vector<16xf32>
      tpu.vector_store %arg9[%swap3A_150], %swap3A_153 {strides = array<i32>} : memref<256xf32, #tpu.memory_space<vmem>>, vector<16xf32>,
      %swap3A_154 = arith.constant 176 : index
      %swap3A_155 = tpu.vector_load %arg9[%swap3A_154] {strides = array<i32>} : memref<256xf32, #tpu.memory_space<vmem>>, vector<16xf32>,
      %swap3A_156 = vector.shape_cast %swap3A_155 : vector<16xf32> to vector<16xf32>
      %swap3A_157 = vector.shape_cast %max3A_77 : vector<16xf32> to vector<16xf32>
      tpu.vector_store %arg9[%swap3A_154], %swap3A_157 {strides = array<i32>} : memref<256xf32, #tpu.memory_space<vmem>>, vector<16xf32>,
      %swap3A_158 = arith.constant 192 : index
      %swap3A_159 = tpu.vector_load %arg9[%swap3A_158] {strides = array<i32>} : memref<256xf32, #tpu.memory_space<vmem>>, vector<16xf32>,
      %swap3A_160 = vector.shape_cast %swap3A_159 : vector<16xf32> to vector<16xf32>
      %swap3A_161 = vector.shape_cast %max3A_77 : vector<16xf32> to vector<16xf32>
      tpu.vector_store %arg9[%swap3A_158], %swap3A_161 {strides = array<i32>} : memref<256xf32, #tpu.memory_space<vmem>>, vector<16xf32>,
      %swap3A_162 = arith.constant 208 : index
      %swap3A_163 = tpu.vector_load %arg9[%swap3A_162] {strides = array<i32>} : memref<256xf32, #tpu.memory_space<vmem>>, vector<16xf32>,
      %swap3A_164 = vector.shape_cast %swap3A_163 : vector<16xf32> to vector<16xf32>
      %swap3A_165 = vector.shape_cast %max3A_77 : vector<16xf32> to vector<16xf32>
      tpu.vector_store %arg9[%swap3A_162], %swap3A_165 {strides = array<i32>} : memref<256xf32, #tpu.memory_space<vmem>>, vector<16xf32>,
      %swap3A_166 = arith.constant 224 : index
      %swap3A_167 = tpu.vector_load %arg9[%swap3A_166] {strides = array<i32>} : memref<256xf32, #tpu.memory_space<vmem>>, vector<16xf32>,
      %swap3A_168 = vector.shape_cast %swap3A_167 : vector<16xf32> to vector<16xf32>
      %swap3A_169 = vector.shape_cast %max3A_77 : vector<16xf32> to vector<16xf32>
      tpu.vector_store %arg9[%swap3A_166], %swap3A_169 {strides = array<i32>} : memref<256xf32, #tpu.memory_space<vmem>>, vector<16xf32>,
      %swap3A_170 = arith.constant 240 : index
      %swap3A_171 = tpu.vector_load %arg9[%swap3A_170] {strides = array<i32>} : memref<256xf32, #tpu.memory_space<vmem>>, vector<16xf32>,
      %swap3A_172 = vector.shape_cast %swap3A_171 : vector<16xf32> to vector<16xf32>
      %swap3A_173 = vector.shape_cast %max3A_77 : vector<16xf32> to vector<16xf32>
      tpu.vector_store %arg9[%swap3A_170], %swap3A_173 {strides = array<i32>} : memref<256xf32, #tpu.memory_space<vmem>>, vector<16xf32>,
      %mul3A_174 = arith.constant 256 : i32
      %mul3A_175 = arith.muli %arg0, %mul3A_174 : i32
      "tpu.region"() ({
        %run_scoped3A_176 = tpu.sem_alloc : memref<!tpu.dma_semaphore, #tpu.memory_space<semaphore_mem>>
        %dma_start3A = tpu.memref_slice %arg4[%mul3A_175] : memref<512xf32, #tpu.memory_space<hbm>> -> memref<256xf32, #tpu.memory_space<hbm>>
        %dma_start3A_177 = tpu.memref_slice %arg4[%mul3A_175] : memref<512xf32, #tpu.memory_space<hbm>> -> memref<256xf32, #tpu.memory_space<hbm>>
        tpu.enqueue_dma source(%arg9 : memref<256xf32, #tpu.memory_space<vmem>>) target(%dma_start3A_177 : memref<256xf32, #tpu.memory_space<hbm>>) target_semaphore(%run_scoped3A_176 : memref<!tpu.dma_semaphore, #tpu.memory_space<semaphore_mem>>)
        %dma_wait3A = tpu.memref_slice %arg4[%mul3A_175] : memref<512xf32, #tpu.memory_space<hbm>> -> memref<256xf32, #tpu.memory_space<hbm>>
        %dma_wait3A_178 = tpu.memref_slice %arg4[%mul3A_175] : memref<512xf32, #tpu.memory_space<hbm>> -> memref<256xf32, #tpu.memory_space<hbm>>
        tpu.wait_dma2 semaphore(%run_scoped3A_176 : memref<!tpu.dma_semaphore, #tpu.memory_space<semaphore_mem>>) src(%arg9 : memref<256xf32, #tpu.memory_space<vmem>>) dst(%dma_wait3A_178 : memref<256xf32, #tpu.memory_space<hbm>>)
        tpu.yield
      }) : () -> ()
    } else {
    }
    return
  }
}

#map = affine_map<(d0, d1) -> (0)>
#map1 = affine_map<(d0, d1) -> (0, 0)>
module attributes {stable_mosaic.version = 14 : i64} {
  func.func @_sc_stats_body(%arg0: i32, %arg1: i32, %arg2: memref<65536xf32, #tpu.memory_space<hbm>>, %arg3: memref<512x128xi32, #tpu.memory_space<hbm>>, %arg4: memref<512xf32, #tpu.memory_space<hbm>>, %arg5: memref<512xf32, #tpu.memory_space<hbm>>, %arg6: memref<2048xf32, #tpu.memory_space<vmem>>, %arg7: memref<2048xf32, #tpu.memory_space<vmem>>, %arg8: memref<16x128xi32, #tpu.memory_space<vmem>>, %arg9: memref<256xf32, #tpu.memory_space<vmem>>, %arg10: memref<256xf32, #tpu.memory_space<vmem>>, %arg11: memref<16xf32, #tpu.memory_space<vmem>>, %arg12: memref<256xf32, #tpu.memory_space<vmem_shared>>, %arg13: memref<256xf32, #tpu.memory_space<vmem_shared>>) attributes {dimension_semantics = [#tpu.dimension_semantics<core_parallel>, #tpu.dimension_semantics<subcore_parallel>], iteration_bounds = array<i64: 2, 16>, scalar_prefetch = 0 : i64, scratch_operands = 8 : i64, tpu.core_type = #tpu.core_type<sc_vector_subcore>, window_params = [{transform_indices = #map}, {transform_indices = #map1}, {transform_indices = #map}, {transform_indices = #map}]} {
    %mul3A = arith.constant 16 : i32
    %mul3A_0 = arith.muli %arg0, %mul3A : i32
    %add3A = arith.addi %mul3A_0, %arg1 : i32
    %mul3A_1 = arith.constant 16 : i32
    %mul3A_2 = arith.muli %add3A, %mul3A_1 : i32
    %mul3A_3 = arith.constant 128 : i32
    %mul3A_4 = arith.muli %mul3A_2, %mul3A_3 : i32
    "tpu.region"() ({
      %run_scoped3A_108 = tpu.sem_alloc : memref<!tpu.dma_semaphore, #tpu.memory_space<semaphore_mem>>
      %dma_start3A = tpu.memref_slice %arg2[%mul3A_4] : memref<65536xf32, #tpu.memory_space<hbm>> -> memref<2048xf32, #tpu.memory_space<hbm>>
      %dma_start3A_109 = tpu.memref_slice %arg2[%mul3A_4] : memref<65536xf32, #tpu.memory_space<hbm>> -> memref<2048xf32, #tpu.memory_space<hbm>>
      tpu.enqueue_dma source(%dma_start3A_109 : memref<2048xf32, #tpu.memory_space<hbm>>) target(%arg6 : memref<2048xf32, #tpu.memory_space<vmem>>) target_semaphore(%run_scoped3A_108 : memref<!tpu.dma_semaphore, #tpu.memory_space<semaphore_mem>>)
      %dma_wait3A = tpu.memref_slice %arg2[%mul3A_4] : memref<65536xf32, #tpu.memory_space<hbm>> -> memref<2048xf32, #tpu.memory_space<hbm>>
      %dma_wait3A_110 = tpu.memref_slice %arg2[%mul3A_4] : memref<65536xf32, #tpu.memory_space<hbm>> -> memref<2048xf32, #tpu.memory_space<hbm>>
      tpu.wait_dma2 semaphore(%run_scoped3A_108 : memref<!tpu.dma_semaphore, #tpu.memory_space<semaphore_mem>>) src(%dma_wait3A_110 : memref<2048xf32, #tpu.memory_space<hbm>>) dst(%arg6 : memref<2048xf32, #tpu.memory_space<vmem>>)
      tpu.yield
    }) : () -> ()
    "tpu.region"() ({
      %run_scoped3A_108 = tpu.sem_alloc : memref<!tpu.dma_semaphore, #tpu.memory_space<semaphore_mem>>
      %dma_start3A = arith.constant 0 : i32
      %dma_start3A_109 = tpu.memref_slice %arg3[%mul3A_2, %dma_start3A] : memref<512x128xi32, #tpu.memory_space<hbm>> -> memref<16x128xi32, #tpu.memory_space<hbm>>
      %dma_start3A_110 = arith.constant 0 : i32
      %dma_start3A_111 = tpu.memref_slice %arg3[%mul3A_2, %dma_start3A_110] : memref<512x128xi32, #tpu.memory_space<hbm>> -> memref<16x128xi32, #tpu.memory_space<hbm>>
      tpu.enqueue_dma source(%dma_start3A_111 : memref<16x128xi32, #tpu.memory_space<hbm>>) target(%arg8 : memref<16x128xi32, #tpu.memory_space<vmem>>) target_semaphore(%run_scoped3A_108 : memref<!tpu.dma_semaphore, #tpu.memory_space<semaphore_mem>>)
      %dma_wait3A = arith.constant 0 : i32
      %dma_wait3A_112 = tpu.memref_slice %arg3[%mul3A_2, %dma_wait3A] : memref<512x128xi32, #tpu.memory_space<hbm>> -> memref<16x128xi32, #tpu.memory_space<hbm>>
      %dma_wait3A_113 = arith.constant 0 : i32
      %dma_wait3A_114 = tpu.memref_slice %arg3[%mul3A_2, %dma_wait3A_113] : memref<512x128xi32, #tpu.memory_space<hbm>> -> memref<16x128xi32, #tpu.memory_space<hbm>>
      tpu.wait_dma2 semaphore(%run_scoped3A_108 : memref<!tpu.dma_semaphore, #tpu.memory_space<semaphore_mem>>) src(%dma_wait3A_114 : memref<16x128xi32, #tpu.memory_space<hbm>>) dst(%arg8 : memref<16x128xi32, #tpu.memory_space<vmem>>)
      tpu.yield
    }) : () -> ()
    %broadcast_in_dim3A = arith.constant -1.000000e+30 : f32
    %broadcast_in_dim3A_5 = vector.broadcast %broadcast_in_dim3A : f32 to vector<16xf32>
    %scan3A = arith.constant 0 : i32
    %scan3A_6 = arith.constant 128 : i32
    %scan3A_7 = arith.addi %scan3A, %scan3A_6 : i32
    %scan3A_8 = arith.constant 1 : i32
    %scan3A_9 = scf.for %scan3A_108 = %scan3A to %scan3A_7 step %scan3A_8 iter_args(%scan3A_109 = %broadcast_in_dim3A_5) -> (vector<16xf32>)  : i32 {
      %mul3A_110 = arith.constant 16 : i32
      %mul3A_111 = arith.muli %scan3A_108, %mul3A_110 : i32
      %get3A = arith.index_cast %mul3A_111 : i32 to index
      %get3A_112 = tpu.vector_load %arg6[%get3A] {strides = array<i32>} : memref<2048xf32, #tpu.memory_space<vmem>>, vector<16xf32>,
      %get3A_113 = vector.shape_cast %get3A_112 : vector<16xf32> to vector<16xf32>
      %max3A_114 = arith.maximumf %scan3A_109, %get3A_113 : vector<16xf32>
      scf.yield %max3A_114 : vector<16xf32>
    }
    %scan3A_10 = arith.constant 128 : i32
    %swap3A = arith.constant 0 : index
    %swap3A_11 = tpu.vector_load %arg11[%swap3A] {strides = array<i32>} : memref<16xf32, #tpu.memory_space<vmem>>, vector<16xf32>,
    %swap3A_12 = vector.shape_cast %swap3A_11 : vector<16xf32> to vector<16xf32>
    %swap3A_13 = vector.shape_cast %scan3A_9 : vector<16xf32> to vector<16xf32>
    tpu.vector_store %arg11[%swap3A], %swap3A_13 {strides = array<i32>} : memref<16xf32, #tpu.memory_space<vmem>>, vector<16xf32>,
    %mul3A_14 = arith.constant 16 : i32
    %mul3A_15 = arith.muli %arg1, %mul3A_14 : i32
    "tpu.region"() ({
      %run_scoped3A_108 = tpu.sem_alloc : memref<!tpu.dma_semaphore, #tpu.memory_space<semaphore_mem>>
      %dma_start3A = tpu.memref_slice %arg12[%mul3A_15] : memref<256xf32, #tpu.memory_space<vmem_shared>> -> memref<16xf32, #tpu.memory_space<vmem_shared>>
      %dma_start3A_109 = tpu.memref_slice %arg12[%mul3A_15] : memref<256xf32, #tpu.memory_space<vmem_shared>> -> memref<16xf32, #tpu.memory_space<vmem_shared>>
      tpu.enqueue_dma source(%arg11 : memref<16xf32, #tpu.memory_space<vmem>>) target(%dma_start3A_109 : memref<16xf32, #tpu.memory_space<vmem_shared>>) target_semaphore(%run_scoped3A_108 : memref<!tpu.dma_semaphore, #tpu.memory_space<semaphore_mem>>)
      %dma_wait3A = tpu.memref_slice %arg12[%mul3A_15] : memref<256xf32, #tpu.memory_space<vmem_shared>> -> memref<16xf32, #tpu.memory_space<vmem_shared>>
      %dma_wait3A_110 = tpu.memref_slice %arg12[%mul3A_15] : memref<256xf32, #tpu.memory_space<vmem_shared>> -> memref<16xf32, #tpu.memory_space<vmem_shared>>
      tpu.wait_dma2 semaphore(%run_scoped3A_108 : memref<!tpu.dma_semaphore, #tpu.memory_space<semaphore_mem>>) src(%arg11 : memref<16xf32, #tpu.memory_space<vmem>>) dst(%dma_wait3A_110 : memref<16xf32, #tpu.memory_space<vmem_shared>>)
      tpu.yield
    }) : () -> ()
    %barrier3A = arith.constant 0 : index
    tpu.barrier barrier_id(%barrier3A)
    "tpu.region"() ({
      %run_scoped3A_108 = tpu.sem_alloc : memref<!tpu.dma_semaphore, #tpu.memory_space<semaphore_mem>>
      tpu.enqueue_dma source(%arg12 : memref<256xf32, #tpu.memory_space<vmem_shared>>) target(%arg10 : memref<256xf32, #tpu.memory_space<vmem>>) target_semaphore(%run_scoped3A_108 : memref<!tpu.dma_semaphore, #tpu.memory_space<semaphore_mem>>)
      tpu.wait_dma2 semaphore(%run_scoped3A_108 : memref<!tpu.dma_semaphore, #tpu.memory_space<semaphore_mem>>) src(%arg12 : memref<256xf32, #tpu.memory_space<vmem_shared>>) dst(%arg10 : memref<256xf32, #tpu.memory_space<vmem>>)
      tpu.yield
    }) : () -> ()
    %broadcast_in_dim3A_16 = arith.constant -1.000000e+30 : f32
    %broadcast_in_dim3A_17 = vector.broadcast %broadcast_in_dim3A_16 : f32 to vector<16xf32>
    %scan3A_18 = arith.constant 0 : i32
    %scan3A_19 = arith.constant 16 : i32
    %scan3A_20 = arith.addi %scan3A_18, %scan3A_19 : i32
    %scan3A_21 = arith.constant 1 : i32
    %scan3A_22 = scf.for %scan3A_108 = %scan3A_18 to %scan3A_20 step %scan3A_21 iter_args(%scan3A_109 = %broadcast_in_dim3A_17) -> (vector<16xf32>)  : i32 {
      %mul3A_110 = arith.constant 16 : i32
      %mul3A_111 = arith.muli %scan3A_108, %mul3A_110 : i32
      %get3A = arith.index_cast %mul3A_111 : i32 to index
      %get3A_112 = tpu.vector_load %arg10[%get3A] {strides = array<i32>} : memref<256xf32, #tpu.memory_space<vmem>>, vector<16xf32>,
      %get3A_113 = vector.shape_cast %get3A_112 : vector<16xf32> to vector<16xf32>
      %max3A_114 = arith.maximumf %scan3A_109, %get3A_113 : vector<16xf32>
      scf.yield %max3A_114 : vector<16xf32>
    }
    %scan3A_23 = arith.constant 16 : i32
    %iota3A = tpu.iota {dimensions = array<i32: 0>} : vector<16xi32>
    %xor3A = arith.constant 8 : i32
    %xor3A_24 = vector.broadcast %xor3A : i32 to vector<16xi32>
    %xor3A_25 = arith.xori %iota3A, %xor3A_24 : vector<16xi32>
    %lt3A = arith.constant 0 : i32
    %lt3A_26 = vector.broadcast %lt3A : i32 to vector<16xi32>
    %lt3A_27 = arith.cmpi slt, %xor3A_25, %lt3A_26 : vector<16xi32>
    %add3A_28 = arith.constant 16 : i32
    %add3A_29 = vector.broadcast %add3A_28 : i32 to vector<16xi32>
    %add3A_30 = arith.addi %xor3A_25, %add3A_29 : vector<16xi32>
    %select_n3A = arith.select %lt3A_27, %add3A_30, %xor3A_25 : vector<16xi1>, vector<16xi32>
    %broadcast_in_dim3A_31 = vector.shape_cast %select_n3A : vector<16xi32> to vector<16x1xi32>
    %gather3A = vector.shape_cast %broadcast_in_dim3A_31 : vector<16x1xi32> to vector<16xi32>
    %gather3A_32 = tpu.dynamic_gather %scan3A_22[%gather3A] in [0] : vector<16xf32>, vector<16xi32> -> vector<16xf32>
    %max3A = arith.maximumf %scan3A_22, %gather3A_32 : vector<16xf32>
    %iota3A_33 = tpu.iota {dimensions = array<i32: 0>} : vector<16xi32>
    %xor3A_34 = arith.constant 4 : i32
    %xor3A_35 = vector.broadcast %xor3A_34 : i32 to vector<16xi32>
    %xor3A_36 = arith.xori %iota3A_33, %xor3A_35 : vector<16xi32>
    %lt3A_37 = arith.constant 0 : i32
    %lt3A_38 = vector.broadcast %lt3A_37 : i32 to vector<16xi32>
    %lt3A_39 = arith.cmpi slt, %xor3A_36, %lt3A_38 : vector<16xi32>
    %add3A_40 = arith.constant 16 : i32
    %add3A_41 = vector.broadcast %add3A_40 : i32 to vector<16xi32>
    %add3A_42 = arith.addi %xor3A_36, %add3A_41 : vector<16xi32>
    %select_n3A_43 = arith.select %lt3A_39, %add3A_42, %xor3A_36 : vector<16xi1>, vector<16xi32>
    %broadcast_in_dim3A_44 = vector.shape_cast %select_n3A_43 : vector<16xi32> to vector<16x1xi32>
    %gather3A_45 = vector.shape_cast %broadcast_in_dim3A_44 : vector<16x1xi32> to vector<16xi32>
    %gather3A_46 = tpu.dynamic_gather %max3A[%gather3A_45] in [0] : vector<16xf32>, vector<16xi32> -> vector<16xf32>
    %max3A_47 = arith.maximumf %max3A, %gather3A_46 : vector<16xf32>
    %iota3A_48 = tpu.iota {dimensions = array<i32: 0>} : vector<16xi32>
    %xor3A_49 = arith.constant 2 : i32
    %xor3A_50 = vector.broadcast %xor3A_49 : i32 to vector<16xi32>
    %xor3A_51 = arith.xori %iota3A_48, %xor3A_50 : vector<16xi32>
    %lt3A_52 = arith.constant 0 : i32
    %lt3A_53 = vector.broadcast %lt3A_52 : i32 to vector<16xi32>
    %lt3A_54 = arith.cmpi slt, %xor3A_51, %lt3A_53 : vector<16xi32>
    %add3A_55 = arith.constant 16 : i32
    %add3A_56 = vector.broadcast %add3A_55 : i32 to vector<16xi32>
    %add3A_57 = arith.addi %xor3A_51, %add3A_56 : vector<16xi32>
    %select_n3A_58 = arith.select %lt3A_54, %add3A_57, %xor3A_51 : vector<16xi1>, vector<16xi32>
    %broadcast_in_dim3A_59 = vector.shape_cast %select_n3A_58 : vector<16xi32> to vector<16x1xi32>
    %gather3A_60 = vector.shape_cast %broadcast_in_dim3A_59 : vector<16x1xi32> to vector<16xi32>
    %gather3A_61 = tpu.dynamic_gather %max3A_47[%gather3A_60] in [0] : vector<16xf32>, vector<16xi32> -> vector<16xf32>
    %max3A_62 = arith.maximumf %max3A_47, %gather3A_61 : vector<16xf32>
    %iota3A_63 = tpu.iota {dimensions = array<i32: 0>} : vector<16xi32>
    %xor3A_64 = arith.constant 1 : i32
    %xor3A_65 = vector.broadcast %xor3A_64 : i32 to vector<16xi32>
    %xor3A_66 = arith.xori %iota3A_63, %xor3A_65 : vector<16xi32>
    %lt3A_67 = arith.constant 0 : i32
    %lt3A_68 = vector.broadcast %lt3A_67 : i32 to vector<16xi32>
    %lt3A_69 = arith.cmpi slt, %xor3A_66, %lt3A_68 : vector<16xi32>
    %add3A_70 = arith.constant 16 : i32
    %add3A_71 = vector.broadcast %add3A_70 : i32 to vector<16xi32>
    %add3A_72 = arith.addi %xor3A_66, %add3A_71 : vector<16xi32>
    %select_n3A_73 = arith.select %lt3A_69, %add3A_72, %xor3A_66 : vector<16xi1>, vector<16xi32>
    %broadcast_in_dim3A_74 = vector.shape_cast %select_n3A_73 : vector<16xi32> to vector<16x1xi32>
    %gather3A_75 = vector.shape_cast %broadcast_in_dim3A_74 : vector<16x1xi32> to vector<16xi32>
    %gather3A_76 = tpu.dynamic_gather %max3A_62[%gather3A_75] in [0] : vector<16xf32>, vector<16xi32> -> vector<16xf32>
    %max3A_77 = arith.maximumf %max3A_62, %gather3A_76 : vector<16xf32>
    %scan3A_78 = arith.constant 0 : i32
    %scan3A_79 = arith.constant 0 : i32
    %scan3A_80 = arith.constant 128 : i32
    %scan3A_81 = arith.addi %scan3A_79, %scan3A_80 : i32
    %scan3A_82 = arith.constant 1 : i32
    scf.for %scan3A_108 = %scan3A_79 to %scan3A_81 step %scan3A_82  : i32 {
      %mul3A_109 = arith.constant 16 : i32
      %mul3A_110 = arith.muli %scan3A_108, %mul3A_109 : i32
      %get3A = arith.index_cast %mul3A_110 : i32 to index
      %get3A_111 = tpu.vector_load %arg6[%get3A] {strides = array<i32>} : memref<2048xf32, #tpu.memory_space<vmem>>, vector<16xf32>,
      %get3A_112 = vector.shape_cast %get3A_111 : vector<16xf32> to vector<16xf32>
      %sub3A = arith.subf %get3A_112, %max3A_77 : vector<16xf32>
      %exp3A = math.exp %sub3A : vector<16xf32>
      %mul3A_113 = arith.constant 16 : i32
      %mul3A_114 = arith.muli %scan3A_108, %mul3A_113 : i32
      %swap3A_115 = arith.index_cast %mul3A_114 : i32 to index
      %swap3A_116 = tpu.vector_load %arg7[%swap3A_115] {strides = array<i32>} : memref<2048xf32, #tpu.memory_space<vmem>>, vector<16xf32>,
      %swap3A_117 = vector.shape_cast %swap3A_116 : vector<16xf32> to vector<16xf32>
      %swap3A_118 = vector.shape_cast %exp3A : vector<16xf32> to vector<16xf32>
      tpu.vector_store %arg7[%swap3A_115], %swap3A_118 {strides = array<i32>} : memref<2048xf32, #tpu.memory_space<vmem>>, vector<16xf32>,
    }
    %scan3A_83 = arith.constant 128 : i32
    %eq3A = arith.constant 0 : i32
    %eq3A_84 = arith.cmpi eq, %arg1, %eq3A : i32
    %convert_element_type3A = arith.extui %eq3A_84 : i1 to i32
    %cond3A = arith.constant 0 : i32
    %cond3A_85 = arith.cmpi ne, %convert_element_type3A, %cond3A : i32
    scf.if %cond3A_85 {
      %broadcast_in_dim3A_108 = arith.constant 0.000000e+00 : f32
      %broadcast_in_dim3A_109 = vector.broadcast %broadcast_in_dim3A_108 : f32 to vector<16xf32>
      %swap3A_110 = arith.constant 0 : index
      %swap3A_111 = tpu.vector_load %arg9[%swap3A_110] {strides = array<i32>} : memref<256xf32, #tpu.memory_space<vmem>>, vector<16xf32>,
      %swap3A_112 = vector.shape_cast %swap3A_111 : vector<16xf32> to vector<16xf32>
      %swap3A_113 = vector.shape_cast %broadcast_in_dim3A_109 : vector<16xf32> to vector<16xf32>
      tpu.vector_store %arg9[%swap3A_110], %swap3A_113 {strides = array<i32>} : memref<256xf32, #tpu.memory_space<vmem>>, vector<16xf32>,
      %broadcast_in_dim3A_114 = arith.constant 0.000000e+00 : f32
      %broadcast_in_dim3A_115 = vector.broadcast %broadcast_in_dim3A_114 : f32 to vector<16xf32>
      %swap3A_116 = arith.constant 16 : index
      %swap3A_117 = tpu.vector_load %arg9[%swap3A_116] {strides = array<i32>} : memref<256xf32, #tpu.memory_space<vmem>>, vector<16xf32>,
      %swap3A_118 = vector.shape_cast %swap3A_117 : vector<16xf32> to vector<16xf32>
      %swap3A_119 = vector.shape_cast %broadcast_in_dim3A_115 : vector<16xf32> to vector<16xf32>
      tpu.vector_store %arg9[%swap3A_116], %swap3A_119 {strides = array<i32>} : memref<256xf32, #tpu.memory_space<vmem>>, vector<16xf32>,
      %broadcast_in_dim3A_120 = arith.constant 0.000000e+00 : f32
      %broadcast_in_dim3A_121 = vector.broadcast %broadcast_in_dim3A_120 : f32 to vector<16xf32>
      %swap3A_122 = arith.constant 32 : index
      %swap3A_123 = tpu.vector_load %arg9[%swap3A_122] {strides = array<i32>} : memref<256xf32, #tpu.memory_space<vmem>>, vector<16xf32>,
      %swap3A_124 = vector.shape_cast %swap3A_123 : vector<16xf32> to vector<16xf32>
      %swap3A_125 = vector.shape_cast %broadcast_in_dim3A_121 : vector<16xf32> to vector<16xf32>
      tpu.vector_store %arg9[%swap3A_122], %swap3A_125 {strides = array<i32>} : memref<256xf32, #tpu.memory_space<vmem>>, vector<16xf32>,
      %broadcast_in_dim3A_126 = arith.constant 0.000000e+00 : f32
      %broadcast_in_dim3A_127 = vector.broadcast %broadcast_in_dim3A_126 : f32 to vector<16xf32>
      %swap3A_128 = arith.constant 48 : index
      %swap3A_129 = tpu.vector_load %arg9[%swap3A_128] {strides = array<i32>} : memref<256xf32, #tpu.memory_space<vmem>>, vector<16xf32>,
      %swap3A_130 = vector.shape_cast %swap3A_129 : vector<16xf32> to vector<16xf32>
      %swap3A_131 = vector.shape_cast %broadcast_in_dim3A_127 : vector<16xf32> to vector<16xf32>
      tpu.vector_store %arg9[%swap3A_128], %swap3A_131 {strides = array<i32>} : memref<256xf32, #tpu.memory_space<vmem>>, vector<16xf32>,
      %broadcast_in_dim3A_132 = arith.constant 0.000000e+00 : f32
      %broadcast_in_dim3A_133 = vector.broadcast %broadcast_in_dim3A_132 : f32 to vector<16xf32>
      %swap3A_134 = arith.constant 64 : index
      %swap3A_135 = tpu.vector_load %arg9[%swap3A_134] {strides = array<i32>} : memref<256xf32, #tpu.memory_space<vmem>>, vector<16xf32>,
      %swap3A_136 = vector.shape_cast %swap3A_135 : vector<16xf32> to vector<16xf32>
      %swap3A_137 = vector.shape_cast %broadcast_in_dim3A_133 : vector<16xf32> to vector<16xf32>
      tpu.vector_store %arg9[%swap3A_134], %swap3A_137 {strides = array<i32>} : memref<256xf32, #tpu.memory_space<vmem>>, vector<16xf32>,
      %broadcast_in_dim3A_138 = arith.constant 0.000000e+00 : f32
      %broadcast_in_dim3A_139 = vector.broadcast %broadcast_in_dim3A_138 : f32 to vector<16xf32>
      %swap3A_140 = arith.constant 80 : index
      %swap3A_141 = tpu.vector_load %arg9[%swap3A_140] {strides = array<i32>} : memref<256xf32, #tpu.memory_space<vmem>>, vector<16xf32>,
      %swap3A_142 = vector.shape_cast %swap3A_141 : vector<16xf32> to vector<16xf32>
      %swap3A_143 = vector.shape_cast %broadcast_in_dim3A_139 : vector<16xf32> to vector<16xf32>
      tpu.vector_store %arg9[%swap3A_140], %swap3A_143 {strides = array<i32>} : memref<256xf32, #tpu.memory_space<vmem>>, vector<16xf32>,
      %broadcast_in_dim3A_144 = arith.constant 0.000000e+00 : f32
      %broadcast_in_dim3A_145 = vector.broadcast %broadcast_in_dim3A_144 : f32 to vector<16xf32>
      %swap3A_146 = arith.constant 96 : index
      %swap3A_147 = tpu.vector_load %arg9[%swap3A_146] {strides = array<i32>} : memref<256xf32, #tpu.memory_space<vmem>>, vector<16xf32>,
      %swap3A_148 = vector.shape_cast %swap3A_147 : vector<16xf32> to vector<16xf32>
      %swap3A_149 = vector.shape_cast %broadcast_in_dim3A_145 : vector<16xf32> to vector<16xf32>
      tpu.vector_store %arg9[%swap3A_146], %swap3A_149 {strides = array<i32>} : memref<256xf32, #tpu.memory_space<vmem>>, vector<16xf32>,
      %broadcast_in_dim3A_150 = arith.constant 0.000000e+00 : f32
      %broadcast_in_dim3A_151 = vector.broadcast %broadcast_in_dim3A_150 : f32 to vector<16xf32>
      %swap3A_152 = arith.constant 112 : index
      %swap3A_153 = tpu.vector_load %arg9[%swap3A_152] {strides = array<i32>} : memref<256xf32, #tpu.memory_space<vmem>>, vector<16xf32>,
      %swap3A_154 = vector.shape_cast %swap3A_153 : vector<16xf32> to vector<16xf32>
      %swap3A_155 = vector.shape_cast %broadcast_in_dim3A_151 : vector<16xf32> to vector<16xf32>
      tpu.vector_store %arg9[%swap3A_152], %swap3A_155 {strides = array<i32>} : memref<256xf32, #tpu.memory_space<vmem>>, vector<16xf32>,
      %broadcast_in_dim3A_156 = arith.constant 0.000000e+00 : f32
      %broadcast_in_dim3A_157 = vector.broadcast %broadcast_in_dim3A_156 : f32 to vector<16xf32>
      %swap3A_158 = arith.constant 128 : index
      %swap3A_159 = tpu.vector_load %arg9[%swap3A_158] {strides = array<i32>} : memref<256xf32, #tpu.memory_space<vmem>>, vector<16xf32>,
      %swap3A_160 = vector.shape_cast %swap3A_159 : vector<16xf32> to vector<16xf32>
      %swap3A_161 = vector.shape_cast %broadcast_in_dim3A_157 : vector<16xf32> to vector<16xf32>
      tpu.vector_store %arg9[%swap3A_158], %swap3A_161 {strides = array<i32>} : memref<256xf32, #tpu.memory_space<vmem>>, vector<16xf32>,
      %broadcast_in_dim3A_162 = arith.constant 0.000000e+00 : f32
      %broadcast_in_dim3A_163 = vector.broadcast %broadcast_in_dim3A_162 : f32 to vector<16xf32>
      %swap3A_164 = arith.constant 144 : index
      %swap3A_165 = tpu.vector_load %arg9[%swap3A_164] {strides = array<i32>} : memref<256xf32, #tpu.memory_space<vmem>>, vector<16xf32>,
      %swap3A_166 = vector.shape_cast %swap3A_165 : vector<16xf32> to vector<16xf32>
      %swap3A_167 = vector.shape_cast %broadcast_in_dim3A_163 : vector<16xf32> to vector<16xf32>
      tpu.vector_store %arg9[%swap3A_164], %swap3A_167 {strides = array<i32>} : memref<256xf32, #tpu.memory_space<vmem>>, vector<16xf32>,
      %broadcast_in_dim3A_168 = arith.constant 0.000000e+00 : f32
      %broadcast_in_dim3A_169 = vector.broadcast %broadcast_in_dim3A_168 : f32 to vector<16xf32>
      %swap3A_170 = arith.constant 160 : index
      %swap3A_171 = tpu.vector_load %arg9[%swap3A_170] {strides = array<i32>} : memref<256xf32, #tpu.memory_space<vmem>>, vector<16xf32>,
      %swap3A_172 = vector.shape_cast %swap3A_171 : vector<16xf32> to vector<16xf32>
      %swap3A_173 = vector.shape_cast %broadcast_in_dim3A_169 : vector<16xf32> to vector<16xf32>
      tpu.vector_store %arg9[%swap3A_170], %swap3A_173 {strides = array<i32>} : memref<256xf32, #tpu.memory_space<vmem>>, vector<16xf32>,
      %broadcast_in_dim3A_174 = arith.constant 0.000000e+00 : f32
      %broadcast_in_dim3A_175 = vector.broadcast %broadcast_in_dim3A_174 : f32 to vector<16xf32>
      %swap3A_176 = arith.constant 176 : index
      %swap3A_177 = tpu.vector_load %arg9[%swap3A_176] {strides = array<i32>} : memref<256xf32, #tpu.memory_space<vmem>>, vector<16xf32>,
      %swap3A_178 = vector.shape_cast %swap3A_177 : vector<16xf32> to vector<16xf32>
      %swap3A_179 = vector.shape_cast %broadcast_in_dim3A_175 : vector<16xf32> to vector<16xf32>
      tpu.vector_store %arg9[%swap3A_176], %swap3A_179 {strides = array<i32>} : memref<256xf32, #tpu.memory_space<vmem>>, vector<16xf32>,
      %broadcast_in_dim3A_180 = arith.constant 0.000000e+00 : f32
      %broadcast_in_dim3A_181 = vector.broadcast %broadcast_in_dim3A_180 : f32 to vector<16xf32>
      %swap3A_182 = arith.constant 192 : index
      %swap3A_183 = tpu.vector_load %arg9[%swap3A_182] {strides = array<i32>} : memref<256xf32, #tpu.memory_space<vmem>>, vector<16xf32>,
      %swap3A_184 = vector.shape_cast %swap3A_183 : vector<16xf32> to vector<16xf32>
      %swap3A_185 = vector.shape_cast %broadcast_in_dim3A_181 : vector<16xf32> to vector<16xf32>
      tpu.vector_store %arg9[%swap3A_182], %swap3A_185 {strides = array<i32>} : memref<256xf32, #tpu.memory_space<vmem>>, vector<16xf32>,
      %broadcast_in_dim3A_186 = arith.constant 0.000000e+00 : f32
      %broadcast_in_dim3A_187 = vector.broadcast %broadcast_in_dim3A_186 : f32 to vector<16xf32>
      %swap3A_188 = arith.constant 208 : index
      %swap3A_189 = tpu.vector_load %arg9[%swap3A_188] {strides = array<i32>} : memref<256xf32, #tpu.memory_space<vmem>>, vector<16xf32>,
      %swap3A_190 = vector.shape_cast %swap3A_189 : vector<16xf32> to vector<16xf32>
      %swap3A_191 = vector.shape_cast %broadcast_in_dim3A_187 : vector<16xf32> to vector<16xf32>
      tpu.vector_store %arg9[%swap3A_188], %swap3A_191 {strides = array<i32>} : memref<256xf32, #tpu.memory_space<vmem>>, vector<16xf32>,
      %broadcast_in_dim3A_192 = arith.constant 0.000000e+00 : f32
      %broadcast_in_dim3A_193 = vector.broadcast %broadcast_in_dim3A_192 : f32 to vector<16xf32>
      %swap3A_194 = arith.constant 224 : index
      %swap3A_195 = tpu.vector_load %arg9[%swap3A_194] {strides = array<i32>} : memref<256xf32, #tpu.memory_space<vmem>>, vector<16xf32>,
      %swap3A_196 = vector.shape_cast %swap3A_195 : vector<16xf32> to vector<16xf32>
      %swap3A_197 = vector.shape_cast %broadcast_in_dim3A_193 : vector<16xf32> to vector<16xf32>
      tpu.vector_store %arg9[%swap3A_194], %swap3A_197 {strides = array<i32>} : memref<256xf32, #tpu.memory_space<vmem>>, vector<16xf32>,
      %broadcast_in_dim3A_198 = arith.constant 0.000000e+00 : f32
      %broadcast_in_dim3A_199 = vector.broadcast %broadcast_in_dim3A_198 : f32 to vector<16xf32>
      %swap3A_200 = arith.constant 240 : index
      %swap3A_201 = tpu.vector_load %arg9[%swap3A_200] {strides = array<i32>} : memref<256xf32, #tpu.memory_space<vmem>>, vector<16xf32>,
      %swap3A_202 = vector.shape_cast %swap3A_201 : vector<16xf32> to vector<16xf32>
      %swap3A_203 = vector.shape_cast %broadcast_in_dim3A_199 : vector<16xf32> to vector<16xf32>
      tpu.vector_store %arg9[%swap3A_200], %swap3A_203 {strides = array<i32>} : memref<256xf32, #tpu.memory_space<vmem>>, vector<16xf32>,
      "tpu.region"() ({
        %run_scoped3A_204 = tpu.sem_alloc : memref<!tpu.dma_semaphore, #tpu.memory_space<semaphore_mem>>
        tpu.enqueue_dma source(%arg9 : memref<256xf32, #tpu.memory_space<vmem>>) target(%arg13 : memref<256xf32, #tpu.memory_space<vmem_shared>>) target_semaphore(%run_scoped3A_204 : memref<!tpu.dma_semaphore, #tpu.memory_space<semaphore_mem>>)
        tpu.wait_dma2 semaphore(%run_scoped3A_204 : memref<!tpu.dma_semaphore, #tpu.memory_space<semaphore_mem>>) src(%arg9 : memref<256xf32, #tpu.memory_space<vmem>>) dst(%arg13 : memref<256xf32, #tpu.memory_space<vmem_shared>>)
        tpu.yield
      }) : () -> ()
    } else {
    }
    %barrier3A_86 = arith.constant 0 : index
    tpu.barrier barrier_id(%barrier3A_86)
    %run_scoped3A = arith.constant 0 : i32
    "tpu.region"() ({
      %run_scoped3A_108 = tpu.sem_alloc : memref<!tpu.dma_semaphore, #tpu.memory_space<semaphore_mem>>
      %dma_start3A = arith.constant 0 : i32
      %dma_start3A_109 = tpu.memref_slice %arg7[%dma_start3A] : memref<2048xf32, #tpu.memory_space<vmem>> -> memref<128xf32, #tpu.memory_space<vmem>>
      %dma_start3A_110 = arith.constant 0 : i32
      %dma_start3A_111 = tpu.memref_slice %arg8[%run_scoped3A, %dma_start3A_110] : memref<16x128xi32, #tpu.memory_space<vmem>> -> memref<1x128xi32, #tpu.memory_space<vmem>>
      %dma_start3A_112 = tpu.memref_squeeze %dma_start3A_111 : memref<1x128xi32, #tpu.memory_space<vmem>> -> memref<128xi32, #tpu.memory_space<vmem>>
      %dma_start3A_113 = arith.constant 0 : i32
      %dma_start3A_114 = tpu.memref_slice %arg13[%dma_start3A_113] : memref<256xf32, #tpu.memory_space<vmem_shared>> -> memref<256xf32, #tpu.memory_space<vmem_shared>>
      tpu.enqueue_indirect_dma source(%dma_start3A_109 : memref<128xf32, #tpu.memory_space<vmem>>) target(%dma_start3A_114 : memref<256xf32, #tpu.memory_space<vmem_shared>>) offsets(%dma_start3A_112 : memref<128xi32, #tpu.memory_space<vmem>>) semaphore(%run_scoped3A_108 : memref<!tpu.dma_semaphore, #tpu.memory_space<semaphore_mem>>) {add = true}
      %dma_wait3A = arith.constant 0 : i32
      %dma_wait3A_115 = tpu.memref_slice %arg7[%dma_wait3A] : memref<2048xf32, #tpu.memory_space<vmem>> -> memref<128xf32, #tpu.memory_space<vmem>>
      %dma_wait3A_116 = arith.constant 0 : i32
      %dma_wait3A_117 = tpu.memref_slice %arg8[%run_scoped3A, %dma_wait3A_116] : memref<16x128xi32, #tpu.memory_space<vmem>> -> memref<1x128xi32, #tpu.memory_space<vmem>>
      %dma_wait3A_118 = tpu.memref_squeeze %dma_wait3A_117 : memref<1x128xi32, #tpu.memory_space<vmem>> -> memref<128xi32, #tpu.memory_space<vmem>>
      %dma_wait3A_119 = arith.constant 0 : i32
      %dma_wait3A_120 = tpu.memref_slice %arg13[%dma_wait3A_119] : memref<256xf32, #tpu.memory_space<vmem_shared>> -> memref<256xf32, #tpu.memory_space<vmem_shared>>
      tpu.wait_indirect_dma semaphore(%run_scoped3A_108 : memref<!tpu.dma_semaphore, #tpu.memory_space<semaphore_mem>>) src(%dma_wait3A_115 : memref<128xf32, #tpu.memory_space<vmem>>) dst(%dma_wait3A_120 : memref<256xf32, #tpu.memory_space<vmem_shared>>)
      tpu.yield
    }) : () -> ()
    %run_scoped3A_87 = arith.constant 1 : i32
    "tpu.region"() ({
      %run_scoped3A_108 = tpu.sem_alloc : memref<!tpu.dma_semaphore, #tpu.memory_space<semaphore_mem>>
      %dma_start3A = arith.constant 128 : i32
      %dma_start3A_109 = tpu.memref_slice %arg7[%dma_start3A] : memref<2048xf32, #tpu.memory_space<vmem>> -> memref<128xf32, #tpu.memory_space<vmem>>
      %dma_start3A_110 = arith.constant 0 : i32
      %dma_start3A_111 = tpu.memref_slice %arg8[%run_scoped3A_87, %dma_start3A_110] : memref<16x128xi32, #tpu.memory_space<vmem>> -> memref<1x128xi32, #tpu.memory_space<vmem>>
      %dma_start3A_112 = tpu.memref_squeeze %dma_start3A_111 : memref<1x128xi32, #tpu.memory_space<vmem>> -> memref<128xi32, #tpu.memory_space<vmem>>
      %dma_start3A_113 = arith.constant 0 : i32
      %dma_start3A_114 = tpu.memref_slice %arg13[%dma_start3A_113] : memref<256xf32, #tpu.memory_space<vmem_shared>> -> memref<256xf32, #tpu.memory_space<vmem_shared>>
      tpu.enqueue_indirect_dma source(%dma_start3A_109 : memref<128xf32, #tpu.memory_space<vmem>>) target(%dma_start3A_114 : memref<256xf32, #tpu.memory_space<vmem_shared>>) offsets(%dma_start3A_112 : memref<128xi32, #tpu.memory_space<vmem>>) semaphore(%run_scoped3A_108 : memref<!tpu.dma_semaphore, #tpu.memory_space<semaphore_mem>>) {add = true}
      %dma_wait3A = arith.constant 128 : i32
      %dma_wait3A_115 = tpu.memref_slice %arg7[%dma_wait3A] : memref<2048xf32, #tpu.memory_space<vmem>> -> memref<128xf32, #tpu.memory_space<vmem>>
      %dma_wait3A_116 = arith.constant 0 : i32
      %dma_wait3A_117 = tpu.memref_slice %arg8[%run_scoped3A_87, %dma_wait3A_116] : memref<16x128xi32, #tpu.memory_space<vmem>> -> memref<1x128xi32, #tpu.memory_space<vmem>>
      %dma_wait3A_118 = tpu.memref_squeeze %dma_wait3A_117 : memref<1x128xi32, #tpu.memory_space<vmem>> -> memref<128xi32, #tpu.memory_space<vmem>>
      %dma_wait3A_119 = arith.constant 0 : i32
      %dma_wait3A_120 = tpu.memref_slice %arg13[%dma_wait3A_119] : memref<256xf32, #tpu.memory_space<vmem_shared>> -> memref<256xf32, #tpu.memory_space<vmem_shared>>
      tpu.wait_indirect_dma semaphore(%run_scoped3A_108 : memref<!tpu.dma_semaphore, #tpu.memory_space<semaphore_mem>>) src(%dma_wait3A_115 : memref<128xf32, #tpu.memory_space<vmem>>) dst(%dma_wait3A_120 : memref<256xf32, #tpu.memory_space<vmem_shared>>)
      tpu.yield
    }) : () -> ()
    %run_scoped3A_88 = arith.constant 2 : i32
    "tpu.region"() ({
      %run_scoped3A_108 = tpu.sem_alloc : memref<!tpu.dma_semaphore, #tpu.memory_space<semaphore_mem>>
      %dma_start3A = arith.constant 256 : i32
      %dma_start3A_109 = tpu.memref_slice %arg7[%dma_start3A] : memref<2048xf32, #tpu.memory_space<vmem>> -> memref<128xf32, #tpu.memory_space<vmem>>
      %dma_start3A_110 = arith.constant 0 : i32
      %dma_start3A_111 = tpu.memref_slice %arg8[%run_scoped3A_88, %dma_start3A_110] : memref<16x128xi32, #tpu.memory_space<vmem>> -> memref<1x128xi32, #tpu.memory_space<vmem>>
      %dma_start3A_112 = tpu.memref_squeeze %dma_start3A_111 : memref<1x128xi32, #tpu.memory_space<vmem>> -> memref<128xi32, #tpu.memory_space<vmem>>
      %dma_start3A_113 = arith.constant 0 : i32
      %dma_start3A_114 = tpu.memref_slice %arg13[%dma_start3A_113] : memref<256xf32, #tpu.memory_space<vmem_shared>> -> memref<256xf32, #tpu.memory_space<vmem_shared>>
      tpu.enqueue_indirect_dma source(%dma_start3A_109 : memref<128xf32, #tpu.memory_space<vmem>>) target(%dma_start3A_114 : memref<256xf32, #tpu.memory_space<vmem_shared>>) offsets(%dma_start3A_112 : memref<128xi32, #tpu.memory_space<vmem>>) semaphore(%run_scoped3A_108 : memref<!tpu.dma_semaphore, #tpu.memory_space<semaphore_mem>>) {add = true}
      %dma_wait3A = arith.constant 256 : i32
      %dma_wait3A_115 = tpu.memref_slice %arg7[%dma_wait3A] : memref<2048xf32, #tpu.memory_space<vmem>> -> memref<128xf32, #tpu.memory_space<vmem>>
      %dma_wait3A_116 = arith.constant 0 : i32
      %dma_wait3A_117 = tpu.memref_slice %arg8[%run_scoped3A_88, %dma_wait3A_116] : memref<16x128xi32, #tpu.memory_space<vmem>> -> memref<1x128xi32, #tpu.memory_space<vmem>>
      %dma_wait3A_118 = tpu.memref_squeeze %dma_wait3A_117 : memref<1x128xi32, #tpu.memory_space<vmem>> -> memref<128xi32, #tpu.memory_space<vmem>>
      %dma_wait3A_119 = arith.constant 0 : i32
      %dma_wait3A_120 = tpu.memref_slice %arg13[%dma_wait3A_119] : memref<256xf32, #tpu.memory_space<vmem_shared>> -> memref<256xf32, #tpu.memory_space<vmem_shared>>
      tpu.wait_indirect_dma semaphore(%run_scoped3A_108 : memref<!tpu.dma_semaphore, #tpu.memory_space<semaphore_mem>>) src(%dma_wait3A_115 : memref<128xf32, #tpu.memory_space<vmem>>) dst(%dma_wait3A_120 : memref<256xf32, #tpu.memory_space<vmem_shared>>)
      tpu.yield
    }) : () -> ()
    %run_scoped3A_89 = arith.constant 3 : i32
    "tpu.region"() ({
      %run_scoped3A_108 = tpu.sem_alloc : memref<!tpu.dma_semaphore, #tpu.memory_space<semaphore_mem>>
      %dma_start3A = arith.constant 384 : i32
      %dma_start3A_109 = tpu.memref_slice %arg7[%dma_start3A] : memref<2048xf32, #tpu.memory_space<vmem>> -> memref<128xf32, #tpu.memory_space<vmem>>
      %dma_start3A_110 = arith.constant 0 : i32
      %dma_start3A_111 = tpu.memref_slice %arg8[%run_scoped3A_89, %dma_start3A_110] : memref<16x128xi32, #tpu.memory_space<vmem>> -> memref<1x128xi32, #tpu.memory_space<vmem>>
      %dma_start3A_112 = tpu.memref_squeeze %dma_start3A_111 : memref<1x128xi32, #tpu.memory_space<vmem>> -> memref<128xi32, #tpu.memory_space<vmem>>
      %dma_start3A_113 = arith.constant 0 : i32
      %dma_start3A_114 = tpu.memref_slice %arg13[%dma_start3A_113] : memref<256xf32, #tpu.memory_space<vmem_shared>> -> memref<256xf32, #tpu.memory_space<vmem_shared>>
      tpu.enqueue_indirect_dma source(%dma_start3A_109 : memref<128xf32, #tpu.memory_space<vmem>>) target(%dma_start3A_114 : memref<256xf32, #tpu.memory_space<vmem_shared>>) offsets(%dma_start3A_112 : memref<128xi32, #tpu.memory_space<vmem>>) semaphore(%run_scoped3A_108 : memref<!tpu.dma_semaphore, #tpu.memory_space<semaphore_mem>>) {add = true}
      %dma_wait3A = arith.constant 384 : i32
      %dma_wait3A_115 = tpu.memref_slice %arg7[%dma_wait3A] : memref<2048xf32, #tpu.memory_space<vmem>> -> memref<128xf32, #tpu.memory_space<vmem>>
      %dma_wait3A_116 = arith.constant 0 : i32
      %dma_wait3A_117 = tpu.memref_slice %arg8[%run_scoped3A_89, %dma_wait3A_116] : memref<16x128xi32, #tpu.memory_space<vmem>> -> memref<1x128xi32, #tpu.memory_space<vmem>>
      %dma_wait3A_118 = tpu.memref_squeeze %dma_wait3A_117 : memref<1x128xi32, #tpu.memory_space<vmem>> -> memref<128xi32, #tpu.memory_space<vmem>>
      %dma_wait3A_119 = arith.constant 0 : i32
      %dma_wait3A_120 = tpu.memref_slice %arg13[%dma_wait3A_119] : memref<256xf32, #tpu.memory_space<vmem_shared>> -> memref<256xf32, #tpu.memory_space<vmem_shared>>
      tpu.wait_indirect_dma semaphore(%run_scoped3A_108 : memref<!tpu.dma_semaphore, #tpu.memory_space<semaphore_mem>>) src(%dma_wait3A_115 : memref<128xf32, #tpu.memory_space<vmem>>) dst(%dma_wait3A_120 : memref<256xf32, #tpu.memory_space<vmem_shared>>)
      tpu.yield
    }) : () -> ()
    %run_scoped3A_90 = arith.constant 4 : i32
    "tpu.region"() ({
      %run_scoped3A_108 = tpu.sem_alloc : memref<!tpu.dma_semaphore, #tpu.memory_space<semaphore_mem>>
      %dma_start3A = arith.constant 512 : i32
      %dma_start3A_109 = tpu.memref_slice %arg7[%dma_start3A] : memref<2048xf32, #tpu.memory_space<vmem>> -> memref<128xf32, #tpu.memory_space<vmem>>
      %dma_start3A_110 = arith.constant 0 : i32
      %dma_start3A_111 = tpu.memref_slice %arg8[%run_scoped3A_90, %dma_start3A_110] : memref<16x128xi32, #tpu.memory_space<vmem>> -> memref<1x128xi32, #tpu.memory_space<vmem>>
      %dma_start3A_112 = tpu.memref_squeeze %dma_start3A_111 : memref<1x128xi32, #tpu.memory_space<vmem>> -> memref<128xi32, #tpu.memory_space<vmem>>
      %dma_start3A_113 = arith.constant 0 : i32
      %dma_start3A_114 = tpu.memref_slice %arg13[%dma_start3A_113] : memref<256xf32, #tpu.memory_space<vmem_shared>> -> memref<256xf32, #tpu.memory_space<vmem_shared>>
      tpu.enqueue_indirect_dma source(%dma_start3A_109 : memref<128xf32, #tpu.memory_space<vmem>>) target(%dma_start3A_114 : memref<256xf32, #tpu.memory_space<vmem_shared>>) offsets(%dma_start3A_112 : memref<128xi32, #tpu.memory_space<vmem>>) semaphore(%run_scoped3A_108 : memref<!tpu.dma_semaphore, #tpu.memory_space<semaphore_mem>>) {add = true}
      %dma_wait3A = arith.constant 512 : i32
      %dma_wait3A_115 = tpu.memref_slice %arg7[%dma_wait3A] : memref<2048xf32, #tpu.memory_space<vmem>> -> memref<128xf32, #tpu.memory_space<vmem>>
      %dma_wait3A_116 = arith.constant 0 : i32
      %dma_wait3A_117 = tpu.memref_slice %arg8[%run_scoped3A_90, %dma_wait3A_116] : memref<16x128xi32, #tpu.memory_space<vmem>> -> memref<1x128xi32, #tpu.memory_space<vmem>>
      %dma_wait3A_118 = tpu.memref_squeeze %dma_wait3A_117 : memref<1x128xi32, #tpu.memory_space<vmem>> -> memref<128xi32, #tpu.memory_space<vmem>>
      %dma_wait3A_119 = arith.constant 0 : i32
      %dma_wait3A_120 = tpu.memref_slice %arg13[%dma_wait3A_119] : memref<256xf32, #tpu.memory_space<vmem_shared>> -> memref<256xf32, #tpu.memory_space<vmem_shared>>
      tpu.wait_indirect_dma semaphore(%run_scoped3A_108 : memref<!tpu.dma_semaphore, #tpu.memory_space<semaphore_mem>>) src(%dma_wait3A_115 : memref<128xf32, #tpu.memory_space<vmem>>) dst(%dma_wait3A_120 : memref<256xf32, #tpu.memory_space<vmem_shared>>)
      tpu.yield
    }) : () -> ()
    %run_scoped3A_91 = arith.constant 5 : i32
    "tpu.region"() ({
      %run_scoped3A_108 = tpu.sem_alloc : memref<!tpu.dma_semaphore, #tpu.memory_space<semaphore_mem>>
      %dma_start3A = arith.constant 640 : i32
      %dma_start3A_109 = tpu.memref_slice %arg7[%dma_start3A] : memref<2048xf32, #tpu.memory_space<vmem>> -> memref<128xf32, #tpu.memory_space<vmem>>
      %dma_start3A_110 = arith.constant 0 : i32
      %dma_start3A_111 = tpu.memref_slice %arg8[%run_scoped3A_91, %dma_start3A_110] : memref<16x128xi32, #tpu.memory_space<vmem>> -> memref<1x128xi32, #tpu.memory_space<vmem>>
      %dma_start3A_112 = tpu.memref_squeeze %dma_start3A_111 : memref<1x128xi32, #tpu.memory_space<vmem>> -> memref<128xi32, #tpu.memory_space<vmem>>
      %dma_start3A_113 = arith.constant 0 : i32
      %dma_start3A_114 = tpu.memref_slice %arg13[%dma_start3A_113] : memref<256xf32, #tpu.memory_space<vmem_shared>> -> memref<256xf32, #tpu.memory_space<vmem_shared>>
      tpu.enqueue_indirect_dma source(%dma_start3A_109 : memref<128xf32, #tpu.memory_space<vmem>>) target(%dma_start3A_114 : memref<256xf32, #tpu.memory_space<vmem_shared>>) offsets(%dma_start3A_112 : memref<128xi32, #tpu.memory_space<vmem>>) semaphore(%run_scoped3A_108 : memref<!tpu.dma_semaphore, #tpu.memory_space<semaphore_mem>>) {add = true}
      %dma_wait3A = arith.constant 640 : i32
      %dma_wait3A_115 = tpu.memref_slice %arg7[%dma_wait3A] : memref<2048xf32, #tpu.memory_space<vmem>> -> memref<128xf32, #tpu.memory_space<vmem>>
      %dma_wait3A_116 = arith.constant 0 : i32
      %dma_wait3A_117 = tpu.memref_slice %arg8[%run_scoped3A_91, %dma_wait3A_116] : memref<16x128xi32, #tpu.memory_space<vmem>> -> memref<1x128xi32, #tpu.memory_space<vmem>>
      %dma_wait3A_118 = tpu.memref_squeeze %dma_wait3A_117 : memref<1x128xi32, #tpu.memory_space<vmem>> -> memref<128xi32, #tpu.memory_space<vmem>>
      %dma_wait3A_119 = arith.constant 0 : i32
      %dma_wait3A_120 = tpu.memref_slice %arg13[%dma_wait3A_119] : memref<256xf32, #tpu.memory_space<vmem_shared>> -> memref<256xf32, #tpu.memory_space<vmem_shared>>
      tpu.wait_indirect_dma semaphore(%run_scoped3A_108 : memref<!tpu.dma_semaphore, #tpu.memory_space<semaphore_mem>>) src(%dma_wait3A_115 : memref<128xf32, #tpu.memory_space<vmem>>) dst(%dma_wait3A_120 : memref<256xf32, #tpu.memory_space<vmem_shared>>)
      tpu.yield
    }) : () -> ()
    %run_scoped3A_92 = arith.constant 6 : i32
    "tpu.region"() ({
      %run_scoped3A_108 = tpu.sem_alloc : memref<!tpu.dma_semaphore, #tpu.memory_space<semaphore_mem>>
      %dma_start3A = arith.constant 768 : i32
      %dma_start3A_109 = tpu.memref_slice %arg7[%dma_start3A] : memref<2048xf32, #tpu.memory_space<vmem>> -> memref<128xf32, #tpu.memory_space<vmem>>
      %dma_start3A_110 = arith.constant 0 : i32
      %dma_start3A_111 = tpu.memref_slice %arg8[%run_scoped3A_92, %dma_start3A_110] : memref<16x128xi32, #tpu.memory_space<vmem>> -> memref<1x128xi32, #tpu.memory_space<vmem>>
      %dma_start3A_112 = tpu.memref_squeeze %dma_start3A_111 : memref<1x128xi32, #tpu.memory_space<vmem>> -> memref<128xi32, #tpu.memory_space<vmem>>
      %dma_start3A_113 = arith.constant 0 : i32
      %dma_start3A_114 = tpu.memref_slice %arg13[%dma_start3A_113] : memref<256xf32, #tpu.memory_space<vmem_shared>> -> memref<256xf32, #tpu.memory_space<vmem_shared>>
      tpu.enqueue_indirect_dma source(%dma_start3A_109 : memref<128xf32, #tpu.memory_space<vmem>>) target(%dma_start3A_114 : memref<256xf32, #tpu.memory_space<vmem_shared>>) offsets(%dma_start3A_112 : memref<128xi32, #tpu.memory_space<vmem>>) semaphore(%run_scoped3A_108 : memref<!tpu.dma_semaphore, #tpu.memory_space<semaphore_mem>>) {add = true}
      %dma_wait3A = arith.constant 768 : i32
      %dma_wait3A_115 = tpu.memref_slice %arg7[%dma_wait3A] : memref<2048xf32, #tpu.memory_space<vmem>> -> memref<128xf32, #tpu.memory_space<vmem>>
      %dma_wait3A_116 = arith.constant 0 : i32
      %dma_wait3A_117 = tpu.memref_slice %arg8[%run_scoped3A_92, %dma_wait3A_116] : memref<16x128xi32, #tpu.memory_space<vmem>> -> memref<1x128xi32, #tpu.memory_space<vmem>>
      %dma_wait3A_118 = tpu.memref_squeeze %dma_wait3A_117 : memref<1x128xi32, #tpu.memory_space<vmem>> -> memref<128xi32, #tpu.memory_space<vmem>>
      %dma_wait3A_119 = arith.constant 0 : i32
      %dma_wait3A_120 = tpu.memref_slice %arg13[%dma_wait3A_119] : memref<256xf32, #tpu.memory_space<vmem_shared>> -> memref<256xf32, #tpu.memory_space<vmem_shared>>
      tpu.wait_indirect_dma semaphore(%run_scoped3A_108 : memref<!tpu.dma_semaphore, #tpu.memory_space<semaphore_mem>>) src(%dma_wait3A_115 : memref<128xf32, #tpu.memory_space<vmem>>) dst(%dma_wait3A_120 : memref<256xf32, #tpu.memory_space<vmem_shared>>)
      tpu.yield
    }) : () -> ()
    %run_scoped3A_93 = arith.constant 7 : i32
    "tpu.region"() ({
      %run_scoped3A_108 = tpu.sem_alloc : memref<!tpu.dma_semaphore, #tpu.memory_space<semaphore_mem>>
      %dma_start3A = arith.constant 896 : i32
      %dma_start3A_109 = tpu.memref_slice %arg7[%dma_start3A] : memref<2048xf32, #tpu.memory_space<vmem>> -> memref<128xf32, #tpu.memory_space<vmem>>
      %dma_start3A_110 = arith.constant 0 : i32
      %dma_start3A_111 = tpu.memref_slice %arg8[%run_scoped3A_93, %dma_start3A_110] : memref<16x128xi32, #tpu.memory_space<vmem>> -> memref<1x128xi32, #tpu.memory_space<vmem>>
      %dma_start3A_112 = tpu.memref_squeeze %dma_start3A_111 : memref<1x128xi32, #tpu.memory_space<vmem>> -> memref<128xi32, #tpu.memory_space<vmem>>
      %dma_start3A_113 = arith.constant 0 : i32
      %dma_start3A_114 = tpu.memref_slice %arg13[%dma_start3A_113] : memref<256xf32, #tpu.memory_space<vmem_shared>> -> memref<256xf32, #tpu.memory_space<vmem_shared>>
      tpu.enqueue_indirect_dma source(%dma_start3A_109 : memref<128xf32, #tpu.memory_space<vmem>>) target(%dma_start3A_114 : memref<256xf32, #tpu.memory_space<vmem_shared>>) offsets(%dma_start3A_112 : memref<128xi32, #tpu.memory_space<vmem>>) semaphore(%run_scoped3A_108 : memref<!tpu.dma_semaphore, #tpu.memory_space<semaphore_mem>>) {add = true}
      %dma_wait3A = arith.constant 896 : i32
      %dma_wait3A_115 = tpu.memref_slice %arg7[%dma_wait3A] : memref<2048xf32, #tpu.memory_space<vmem>> -> memref<128xf32, #tpu.memory_space<vmem>>
      %dma_wait3A_116 = arith.constant 0 : i32
      %dma_wait3A_117 = tpu.memref_slice %arg8[%run_scoped3A_93, %dma_wait3A_116] : memref<16x128xi32, #tpu.memory_space<vmem>> -> memref<1x128xi32, #tpu.memory_space<vmem>>
      %dma_wait3A_118 = tpu.memref_squeeze %dma_wait3A_117 : memref<1x128xi32, #tpu.memory_space<vmem>> -> memref<128xi32, #tpu.memory_space<vmem>>
      %dma_wait3A_119 = arith.constant 0 : i32
      %dma_wait3A_120 = tpu.memref_slice %arg13[%dma_wait3A_119] : memref<256xf32, #tpu.memory_space<vmem_shared>> -> memref<256xf32, #tpu.memory_space<vmem_shared>>
      tpu.wait_indirect_dma semaphore(%run_scoped3A_108 : memref<!tpu.dma_semaphore, #tpu.memory_space<semaphore_mem>>) src(%dma_wait3A_115 : memref<128xf32, #tpu.memory_space<vmem>>) dst(%dma_wait3A_120 : memref<256xf32, #tpu.memory_space<vmem_shared>>)
      tpu.yield
    }) : () -> ()
    %run_scoped3A_94 = arith.constant 8 : i32
    "tpu.region"() ({
      %run_scoped3A_108 = tpu.sem_alloc : memref<!tpu.dma_semaphore, #tpu.memory_space<semaphore_mem>>
      %dma_start3A = arith.constant 1024 : i32
      %dma_start3A_109 = tpu.memref_slice %arg7[%dma_start3A] : memref<2048xf32, #tpu.memory_space<vmem>> -> memref<128xf32, #tpu.memory_space<vmem>>
      %dma_start3A_110 = arith.constant 0 : i32
      %dma_start3A_111 = tpu.memref_slice %arg8[%run_scoped3A_94, %dma_start3A_110] : memref<16x128xi32, #tpu.memory_space<vmem>> -> memref<1x128xi32, #tpu.memory_space<vmem>>
      %dma_start3A_112 = tpu.memref_squeeze %dma_start3A_111 : memref<1x128xi32, #tpu.memory_space<vmem>> -> memref<128xi32, #tpu.memory_space<vmem>>
      %dma_start3A_113 = arith.constant 0 : i32
      %dma_start3A_114 = tpu.memref_slice %arg13[%dma_start3A_113] : memref<256xf32, #tpu.memory_space<vmem_shared>> -> memref<256xf32, #tpu.memory_space<vmem_shared>>
      tpu.enqueue_indirect_dma source(%dma_start3A_109 : memref<128xf32, #tpu.memory_space<vmem>>) target(%dma_start3A_114 : memref<256xf32, #tpu.memory_space<vmem_shared>>) offsets(%dma_start3A_112 : memref<128xi32, #tpu.memory_space<vmem>>) semaphore(%run_scoped3A_108 : memref<!tpu.dma_semaphore, #tpu.memory_space<semaphore_mem>>) {add = true}
      %dma_wait3A = arith.constant 1024 : i32
      %dma_wait3A_115 = tpu.memref_slice %arg7[%dma_wait3A] : memref<2048xf32, #tpu.memory_space<vmem>> -> memref<128xf32, #tpu.memory_space<vmem>>
      %dma_wait3A_116 = arith.constant 0 : i32
      %dma_wait3A_117 = tpu.memref_slice %arg8[%run_scoped3A_94, %dma_wait3A_116] : memref<16x128xi32, #tpu.memory_space<vmem>> -> memref<1x128xi32, #tpu.memory_space<vmem>>
      %dma_wait3A_118 = tpu.memref_squeeze %dma_wait3A_117 : memref<1x128xi32, #tpu.memory_space<vmem>> -> memref<128xi32, #tpu.memory_space<vmem>>
      %dma_wait3A_119 = arith.constant 0 : i32
      %dma_wait3A_120 = tpu.memref_slice %arg13[%dma_wait3A_119] : memref<256xf32, #tpu.memory_space<vmem_shared>> -> memref<256xf32, #tpu.memory_space<vmem_shared>>
      tpu.wait_indirect_dma semaphore(%run_scoped3A_108 : memref<!tpu.dma_semaphore, #tpu.memory_space<semaphore_mem>>) src(%dma_wait3A_115 : memref<128xf32, #tpu.memory_space<vmem>>) dst(%dma_wait3A_120 : memref<256xf32, #tpu.memory_space<vmem_shared>>)
      tpu.yield
    }) : () -> ()
    %run_scoped3A_95 = arith.constant 9 : i32
    "tpu.region"() ({
      %run_scoped3A_108 = tpu.sem_alloc : memref<!tpu.dma_semaphore, #tpu.memory_space<semaphore_mem>>
      %dma_start3A = arith.constant 1152 : i32
      %dma_start3A_109 = tpu.memref_slice %arg7[%dma_start3A] : memref<2048xf32, #tpu.memory_space<vmem>> -> memref<128xf32, #tpu.memory_space<vmem>>
      %dma_start3A_110 = arith.constant 0 : i32
      %dma_start3A_111 = tpu.memref_slice %arg8[%run_scoped3A_95, %dma_start3A_110] : memref<16x128xi32, #tpu.memory_space<vmem>> -> memref<1x128xi32, #tpu.memory_space<vmem>>
      %dma_start3A_112 = tpu.memref_squeeze %dma_start3A_111 : memref<1x128xi32, #tpu.memory_space<vmem>> -> memref<128xi32, #tpu.memory_space<vmem>>
      %dma_start3A_113 = arith.constant 0 : i32
      %dma_start3A_114 = tpu.memref_slice %arg13[%dma_start3A_113] : memref<256xf32, #tpu.memory_space<vmem_shared>> -> memref<256xf32, #tpu.memory_space<vmem_shared>>
      tpu.enqueue_indirect_dma source(%dma_start3A_109 : memref<128xf32, #tpu.memory_space<vmem>>) target(%dma_start3A_114 : memref<256xf32, #tpu.memory_space<vmem_shared>>) offsets(%dma_start3A_112 : memref<128xi32, #tpu.memory_space<vmem>>) semaphore(%run_scoped3A_108 : memref<!tpu.dma_semaphore, #tpu.memory_space<semaphore_mem>>) {add = true}
      %dma_wait3A = arith.constant 1152 : i32
      %dma_wait3A_115 = tpu.memref_slice %arg7[%dma_wait3A] : memref<2048xf32, #tpu.memory_space<vmem>> -> memref<128xf32, #tpu.memory_space<vmem>>
      %dma_wait3A_116 = arith.constant 0 : i32
      %dma_wait3A_117 = tpu.memref_slice %arg8[%run_scoped3A_95, %dma_wait3A_116] : memref<16x128xi32, #tpu.memory_space<vmem>> -> memref<1x128xi32, #tpu.memory_space<vmem>>
      %dma_wait3A_118 = tpu.memref_squeeze %dma_wait3A_117 : memref<1x128xi32, #tpu.memory_space<vmem>> -> memref<128xi32, #tpu.memory_space<vmem>>
      %dma_wait3A_119 = arith.constant 0 : i32
      %dma_wait3A_120 = tpu.memref_slice %arg13[%dma_wait3A_119] : memref<256xf32, #tpu.memory_space<vmem_shared>> -> memref<256xf32, #tpu.memory_space<vmem_shared>>
      tpu.wait_indirect_dma semaphore(%run_scoped3A_108 : memref<!tpu.dma_semaphore, #tpu.memory_space<semaphore_mem>>) src(%dma_wait3A_115 : memref<128xf32, #tpu.memory_space<vmem>>) dst(%dma_wait3A_120 : memref<256xf32, #tpu.memory_space<vmem_shared>>)
      tpu.yield
    }) : () -> ()
    %run_scoped3A_96 = arith.constant 10 : i32
    "tpu.region"() ({
      %run_scoped3A_108 = tpu.sem_alloc : memref<!tpu.dma_semaphore, #tpu.memory_space<semaphore_mem>>
      %dma_start3A = arith.constant 1280 : i32
      %dma_start3A_109 = tpu.memref_slice %arg7[%dma_start3A] : memref<2048xf32, #tpu.memory_space<vmem>> -> memref<128xf32, #tpu.memory_space<vmem>>
      %dma_start3A_110 = arith.constant 0 : i32
      %dma_start3A_111 = tpu.memref_slice %arg8[%run_scoped3A_96, %dma_start3A_110] : memref<16x128xi32, #tpu.memory_space<vmem>> -> memref<1x128xi32, #tpu.memory_space<vmem>>
      %dma_start3A_112 = tpu.memref_squeeze %dma_start3A_111 : memref<1x128xi32, #tpu.memory_space<vmem>> -> memref<128xi32, #tpu.memory_space<vmem>>
      %dma_start3A_113 = arith.constant 0 : i32
      %dma_start3A_114 = tpu.memref_slice %arg13[%dma_start3A_113] : memref<256xf32, #tpu.memory_space<vmem_shared>> -> memref<256xf32, #tpu.memory_space<vmem_shared>>
      tpu.enqueue_indirect_dma source(%dma_start3A_109 : memref<128xf32, #tpu.memory_space<vmem>>) target(%dma_start3A_114 : memref<256xf32, #tpu.memory_space<vmem_shared>>) offsets(%dma_start3A_112 : memref<128xi32, #tpu.memory_space<vmem>>) semaphore(%run_scoped3A_108 : memref<!tpu.dma_semaphore, #tpu.memory_space<semaphore_mem>>) {add = true}
      %dma_wait3A = arith.constant 1280 : i32
      %dma_wait3A_115 = tpu.memref_slice %arg7[%dma_wait3A] : memref<2048xf32, #tpu.memory_space<vmem>> -> memref<128xf32, #tpu.memory_space<vmem>>
      %dma_wait3A_116 = arith.constant 0 : i32
      %dma_wait3A_117 = tpu.memref_slice %arg8[%run_scoped3A_96, %dma_wait3A_116] : memref<16x128xi32, #tpu.memory_space<vmem>> -> memref<1x128xi32, #tpu.memory_space<vmem>>
      %dma_wait3A_118 = tpu.memref_squeeze %dma_wait3A_117 : memref<1x128xi32, #tpu.memory_space<vmem>> -> memref<128xi32, #tpu.memory_space<vmem>>
      %dma_wait3A_119 = arith.constant 0 : i32
      %dma_wait3A_120 = tpu.memref_slice %arg13[%dma_wait3A_119] : memref<256xf32, #tpu.memory_space<vmem_shared>> -> memref<256xf32, #tpu.memory_space<vmem_shared>>
      tpu.wait_indirect_dma semaphore(%run_scoped3A_108 : memref<!tpu.dma_semaphore, #tpu.memory_space<semaphore_mem>>) src(%dma_wait3A_115 : memref<128xf32, #tpu.memory_space<vmem>>) dst(%dma_wait3A_120 : memref<256xf32, #tpu.memory_space<vmem_shared>>)
      tpu.yield
    }) : () -> ()
    %run_scoped3A_97 = arith.constant 11 : i32
    "tpu.region"() ({
      %run_scoped3A_108 = tpu.sem_alloc : memref<!tpu.dma_semaphore, #tpu.memory_space<semaphore_mem>>
      %dma_start3A = arith.constant 1408 : i32
      %dma_start3A_109 = tpu.memref_slice %arg7[%dma_start3A] : memref<2048xf32, #tpu.memory_space<vmem>> -> memref<128xf32, #tpu.memory_space<vmem>>
      %dma_start3A_110 = arith.constant 0 : i32
      %dma_start3A_111 = tpu.memref_slice %arg8[%run_scoped3A_97, %dma_start3A_110] : memref<16x128xi32, #tpu.memory_space<vmem>> -> memref<1x128xi32, #tpu.memory_space<vmem>>
      %dma_start3A_112 = tpu.memref_squeeze %dma_start3A_111 : memref<1x128xi32, #tpu.memory_space<vmem>> -> memref<128xi32, #tpu.memory_space<vmem>>
      %dma_start3A_113 = arith.constant 0 : i32
      %dma_start3A_114 = tpu.memref_slice %arg13[%dma_start3A_113] : memref<256xf32, #tpu.memory_space<vmem_shared>> -> memref<256xf32, #tpu.memory_space<vmem_shared>>
      tpu.enqueue_indirect_dma source(%dma_start3A_109 : memref<128xf32, #tpu.memory_space<vmem>>) target(%dma_start3A_114 : memref<256xf32, #tpu.memory_space<vmem_shared>>) offsets(%dma_start3A_112 : memref<128xi32, #tpu.memory_space<vmem>>) semaphore(%run_scoped3A_108 : memref<!tpu.dma_semaphore, #tpu.memory_space<semaphore_mem>>) {add = true}
      %dma_wait3A = arith.constant 1408 : i32
      %dma_wait3A_115 = tpu.memref_slice %arg7[%dma_wait3A] : memref<2048xf32, #tpu.memory_space<vmem>> -> memref<128xf32, #tpu.memory_space<vmem>>
      %dma_wait3A_116 = arith.constant 0 : i32
      %dma_wait3A_117 = tpu.memref_slice %arg8[%run_scoped3A_97, %dma_wait3A_116] : memref<16x128xi32, #tpu.memory_space<vmem>> -> memref<1x128xi32, #tpu.memory_space<vmem>>
      %dma_wait3A_118 = tpu.memref_squeeze %dma_wait3A_117 : memref<1x128xi32, #tpu.memory_space<vmem>> -> memref<128xi32, #tpu.memory_space<vmem>>
      %dma_wait3A_119 = arith.constant 0 : i32
      %dma_wait3A_120 = tpu.memref_slice %arg13[%dma_wait3A_119] : memref<256xf32, #tpu.memory_space<vmem_shared>> -> memref<256xf32, #tpu.memory_space<vmem_shared>>
      tpu.wait_indirect_dma semaphore(%run_scoped3A_108 : memref<!tpu.dma_semaphore, #tpu.memory_space<semaphore_mem>>) src(%dma_wait3A_115 : memref<128xf32, #tpu.memory_space<vmem>>) dst(%dma_wait3A_120 : memref<256xf32, #tpu.memory_space<vmem_shared>>)
      tpu.yield
    }) : () -> ()
    %run_scoped3A_98 = arith.constant 12 : i32
    "tpu.region"() ({
      %run_scoped3A_108 = tpu.sem_alloc : memref<!tpu.dma_semaphore, #tpu.memory_space<semaphore_mem>>
      %dma_start3A = arith.constant 1536 : i32
      %dma_start3A_109 = tpu.memref_slice %arg7[%dma_start3A] : memref<2048xf32, #tpu.memory_space<vmem>> -> memref<128xf32, #tpu.memory_space<vmem>>
      %dma_start3A_110 = arith.constant 0 : i32
      %dma_start3A_111 = tpu.memref_slice %arg8[%run_scoped3A_98, %dma_start3A_110] : memref<16x128xi32, #tpu.memory_space<vmem>> -> memref<1x128xi32, #tpu.memory_space<vmem>>
      %dma_start3A_112 = tpu.memref_squeeze %dma_start3A_111 : memref<1x128xi32, #tpu.memory_space<vmem>> -> memref<128xi32, #tpu.memory_space<vmem>>
      %dma_start3A_113 = arith.constant 0 : i32
      %dma_start3A_114 = tpu.memref_slice %arg13[%dma_start3A_113] : memref<256xf32, #tpu.memory_space<vmem_shared>> -> memref<256xf32, #tpu.memory_space<vmem_shared>>
      tpu.enqueue_indirect_dma source(%dma_start3A_109 : memref<128xf32, #tpu.memory_space<vmem>>) target(%dma_start3A_114 : memref<256xf32, #tpu.memory_space<vmem_shared>>) offsets(%dma_start3A_112 : memref<128xi32, #tpu.memory_space<vmem>>) semaphore(%run_scoped3A_108 : memref<!tpu.dma_semaphore, #tpu.memory_space<semaphore_mem>>) {add = true}
      %dma_wait3A = arith.constant 1536 : i32
      %dma_wait3A_115 = tpu.memref_slice %arg7[%dma_wait3A] : memref<2048xf32, #tpu.memory_space<vmem>> -> memref<128xf32, #tpu.memory_space<vmem>>
      %dma_wait3A_116 = arith.constant 0 : i32
      %dma_wait3A_117 = tpu.memref_slice %arg8[%run_scoped3A_98, %dma_wait3A_116] : memref<16x128xi32, #tpu.memory_space<vmem>> -> memref<1x128xi32, #tpu.memory_space<vmem>>
      %dma_wait3A_118 = tpu.memref_squeeze %dma_wait3A_117 : memref<1x128xi32, #tpu.memory_space<vmem>> -> memref<128xi32, #tpu.memory_space<vmem>>
      %dma_wait3A_119 = arith.constant 0 : i32
      %dma_wait3A_120 = tpu.memref_slice %arg13[%dma_wait3A_119] : memref<256xf32, #tpu.memory_space<vmem_shared>> -> memref<256xf32, #tpu.memory_space<vmem_shared>>
      tpu.wait_indirect_dma semaphore(%run_scoped3A_108 : memref<!tpu.dma_semaphore, #tpu.memory_space<semaphore_mem>>) src(%dma_wait3A_115 : memref<128xf32, #tpu.memory_space<vmem>>) dst(%dma_wait3A_120 : memref<256xf32, #tpu.memory_space<vmem_shared>>)
      tpu.yield
    }) : () -> ()
    %run_scoped3A_99 = arith.constant 13 : i32
    "tpu.region"() ({
      %run_scoped3A_108 = tpu.sem_alloc : memref<!tpu.dma_semaphore, #tpu.memory_space<semaphore_mem>>
      %dma_start3A = arith.constant 1664 : i32
      %dma_start3A_109 = tpu.memref_slice %arg7[%dma_start3A] : memref<2048xf32, #tpu.memory_space<vmem>> -> memref<128xf32, #tpu.memory_space<vmem>>
      %dma_start3A_110 = arith.constant 0 : i32
      %dma_start3A_111 = tpu.memref_slice %arg8[%run_scoped3A_99, %dma_start3A_110] : memref<16x128xi32, #tpu.memory_space<vmem>> -> memref<1x128xi32, #tpu.memory_space<vmem>>
      %dma_start3A_112 = tpu.memref_squeeze %dma_start3A_111 : memref<1x128xi32, #tpu.memory_space<vmem>> -> memref<128xi32, #tpu.memory_space<vmem>>
      %dma_start3A_113 = arith.constant 0 : i32
      %dma_start3A_114 = tpu.memref_slice %arg13[%dma_start3A_113] : memref<256xf32, #tpu.memory_space<vmem_shared>> -> memref<256xf32, #tpu.memory_space<vmem_shared>>
      tpu.enqueue_indirect_dma source(%dma_start3A_109 : memref<128xf32, #tpu.memory_space<vmem>>) target(%dma_start3A_114 : memref<256xf32, #tpu.memory_space<vmem_shared>>) offsets(%dma_start3A_112 : memref<128xi32, #tpu.memory_space<vmem>>) semaphore(%run_scoped3A_108 : memref<!tpu.dma_semaphore, #tpu.memory_space<semaphore_mem>>) {add = true}
      %dma_wait3A = arith.constant 1664 : i32
      %dma_wait3A_115 = tpu.memref_slice %arg7[%dma_wait3A] : memref<2048xf32, #tpu.memory_space<vmem>> -> memref<128xf32, #tpu.memory_space<vmem>>
      %dma_wait3A_116 = arith.constant 0 : i32
      %dma_wait3A_117 = tpu.memref_slice %arg8[%run_scoped3A_99, %dma_wait3A_116] : memref<16x128xi32, #tpu.memory_space<vmem>> -> memref<1x128xi32, #tpu.memory_space<vmem>>
      %dma_wait3A_118 = tpu.memref_squeeze %dma_wait3A_117 : memref<1x128xi32, #tpu.memory_space<vmem>> -> memref<128xi32, #tpu.memory_space<vmem>>
      %dma_wait3A_119 = arith.constant 0 : i32
      %dma_wait3A_120 = tpu.memref_slice %arg13[%dma_wait3A_119] : memref<256xf32, #tpu.memory_space<vmem_shared>> -> memref<256xf32, #tpu.memory_space<vmem_shared>>
      tpu.wait_indirect_dma semaphore(%run_scoped3A_108 : memref<!tpu.dma_semaphore, #tpu.memory_space<semaphore_mem>>) src(%dma_wait3A_115 : memref<128xf32, #tpu.memory_space<vmem>>) dst(%dma_wait3A_120 : memref<256xf32, #tpu.memory_space<vmem_shared>>)
      tpu.yield
    }) : () -> ()
    %run_scoped3A_100 = arith.constant 14 : i32
    "tpu.region"() ({
      %run_scoped3A_108 = tpu.sem_alloc : memref<!tpu.dma_semaphore, #tpu.memory_space<semaphore_mem>>
      %dma_start3A = arith.constant 1792 : i32
      %dma_start3A_109 = tpu.memref_slice %arg7[%dma_start3A] : memref<2048xf32, #tpu.memory_space<vmem>> -> memref<128xf32, #tpu.memory_space<vmem>>
      %dma_start3A_110 = arith.constant 0 : i32
      %dma_start3A_111 = tpu.memref_slice %arg8[%run_scoped3A_100, %dma_start3A_110] : memref<16x128xi32, #tpu.memory_space<vmem>> -> memref<1x128xi32, #tpu.memory_space<vmem>>
      %dma_start3A_112 = tpu.memref_squeeze %dma_start3A_111 : memref<1x128xi32, #tpu.memory_space<vmem>> -> memref<128xi32, #tpu.memory_space<vmem>>
      %dma_start3A_113 = arith.constant 0 : i32
      %dma_start3A_114 = tpu.memref_slice %arg13[%dma_start3A_113] : memref<256xf32, #tpu.memory_space<vmem_shared>> -> memref<256xf32, #tpu.memory_space<vmem_shared>>
      tpu.enqueue_indirect_dma source(%dma_start3A_109 : memref<128xf32, #tpu.memory_space<vmem>>) target(%dma_start3A_114 : memref<256xf32, #tpu.memory_space<vmem_shared>>) offsets(%dma_start3A_112 : memref<128xi32, #tpu.memory_space<vmem>>) semaphore(%run_scoped3A_108 : memref<!tpu.dma_semaphore, #tpu.memory_space<semaphore_mem>>) {add = true}
      %dma_wait3A = arith.constant 1792 : i32
      %dma_wait3A_115 = tpu.memref_slice %arg7[%dma_wait3A] : memref<2048xf32, #tpu.memory_space<vmem>> -> memref<128xf32, #tpu.memory_space<vmem>>
      %dma_wait3A_116 = arith.constant 0 : i32
      %dma_wait3A_117 = tpu.memref_slice %arg8[%run_scoped3A_100, %dma_wait3A_116] : memref<16x128xi32, #tpu.memory_space<vmem>> -> memref<1x128xi32, #tpu.memory_space<vmem>>
      %dma_wait3A_118 = tpu.memref_squeeze %dma_wait3A_117 : memref<1x128xi32, #tpu.memory_space<vmem>> -> memref<128xi32, #tpu.memory_space<vmem>>
      %dma_wait3A_119 = arith.constant 0 : i32
      %dma_wait3A_120 = tpu.memref_slice %arg13[%dma_wait3A_119] : memref<256xf32, #tpu.memory_space<vmem_shared>> -> memref<256xf32, #tpu.memory_space<vmem_shared>>
      tpu.wait_indirect_dma semaphore(%run_scoped3A_108 : memref<!tpu.dma_semaphore, #tpu.memory_space<semaphore_mem>>) src(%dma_wait3A_115 : memref<128xf32, #tpu.memory_space<vmem>>) dst(%dma_wait3A_120 : memref<256xf32, #tpu.memory_space<vmem_shared>>)
      tpu.yield
    }) : () -> ()
    %run_scoped3A_101 = arith.constant 15 : i32
    "tpu.region"() ({
      %run_scoped3A_108 = tpu.sem_alloc : memref<!tpu.dma_semaphore, #tpu.memory_space<semaphore_mem>>
      %dma_start3A = arith.constant 1920 : i32
      %dma_start3A_109 = tpu.memref_slice %arg7[%dma_start3A] : memref<2048xf32, #tpu.memory_space<vmem>> -> memref<128xf32, #tpu.memory_space<vmem>>
      %dma_start3A_110 = arith.constant 0 : i32
      %dma_start3A_111 = tpu.memref_slice %arg8[%run_scoped3A_101, %dma_start3A_110] : memref<16x128xi32, #tpu.memory_space<vmem>> -> memref<1x128xi32, #tpu.memory_space<vmem>>
      %dma_start3A_112 = tpu.memref_squeeze %dma_start3A_111 : memref<1x128xi32, #tpu.memory_space<vmem>> -> memref<128xi32, #tpu.memory_space<vmem>>
      %dma_start3A_113 = arith.constant 0 : i32
      %dma_start3A_114 = tpu.memref_slice %arg13[%dma_start3A_113] : memref<256xf32, #tpu.memory_space<vmem_shared>> -> memref<256xf32, #tpu.memory_space<vmem_shared>>
      tpu.enqueue_indirect_dma source(%dma_start3A_109 : memref<128xf32, #tpu.memory_space<vmem>>) target(%dma_start3A_114 : memref<256xf32, #tpu.memory_space<vmem_shared>>) offsets(%dma_start3A_112 : memref<128xi32, #tpu.memory_space<vmem>>) semaphore(%run_scoped3A_108 : memref<!tpu.dma_semaphore, #tpu.memory_space<semaphore_mem>>) {add = true}
      %dma_wait3A = arith.constant 1920 : i32
      %dma_wait3A_115 = tpu.memref_slice %arg7[%dma_wait3A] : memref<2048xf32, #tpu.memory_space<vmem>> -> memref<128xf32, #tpu.memory_space<vmem>>
      %dma_wait3A_116 = arith.constant 0 : i32
      %dma_wait3A_117 = tpu.memref_slice %arg8[%run_scoped3A_101, %dma_wait3A_116] : memref<16x128xi32, #tpu.memory_space<vmem>> -> memref<1x128xi32, #tpu.memory_space<vmem>>
      %dma_wait3A_118 = tpu.memref_squeeze %dma_wait3A_117 : memref<1x128xi32, #tpu.memory_space<vmem>> -> memref<128xi32, #tpu.memory_space<vmem>>
      %dma_wait3A_119 = arith.constant 0 : i32
      %dma_wait3A_120 = tpu.memref_slice %arg13[%dma_wait3A_119] : memref<256xf32, #tpu.memory_space<vmem_shared>> -> memref<256xf32, #tpu.memory_space<vmem_shared>>
      tpu.wait_indirect_dma semaphore(%run_scoped3A_108 : memref<!tpu.dma_semaphore, #tpu.memory_space<semaphore_mem>>) src(%dma_wait3A_115 : memref<128xf32, #tpu.memory_space<vmem>>) dst(%dma_wait3A_120 : memref<256xf32, #tpu.memory_space<vmem_shared>>)
      tpu.yield
    }) : () -> ()
    %barrier3A_102 = arith.constant 0 : index
    tpu.barrier barrier_id(%barrier3A_102)
    %eq3A_103 = arith.constant 0 : i32
    %eq3A_104 = arith.cmpi eq, %arg1, %eq3A_103 : i32
    %convert_element_type3A_105 = arith.extui %eq3A_104 : i1 to i32
    %cond3A_106 = arith.constant 0 : i32
    %cond3A_107 = arith.cmpi ne, %convert_element_type3A_105, %cond3A_106 : i32
    scf.if %cond3A_107 {
      %mul3A_108 = arith.constant 256 : i32
      %mul3A_109 = arith.muli %arg0, %mul3A_108 : i32
      "tpu.region"() ({
        %run_scoped3A_176 = tpu.sem_alloc : memref<!tpu.dma_semaphore, #tpu.memory_space<semaphore_mem>>
        %dma_start3A = tpu.memref_slice %arg5[%mul3A_109] : memref<512xf32, #tpu.memory_space<hbm>> -> memref<256xf32, #tpu.memory_space<hbm>>
        tpu.enqueue_dma source(%arg13 : memref<256xf32, #tpu.memory_space<vmem_shared>>) target(%dma_start3A : memref<256xf32, #tpu.memory_space<hbm>>) target_semaphore(%run_scoped3A_176 : memref<!tpu.dma_semaphore, #tpu.memory_space<semaphore_mem>>)
        %dma_wait3A = tpu.memref_slice %arg5[%mul3A_109] : memref<512xf32, #tpu.memory_space<hbm>> -> memref<256xf32, #tpu.memory_space<hbm>>
        tpu.wait_dma2 semaphore(%run_scoped3A_176 : memref<!tpu.dma_semaphore, #tpu.memory_space<semaphore_mem>>) src(%arg13 : memref<256xf32, #tpu.memory_space<vmem_shared>>) dst(%dma_wait3A : memref<256xf32, #tpu.memory_space<hbm>>)
        tpu.yield
      }) : () -> ()
      %swap3A_110 = arith.constant 0 : index
      %swap3A_111 = tpu.vector_load %arg9[%swap3A_110] {strides = array<i32>} : memref<256xf32, #tpu.memory_space<vmem>>, vector<16xf32>,
      %swap3A_112 = vector.shape_cast %swap3A_111 : vector<16xf32> to vector<16xf32>
      %swap3A_113 = vector.shape_cast %max3A_77 : vector<16xf32> to vector<16xf32>
      tpu.vector_store %arg9[%swap3A_110], %swap3A_113 {strides = array<i32>} : memref<256xf32, #tpu.memory_space<vmem>>, vector<16xf32>,
      %swap3A_114 = arith.constant 16 : index
      %swap3A_115 = tpu.vector_load %arg9[%swap3A_114] {strides = array<i32>} : memref<256xf32, #tpu.memory_space<vmem>>, vector<16xf32>,
      %swap3A_116 = vector.shape_cast %swap3A_115 : vector<16xf32> to vector<16xf32>
      %swap3A_117 = vector.shape_cast %max3A_77 : vector<16xf32> to vector<16xf32>
      tpu.vector_store %arg9[%swap3A_114], %swap3A_117 {strides = array<i32>} : memref<256xf32, #tpu.memory_space<vmem>>, vector<16xf32>,
      %swap3A_118 = arith.constant 32 : index
      %swap3A_119 = tpu.vector_load %arg9[%swap3A_118] {strides = array<i32>} : memref<256xf32, #tpu.memory_space<vmem>>, vector<16xf32>,
      %swap3A_120 = vector.shape_cast %swap3A_119 : vector<16xf32> to vector<16xf32>
      %swap3A_121 = vector.shape_cast %max3A_77 : vector<16xf32> to vector<16xf32>
      tpu.vector_store %arg9[%swap3A_118], %swap3A_121 {strides = array<i32>} : memref<256xf32, #tpu.memory_space<vmem>>, vector<16xf32>,
      %swap3A_122 = arith.constant 48 : index
      %swap3A_123 = tpu.vector_load %arg9[%swap3A_122] {strides = array<i32>} : memref<256xf32, #tpu.memory_space<vmem>>, vector<16xf32>,
      %swap3A_124 = vector.shape_cast %swap3A_123 : vector<16xf32> to vector<16xf32>
      %swap3A_125 = vector.shape_cast %max3A_77 : vector<16xf32> to vector<16xf32>
      tpu.vector_store %arg9[%swap3A_122], %swap3A_125 {strides = array<i32>} : memref<256xf32, #tpu.memory_space<vmem>>, vector<16xf32>,
      %swap3A_126 = arith.constant 64 : index
      %swap3A_127 = tpu.vector_load %arg9[%swap3A_126] {strides = array<i32>} : memref<256xf32, #tpu.memory_space<vmem>>, vector<16xf32>,
      %swap3A_128 = vector.shape_cast %swap3A_127 : vector<16xf32> to vector<16xf32>
      %swap3A_129 = vector.shape_cast %max3A_77 : vector<16xf32> to vector<16xf32>
      tpu.vector_store %arg9[%swap3A_126], %swap3A_129 {strides = array<i32>} : memref<256xf32, #tpu.memory_space<vmem>>, vector<16xf32>,
      %swap3A_130 = arith.constant 80 : index
      %swap3A_131 = tpu.vector_load %arg9[%swap3A_130] {strides = array<i32>} : memref<256xf32, #tpu.memory_space<vmem>>, vector<16xf32>,
      %swap3A_132 = vector.shape_cast %swap3A_131 : vector<16xf32> to vector<16xf32>
      %swap3A_133 = vector.shape_cast %max3A_77 : vector<16xf32> to vector<16xf32>
      tpu.vector_store %arg9[%swap3A_130], %swap3A_133 {strides = array<i32>} : memref<256xf32, #tpu.memory_space<vmem>>, vector<16xf32>,
      %swap3A_134 = arith.constant 96 : index
      %swap3A_135 = tpu.vector_load %arg9[%swap3A_134] {strides = array<i32>} : memref<256xf32, #tpu.memory_space<vmem>>, vector<16xf32>,
      %swap3A_136 = vector.shape_cast %swap3A_135 : vector<16xf32> to vector<16xf32>
      %swap3A_137 = vector.shape_cast %max3A_77 : vector<16xf32> to vector<16xf32>
      tpu.vector_store %arg9[%swap3A_134], %swap3A_137 {strides = array<i32>} : memref<256xf32, #tpu.memory_space<vmem>>, vector<16xf32>,
      %swap3A_138 = arith.constant 112 : index
      %swap3A_139 = tpu.vector_load %arg9[%swap3A_138] {strides = array<i32>} : memref<256xf32, #tpu.memory_space<vmem>>, vector<16xf32>,
      %swap3A_140 = vector.shape_cast %swap3A_139 : vector<16xf32> to vector<16xf32>
      %swap3A_141 = vector.shape_cast %max3A_77 : vector<16xf32> to vector<16xf32>
      tpu.vector_store %arg9[%swap3A_138], %swap3A_141 {strides = array<i32>} : memref<256xf32, #tpu.memory_space<vmem>>, vector<16xf32>,
      %swap3A_142 = arith.constant 128 : index
      %swap3A_143 = tpu.vector_load %arg9[%swap3A_142] {strides = array<i32>} : memref<256xf32, #tpu.memory_space<vmem>>, vector<16xf32>,
      %swap3A_144 = vector.shape_cast %swap3A_143 : vector<16xf32> to vector<16xf32>
      %swap3A_145 = vector.shape_cast %max3A_77 : vector<16xf32> to vector<16xf32>
      tpu.vector_store %arg9[%swap3A_142], %swap3A_145 {strides = array<i32>} : memref<256xf32, #tpu.memory_space<vmem>>, vector<16xf32>,
      %swap3A_146 = arith.constant 144 : index
      %swap3A_147 = tpu.vector_load %arg9[%swap3A_146] {strides = array<i32>} : memref<256xf32, #tpu.memory_space<vmem>>, vector<16xf32>,
      %swap3A_148 = vector.shape_cast %swap3A_147 : vector<16xf32> to vector<16xf32>
      %swap3A_149 = vector.shape_cast %max3A_77 : vector<16xf32> to vector<16xf32>
      tpu.vector_store %arg9[%swap3A_146], %swap3A_149 {strides = array<i32>} : memref<256xf32, #tpu.memory_space<vmem>>, vector<16xf32>,
      %swap3A_150 = arith.constant 160 : index
      %swap3A_151 = tpu.vector_load %arg9[%swap3A_150] {strides = array<i32>} : memref<256xf32, #tpu.memory_space<vmem>>, vector<16xf32>,
      %swap3A_152 = vector.shape_cast %swap3A_151 : vector<16xf32> to vector<16xf32>
      %swap3A_153 = vector.shape_cast %max3A_77 : vector<16xf32> to vector<16xf32>
      tpu.vector_store %arg9[%swap3A_150], %swap3A_153 {strides = array<i32>} : memref<256xf32, #tpu.memory_space<vmem>>, vector<16xf32>,
      %swap3A_154 = arith.constant 176 : index
      %swap3A_155 = tpu.vector_load %arg9[%swap3A_154] {strides = array<i32>} : memref<256xf32, #tpu.memory_space<vmem>>, vector<16xf32>,
      %swap3A_156 = vector.shape_cast %swap3A_155 : vector<16xf32> to vector<16xf32>
      %swap3A_157 = vector.shape_cast %max3A_77 : vector<16xf32> to vector<16xf32>
      tpu.vector_store %arg9[%swap3A_154], %swap3A_157 {strides = array<i32>} : memref<256xf32, #tpu.memory_space<vmem>>, vector<16xf32>,
      %swap3A_158 = arith.constant 192 : index
      %swap3A_159 = tpu.vector_load %arg9[%swap3A_158] {strides = array<i32>} : memref<256xf32, #tpu.memory_space<vmem>>, vector<16xf32>,
      %swap3A_160 = vector.shape_cast %swap3A_159 : vector<16xf32> to vector<16xf32>
      %swap3A_161 = vector.shape_cast %max3A_77 : vector<16xf32> to vector<16xf32>
      tpu.vector_store %arg9[%swap3A_158], %swap3A_161 {strides = array<i32>} : memref<256xf32, #tpu.memory_space<vmem>>, vector<16xf32>,
      %swap3A_162 = arith.constant 208 : index
      %swap3A_163 = tpu.vector_load %arg9[%swap3A_162] {strides = array<i32>} : memref<256xf32, #tpu.memory_space<vmem>>, vector<16xf32>,
      %swap3A_164 = vector.shape_cast %swap3A_163 : vector<16xf32> to vector<16xf32>
      %swap3A_165 = vector.shape_cast %max3A_77 : vector<16xf32> to vector<16xf32>
      tpu.vector_store %arg9[%swap3A_162], %swap3A_165 {strides = array<i32>} : memref<256xf32, #tpu.memory_space<vmem>>, vector<16xf32>,
      %swap3A_166 = arith.constant 224 : index
      %swap3A_167 = tpu.vector_load %arg9[%swap3A_166] {strides = array<i32>} : memref<256xf32, #tpu.memory_space<vmem>>, vector<16xf32>,
      %swap3A_168 = vector.shape_cast %swap3A_167 : vector<16xf32> to vector<16xf32>
      %swap3A_169 = vector.shape_cast %max3A_77 : vector<16xf32> to vector<16xf32>
      tpu.vector_store %arg9[%swap3A_166], %swap3A_169 {strides = array<i32>} : memref<256xf32, #tpu.memory_space<vmem>>, vector<16xf32>,
      %swap3A_170 = arith.constant 240 : index
      %swap3A_171 = tpu.vector_load %arg9[%swap3A_170] {strides = array<i32>} : memref<256xf32, #tpu.memory_space<vmem>>, vector<16xf32>,
      %swap3A_172 = vector.shape_cast %swap3A_171 : vector<16xf32> to vector<16xf32>
      %swap3A_173 = vector.shape_cast %max3A_77 : vector<16xf32> to vector<16xf32>
      tpu.vector_store %arg9[%swap3A_170], %swap3A_173 {strides = array<i32>} : memref<256xf32, #tpu.memory_space<vmem>>, vector<16xf32>,
      %mul3A_174 = arith.constant 256 : i32
      %mul3A_175 = arith.muli %arg0, %mul3A_174 : i32
      "tpu.region"() ({
        %run_scoped3A_176 = tpu.sem_alloc : memref<!tpu.dma_semaphore, #tpu.memory_space<semaphore_mem>>
        %dma_start3A = tpu.memref_slice %arg4[%mul3A_175] : memref<512xf32, #tpu.memory_space<hbm>> -> memref<256xf32, #tpu.memory_space<hbm>>
        %dma_start3A_177 = tpu.memref_slice %arg4[%mul3A_175] : memref<512xf32, #tpu.memory_space<hbm>> -> memref<256xf32, #tpu.memory_space<hbm>>
        tpu.enqueue_dma source(%arg9 : memref<256xf32, #tpu.memory_space<vmem>>) target(%dma_start3A_177 : memref<256xf32, #tpu.memory_space<hbm>>) target_semaphore(%run_scoped3A_176 : memref<!tpu.dma_semaphore, #tpu.memory_space<semaphore_mem>>)
        %dma_wait3A = tpu.memref_slice %arg4[%mul3A_175] : memref<512xf32, #tpu.memory_space<hbm>> -> memref<256xf32, #tpu.memory_space<hbm>>
        %dma_wait3A_178 = tpu.memref_slice %arg4[%mul3A_175] : memref<512xf32, #tpu.memory_space<hbm>> -> memref<256xf32, #tpu.memory_space<hbm>>
        tpu.wait_dma2 semaphore(%run_scoped3A_176 : memref<!tpu.dma_semaphore, #tpu.memory_space<semaphore_mem>>) src(%arg9 : memref<256xf32, #tpu.memory_space<vmem>>) dst(%dma_wait3A_178 : memref<256xf32, #tpu.memory_space<hbm>>)
        tpu.yield
      }) : () -> ()
    } else {
    }
    return
  }
}

module attributes {stable_mosaic.version = 14 : i64} {
  func.func @_k1_body(%arg0: i32, %arg1: memref<1000x1024xf32, #tpu.memory_space<vmem>>, %arg2: memref<1000x1024xf32, #tpu.memory_space<vmem>>, %arg3: memref<1024x1xf32, #tpu.memory_space<vmem>>, %arg4: memref<1x1xf32, #tpu.memory_space<vmem>>, %arg5: memref<1000x1xf32, #tpu.memory_space<vmem>>, %arg6: memref<1000x1xf32, #tpu.memory_space<vmem>>) attributes {dimension_semantics = [#tpu.dimension_semantics<arbitrary>], iteration_bounds = array<i64: 50>, scalar_prefetch = 0 : i64, scratch_operands = 0 : i64, tpu.core_type = #tpu.core_type<tc>, window_params = [{transform_indices = @transform_0, window_bounds = array<i64: 1000, 1024>}, {transform_indices = @transform_1, window_bounds = array<i64: 1000, 1024>}, {pipeline_mode = #tpu.pipeline_mode<synchronous>, transform_indices = @transform_2, window_bounds = array<i64: 1024, 1>}, {pipeline_mode = #tpu.pipeline_mode<synchronous>, transform_indices = @transform_3, window_bounds = array<i64: 1, 1>}, {transform_indices = @transform_4, window_bounds = array<i64: 1000, 1>}, {transform_indices = @transform_5, window_bounds = array<i64: 1000, 1>}]} {
    %get3A = arith.constant 0 : index
    %get3A_0 = arith.constant 0 : index
    %get3A_1 = vector.load %arg1[%get3A, %get3A_0] : memref<1000x1024xf32, #tpu.memory_space<vmem>>, vector<1000x1024xf32>
    %get3A_2 = arith.constant 0 : index
    %get3A_3 = arith.constant 0 : index
    %get3A_4 = vector.load %arg3[%get3A_2, %get3A_3] : memref<1024x1xf32, #tpu.memory_space<vmem>>, vector<1024x1xf32>
    %dot_general3A = arith.constant dense<0.000000e+00> : vector<1000x1xf32>
    %dot_general3A_5 = tpu.matmul %get3A_1, %get3A_4, %dot_general3A {dimension_numbers = #tpu.dot_dimension_numbers<[1], [0], [0], [1], [0, 0, 1, 1], [], []>, transpose_lhs_hint = false} : vector<1000x1024xf32>, vector<1024x1xf32>, vector<1000x1xf32> -> vector<1000x1xf32>
    %get3A_6 = arith.constant 0 : index
    %get3A_7 = arith.constant 0 : index
    %get3A_8 = vector.load %arg4[%get3A_6, %get3A_7] : memref<1x1xf32, #tpu.memory_space<vmem>>, vector<1x1xf32>
    %add3A = vector.broadcast %get3A_8 : vector<1x1xf32> to vector<1000x1xf32>
    %add3A_9 = arith.addf %dot_general3A_5, %add3A : vector<1000x1xf32>
    %swap3A = arith.constant 0 : index
    %swap3A_10 = arith.constant 0 : index
    %swap3A_11 = vector.load %arg5[%swap3A, %swap3A_10] : memref<1000x1xf32, #tpu.memory_space<vmem>>, vector<1000x1xf32>
    tpu.vector_store %arg5[%swap3A, %swap3A_10], %add3A_9 {strides = array<i32>} : memref<1000x1xf32, #tpu.memory_space<vmem>>, vector<1000x1xf32>,
    %lt3A = arith.constant 10 : i32
    %lt3A_12 = arith.cmpi slt, %arg0, %lt3A : i32
    %convert_element_type3A = arith.extui %lt3A_12 : i1 to i32
    %cond3A = arith.constant 0 : i32
    %cond3A_13 = arith.cmpi ne, %convert_element_type3A, %cond3A : i32
    scf.if %cond3A_13 {
      %get3A_14 = arith.constant 0 : index
      %get3A_15 = arith.constant 0 : index
      %get3A_16 = vector.load %arg2[%get3A_14, %get3A_15] : memref<1000x1024xf32, #tpu.memory_space<vmem>>, vector<1000x1024xf32>
      %get3A_17 = arith.constant 0 : index
      %get3A_18 = arith.constant 0 : index
      %get3A_19 = vector.load %arg3[%get3A_17, %get3A_18] : memref<1024x1xf32, #tpu.memory_space<vmem>>, vector<1024x1xf32>
      %dot_general3A_20 = arith.constant dense<0.000000e+00> : vector<1000x1xf32>
      %dot_general3A_21 = tpu.matmul %get3A_16, %get3A_19, %dot_general3A_20 {dimension_numbers = #tpu.dot_dimension_numbers<[1], [0], [0], [1], [0, 0, 1, 1], [], []>, transpose_lhs_hint = false} : vector<1000x1024xf32>, vector<1024x1xf32>, vector<1000x1xf32> -> vector<1000x1xf32>
      %get3A_22 = arith.constant 0 : index
      %get3A_23 = arith.constant 0 : index
      %get3A_24 = vector.load %arg4[%get3A_22, %get3A_23] : memref<1x1xf32, #tpu.memory_space<vmem>>, vector<1x1xf32>
      %add3A_25 = vector.broadcast %get3A_24 : vector<1x1xf32> to vector<1000x1xf32>
      %add3A_26 = arith.addf %dot_general3A_21, %add3A_25 : vector<1000x1xf32>
      %swap3A_27 = arith.constant 0 : index
      %swap3A_28 = arith.constant 0 : index
      %swap3A_29 = vector.load %arg6[%swap3A_27, %swap3A_28] : memref<1000x1xf32, #tpu.memory_space<vmem>>, vector<1000x1xf32>
      tpu.vector_store %arg6[%swap3A_27, %swap3A_28], %add3A_26 {strides = array<i32>} : memref<1000x1xf32, #tpu.memory_space<vmem>>, vector<1000x1xf32>,
    } else {
    }
    return
  }
  func.func @transform_0(%arg0: i32) -> (i32, i32) {
    %c0_i32 = arith.constant 0 : i32
    %c0_i32_0 = arith.constant 0 : i32
    return %arg0, %c0_i32 : i32, i32
  }
  func.func @transform_1(%arg0: i32) -> (i32, i32) {
    %min3A = arith.constant 9 : i32
    %min3A_0 = arith.minsi %arg0, %min3A : i32
    %c0_i32 = arith.constant 0 : i32
    %c0_i32_1 = arith.constant 0 : i32
    return %min3A_0, %c0_i32 : i32, i32
  }
  func.func @transform_2(%arg0: i32) -> (i32, i32) {
    %c0_i32 = arith.constant 0 : i32
    %c0_i32_0 = arith.constant 0 : i32
    %c0_i32_1 = arith.constant 0 : i32
    return %c0_i32, %c0_i32_0 : i32, i32
  }
  func.func @transform_3(%arg0: i32) -> (i32, i32) {
    %c0_i32 = arith.constant 0 : i32
    %c0_i32_0 = arith.constant 0 : i32
    %c0_i32_1 = arith.constant 0 : i32
    return %c0_i32, %c0_i32_0 : i32, i32
  }
  func.func @transform_4(%arg0: i32) -> (i32, i32) {
    %c0_i32 = arith.constant 0 : i32
    %c0_i32_0 = arith.constant 0 : i32
    return %arg0, %c0_i32 : i32, i32
  }
  func.func @transform_5(%arg0: i32) -> (i32, i32) {
    %min3A = arith.constant 9 : i32
    %min3A_0 = arith.minsi %arg0, %min3A : i32
    %c0_i32 = arith.constant 0 : i32
    %c0_i32_1 = arith.constant 0 : i32
    return %min3A_0, %c0_i32 : i32, i32
  }
}

module attributes {stable_mosaic.version = 14 : i64} {
  func.func @_k2_body(%arg0: i32, %arg1: memref<1000x1024xf32, #tpu.memory_space<vmem>>, %arg2: memref<1024x1024xbf16, #tpu.memory_space<vmem>>, %arg3: memref<1x1024xbf16, #tpu.memory_space<vmem>>, %arg4: memref<1x1xbf16, #tpu.memory_space<vmem>>, %arg5: memref<1000x1xi32, #tpu.memory_space<vmem>>, %arg6: memref<1000x1xf32, #tpu.memory_space<vmem>>, %arg7: memref<1x1xf32, #tpu.memory_space<vmem>>, %arg8: memref<1000x1024xf32, #tpu.memory_space<vmem>>, %arg9: memref<1024x1xf32, #tpu.memory_space<vmem>>, %arg10: memref<1x1xf32, #tpu.memory_space<vmem>>, %arg11: memref<256x1024xf32, #tpu.memory_space<vmem>>, %arg12: memref<1000x1xf32, #tpu.memory_space<vmem>>) attributes {dimension_semantics = [#tpu.dimension_semantics<arbitrary>], iteration_bounds = array<i64: 50>, scalar_prefetch = 0 : i64, scratch_operands = 0 : i64, tpu.core_type = #tpu.core_type<tc>, window_params = [{transform_indices = @transform_0, window_bounds = array<i64: 1000, 1024>}, {pipeline_mode = #tpu.pipeline_mode<synchronous>, transform_indices = @transform_1, window_bounds = array<i64: 1024, 1024>}, {pipeline_mode = #tpu.pipeline_mode<synchronous>, transform_indices = @transform_2, window_bounds = array<i64: 1, 1024>}, {pipeline_mode = #tpu.pipeline_mode<synchronous>, transform_indices = @transform_3, window_bounds = array<i64: 1, 1>}, {transform_indices = @transform_4, window_bounds = array<i64: 1000, 1>}, {transform_indices = @transform_5, window_bounds = array<i64: 1000, 1>}, {pipeline_mode = #tpu.pipeline_mode<synchronous>, transform_indices = @transform_6, window_bounds = array<i64: 1, 1>}, {transform_indices = @transform_7, window_bounds = array<i64: 1000, 1024>}, {pipeline_mode = #tpu.pipeline_mode<synchronous>, transform_indices = @transform_8, window_bounds = array<i64: 1024, 1>}, {pipeline_mode = #tpu.pipeline_mode<synchronous>, transform_indices = @transform_9, window_bounds = array<i64: 1, 1>}, {pipeline_mode = #tpu.pipeline_mode<synchronous>, transform_indices = @transform_10, window_bounds = array<i64: 256, 1024>}, {transform_indices = @transform_11, window_bounds = array<i64: 1000, 1>}]} {
    %get3A = arith.constant 0 : index
    %get3A_0 = arith.constant 0 : index
    %get3A_1 = vector.load %arg8[%get3A, %get3A_0] : memref<1000x1024xf32, #tpu.memory_space<vmem>>, vector<1000x1024xf32>
    %get3A_2 = arith.constant 0 : index
    %get3A_3 = arith.constant 0 : index
    %get3A_4 = vector.load %arg9[%get3A_2, %get3A_3] : memref<1024x1xf32, #tpu.memory_space<vmem>>, vector<1024x1xf32>
    %dot_general3A = arith.constant dense<0.000000e+00> : vector<1000x1xf32>
    %dot_general3A_5 = tpu.matmul %get3A_1, %get3A_4, %dot_general3A {dimension_numbers = #tpu.dot_dimension_numbers<[1], [0], [0], [1], [0, 0, 1, 1], [], []>, transpose_lhs_hint = false} : vector<1000x1024xf32>, vector<1024x1xf32>, vector<1000x1xf32> -> vector<1000x1xf32>
    %get3A_6 = arith.constant 0 : index
    %get3A_7 = arith.constant 0 : index
    %get3A_8 = vector.load %arg10[%get3A_6, %get3A_7] : memref<1x1xf32, #tpu.memory_space<vmem>>, vector<1x1xf32>
    %add3A = vector.broadcast %get3A_8 : vector<1x1xf32> to vector<1000x1xf32>
    %add3A_9 = arith.addf %dot_general3A_5, %add3A : vector<1000x1xf32>
    %swap3A = arith.constant 0 : index
    %swap3A_10 = arith.constant 0 : index
    %swap3A_11 = vector.load %arg12[%swap3A, %swap3A_10] : memref<1000x1xf32, #tpu.memory_space<vmem>>, vector<1000x1xf32>
    tpu.vector_store %arg12[%swap3A, %swap3A_10], %add3A_9 {strides = array<i32>} : memref<1000x1xf32, #tpu.memory_space<vmem>>, vector<1000x1xf32>,
    %get3A_12 = arith.constant 0 : index
    %get3A_13 = arith.constant 0 : index
    %get3A_14 = vector.load %arg6[%get3A_12, %get3A_13] : memref<1000x1xf32, #tpu.memory_space<vmem>>, vector<1000x1xf32>
    %get3A_15 = arith.constant 0 : index
    %get3A_16 = arith.constant 0 : index
    %get3A_17 = vector.load %arg7[%get3A_15, %get3A_16] : memref<1x1xf32, #tpu.memory_space<vmem>>, vector<1x1xf32>
    %sub3A = vector.broadcast %get3A_17 : vector<1x1xf32> to vector<1000x1xf32>
    %sub3A_18 = arith.subf %get3A_14, %sub3A : vector<1000x1xf32>
    %exp3A = math.exp %sub3A_18 : vector<1000x1xf32>
    %get3A_19 = arith.constant 0 : index
    %get3A_20 = arith.constant 0 : index
    %get3A_21 = vector.load %arg5[%get3A_19, %get3A_20] : memref<1000x1xi32, #tpu.memory_space<vmem>>, vector<1000x1xi32>
    %iota3A = tpu.iota {dimensions = array<i32: 1>} : vector<1x256xi32>
    %eq3A = vector.broadcast %get3A_21 : vector<1000x1xi32> to vector<1000x256xi32>
    %eq3A_22 = vector.broadcast %iota3A : vector<1x256xi32> to vector<1000x256xi32>
    %eq3A_23 = arith.cmpi eq, %eq3A, %eq3A_22 : vector<1000x256xi32>
    %convert_element_type3A = arith.extui %eq3A_23 : vector<1000x256xi1> to vector<1000x256xi32>
    %convert_element_type3A_24 = arith.sitofp %convert_element_type3A : vector<1000x256xi32> to vector<1000x256xf32>
    %mul3A = vector.broadcast %exp3A : vector<1000x1xf32> to vector<1000x256xf32>
    %mul3A_25 = arith.mulf %convert_element_type3A_24, %mul3A : vector<1000x256xf32>
    %convert_element_type3A_26 = arith.truncf %mul3A_25 : vector<1000x256xf32> to vector<1000x256xbf16>
    %get3A_27 = arith.constant 0 : index
    %get3A_28 = arith.constant 0 : index
    %get3A_29 = vector.load %arg1[%get3A_27, %get3A_28] : memref<1000x1024xf32, #tpu.memory_space<vmem>>, vector<1000x1024xf32>
    %convert_element_type3A_30 = arith.truncf %get3A_29 : vector<1000x1024xf32> to vector<1000x1024xbf16>
    %get3A_31 = arith.constant 0 : index
    %get3A_32 = arith.constant 0 : index
    %get3A_33 = vector.load %arg2[%get3A_31, %get3A_32] : memref<1024x1024xbf16, #tpu.memory_space<vmem>>, vector<1024x1024xbf16>
    %dot_general3A_34 = arith.constant dense<0.000000e+00> : vector<1000x1024xf32>
    %dot_general3A_35 = tpu.matmul %convert_element_type3A_30, %get3A_33, %dot_general3A_34 {dimension_numbers = #tpu.dot_dimension_numbers<[1], [0], [0], [1], [0, 0, 1, 1], [], []>, transpose_lhs_hint = false} : vector<1000x1024xbf16>, vector<1024x1024xbf16>, vector<1000x1024xf32> -> vector<1000x1024xf32>
    %convert_element_type3A_36 = arith.truncf %dot_general3A_35 : vector<1000x1024xf32> to vector<1000x1024xbf16>
    %get3A_37 = arith.constant 0 : index
    %get3A_38 = arith.constant 0 : index
    %get3A_39 = vector.load %arg3[%get3A_37, %get3A_38] : memref<1x1024xbf16, #tpu.memory_space<vmem>>, vector<1x1024xbf16>
    %add3A_40 = vector.broadcast %get3A_39 : vector<1x1024xbf16> to vector<1000x1024xbf16>
    %add3A_41 = arith.addf %convert_element_type3A_36, %add3A_40 : vector<1000x1024xbf16>
    %ge3A = arith.constant 0.000000e+00 : bf16
    %ge3A_42 = vector.broadcast %ge3A : bf16 to vector<1000x1024xbf16>
    %ge3A_43 = arith.cmpf oge, %add3A_41, %ge3A_42 : vector<1000x1024xbf16>
    %get3A_44 = arith.constant 0 : index
    %get3A_45 = arith.constant 0 : index
    %get3A_46 = vector.load %arg4[%get3A_44, %get3A_45] : memref<1x1xbf16, #tpu.memory_space<vmem>>, vector<1x1xbf16>
    %mul3A_47 = vector.broadcast %get3A_46 : vector<1x1xbf16> to vector<1000x1024xbf16>
    %mul3A_48 = arith.mulf %mul3A_47, %add3A_41 : vector<1000x1024xbf16>
    %select_n3A = arith.select %ge3A_43, %add3A_41, %mul3A_48 : vector<1000x1024xi1>, vector<1000x1024xbf16>
    %dot_general3A_49 = arith.constant dense<0.000000e+00> : vector<256x1024xf32>
    %dot_general3A_50 = tpu.matmul %convert_element_type3A_26, %select_n3A, %dot_general3A_49 {dimension_numbers = #tpu.dot_dimension_numbers<[0], [0], [1], [1], [0, 1, 1, 1], [], []>, transpose_lhs_hint = false} : vector<1000x256xbf16>, vector<1000x1024xbf16>, vector<256x1024xf32> -> vector<256x1024xf32>
    %eq3A_51 = arith.constant 0 : i32
    %eq3A_52 = arith.cmpi eq, %arg0, %eq3A_51 : i32
    %convert_element_type3A_53 = arith.extui %eq3A_52 : i1 to i32
    %cond3A = arith.constant 0 : i32
    %cond3A_54 = arith.cmpi ne, %convert_element_type3A_53, %cond3A : i32
    scf.if %cond3A_54 {
      %swap3A_59 = arith.constant 0 : index
      %swap3A_60 = arith.constant 0 : index
      %swap3A_61 = vector.load %arg11[%swap3A_59, %swap3A_60] : memref<256x1024xf32, #tpu.memory_space<vmem>>, vector<256x1024xf32>
      tpu.vector_store %arg11[%swap3A_59, %swap3A_60], %dot_general3A_50 {strides = array<i32>} : memref<256x1024xf32, #tpu.memory_space<vmem>>, vector<256x1024xf32>,
    } else {
    }
    %gt3A = arith.constant 0 : i32
    %gt3A_55 = arith.cmpi sgt, %arg0, %gt3A : i32
    %convert_element_type3A_56 = arith.extui %gt3A_55 : i1 to i32
    %cond3A_57 = arith.constant 0 : i32
    %cond3A_58 = arith.cmpi ne, %convert_element_type3A_56, %cond3A_57 : i32
    scf.if %cond3A_58 {
      %get3A_59 = arith.constant 0 : index
      %get3A_60 = arith.constant 0 : index
      %get3A_61 = vector.load %arg11[%get3A_59, %get3A_60] : memref<256x1024xf32, #tpu.memory_space<vmem>>, vector<256x1024xf32>
      %add3A_62 = arith.addf %get3A_61, %dot_general3A_50 : vector<256x1024xf32>
      %swap3A_63 = arith.constant 0 : index
      %swap3A_64 = arith.constant 0 : index
      %swap3A_65 = vector.load %arg11[%swap3A_63, %swap3A_64] : memref<256x1024xf32, #tpu.memory_space<vmem>>, vector<256x1024xf32>
      tpu.vector_store %arg11[%swap3A_63, %swap3A_64], %add3A_62 {strides = array<i32>} : memref<256x1024xf32, #tpu.memory_space<vmem>>, vector<256x1024xf32>,
    } else {
    }
    return
  }
  func.func @transform_0(%arg0: i32) -> (i32, i32) {
    %c0_i32 = arith.constant 0 : i32
    %c0_i32_0 = arith.constant 0 : i32
    return %arg0, %c0_i32 : i32, i32
  }
  func.func @transform_1(%arg0: i32) -> (i32, i32) {
    %c0_i32 = arith.constant 0 : i32
    %c0_i32_0 = arith.constant 0 : i32
    %c0_i32_1 = arith.constant 0 : i32
    return %c0_i32, %c0_i32_0 : i32, i32
  }
  func.func @transform_2(%arg0: i32) -> (i32, i32) {
    %c0_i32 = arith.constant 0 : i32
    %c0_i32_0 = arith.constant 0 : i32
    %c0_i32_1 = arith.constant 0 : i32
    return %c0_i32, %c0_i32_0 : i32, i32
  }
  func.func @transform_3(%arg0: i32) -> (i32, i32) {
    %c0_i32 = arith.constant 0 : i32
    %c0_i32_0 = arith.constant 0 : i32
    %c0_i32_1 = arith.constant 0 : i32
    return %c0_i32, %c0_i32_0 : i32, i32
  }
  func.func @transform_4(%arg0: i32) -> (i32, i32) {
    %c0_i32 = arith.constant 0 : i32
    %c0_i32_0 = arith.constant 0 : i32
    return %arg0, %c0_i32 : i32, i32
  }
  func.func @transform_5(%arg0: i32) -> (i32, i32) {
    %c0_i32 = arith.constant 0 : i32
    %c0_i32_0 = arith.constant 0 : i32
    return %arg0, %c0_i32 : i32, i32
  }
  func.func @transform_6(%arg0: i32) -> (i32, i32) {
    %c0_i32 = arith.constant 0 : i32
    %c0_i32_0 = arith.constant 0 : i32
    %c0_i32_1 = arith.constant 0 : i32
    return %c0_i32, %c0_i32_0 : i32, i32
  }
  func.func @transform_7(%arg0: i32) -> (i32, i32) {
    %c0_i32 = arith.constant 0 : i32
    %c0_i32_0 = arith.constant 0 : i32
    return %arg0, %c0_i32 : i32, i32
  }
  func.func @transform_8(%arg0: i32) -> (i32, i32) {
    %c0_i32 = arith.constant 0 : i32
    %c0_i32_0 = arith.constant 0 : i32
    %c0_i32_1 = arith.constant 0 : i32
    return %c0_i32, %c0_i32_0 : i32, i32
  }
  func.func @transform_9(%arg0: i32) -> (i32, i32) {
    %c0_i32 = arith.constant 0 : i32
    %c0_i32_0 = arith.constant 0 : i32
    %c0_i32_1 = arith.constant 0 : i32
    return %c0_i32, %c0_i32_0 : i32, i32
  }
  func.func @transform_10(%arg0: i32) -> (i32, i32) {
    %c0_i32 = arith.constant 0 : i32
    %c0_i32_0 = arith.constant 0 : i32
    %c0_i32_1 = arith.constant 0 : i32
    return %c0_i32, %c0_i32_0 : i32, i32
  }
  func.func @transform_11(%arg0: i32) -> (i32, i32) {
    %c0_i32 = arith.constant 0 : i32
    %c0_i32_0 = arith.constant 0 : i32
    return %arg0, %c0_i32 : i32, i32
  }
}

module attributes {stable_mosaic.version = 14 : i64} {
  func.func @_k3_body(%arg0: i32, %arg1: memref<1000x1024xf32, #tpu.memory_space<vmem>>, %arg2: memref<1024x1024xbf16, #tpu.memory_space<vmem>>, %arg3: memref<1x1024xbf16, #tpu.memory_space<vmem>>, %arg4: memref<1x1xbf16, #tpu.memory_space<vmem>>, %arg5: memref<1000x1xi32, #tpu.memory_space<vmem>>, %arg6: memref<1000x1xf32, #tpu.memory_space<vmem>>, %arg7: memref<1x1xf32, #tpu.memory_space<vmem>>, %arg8: memref<1000x1024xf32, #tpu.memory_space<vmem>>, %arg9: memref<1000x1xi32, #tpu.memory_space<vmem>>, %arg10: memref<1000x1xf32, #tpu.memory_space<vmem>>, %arg11: memref<1x1xf32, #tpu.memory_space<vmem>>, %arg12: memref<256x1024xf32, #tpu.memory_space<vmem>>, %arg13: memref<256x1024xf32, #tpu.memory_space<vmem>>) attributes {dimension_semantics = [#tpu.dimension_semantics<arbitrary>], iteration_bounds = array<i64: 50>, scalar_prefetch = 0 : i64, scratch_operands = 0 : i64, tpu.core_type = #tpu.core_type<tc>, window_params = [{transform_indices = @transform_0, window_bounds = array<i64: 1000, 1024>}, {pipeline_mode = #tpu.pipeline_mode<synchronous>, transform_indices = @transform_1, window_bounds = array<i64: 1024, 1024>}, {pipeline_mode = #tpu.pipeline_mode<synchronous>, transform_indices = @transform_2, window_bounds = array<i64: 1, 1024>}, {pipeline_mode = #tpu.pipeline_mode<synchronous>, transform_indices = @transform_3, window_bounds = array<i64: 1, 1>}, {transform_indices = @transform_4, window_bounds = array<i64: 1000, 1>}, {transform_indices = @transform_5, window_bounds = array<i64: 1000, 1>}, {pipeline_mode = #tpu.pipeline_mode<synchronous>, transform_indices = @transform_6, window_bounds = array<i64: 1, 1>}, {transform_indices = @transform_7, window_bounds = array<i64: 1000, 1024>}, {transform_indices = @transform_8, window_bounds = array<i64: 1000, 1>}, {transform_indices = @transform_9, window_bounds = array<i64: 1000, 1>}, {pipeline_mode = #tpu.pipeline_mode<synchronous>, transform_indices = @transform_10, window_bounds = array<i64: 1, 1>}, {pipeline_mode = #tpu.pipeline_mode<synchronous>, transform_indices = @transform_11, window_bounds = array<i64: 256, 1024>}, {pipeline_mode = #tpu.pipeline_mode<synchronous>, transform_indices = @transform_12, window_bounds = array<i64: 256, 1024>}]} {
    %get3A = arith.constant 0 : index
    %get3A_0 = arith.constant 0 : index
    %get3A_1 = vector.load %arg6[%get3A, %get3A_0] : memref<1000x1xf32, #tpu.memory_space<vmem>>, vector<1000x1xf32>
    %get3A_2 = arith.constant 0 : index
    %get3A_3 = arith.constant 0 : index
    %get3A_4 = vector.load %arg7[%get3A_2, %get3A_3] : memref<1x1xf32, #tpu.memory_space<vmem>>, vector<1x1xf32>
    %sub3A = vector.broadcast %get3A_4 : vector<1x1xf32> to vector<1000x1xf32>
    %sub3A_5 = arith.subf %get3A_1, %sub3A : vector<1000x1xf32>
    %exp3A = math.exp %sub3A_5 : vector<1000x1xf32>
    %get3A_6 = arith.constant 0 : index
    %get3A_7 = arith.constant 0 : index
    %get3A_8 = vector.load %arg5[%get3A_6, %get3A_7] : memref<1000x1xi32, #tpu.memory_space<vmem>>, vector<1000x1xi32>
    %iota3A = tpu.iota {dimensions = array<i32: 1>} : vector<1x256xi32>
    %eq3A = vector.broadcast %get3A_8 : vector<1000x1xi32> to vector<1000x256xi32>
    %eq3A_9 = vector.broadcast %iota3A : vector<1x256xi32> to vector<1000x256xi32>
    %eq3A_10 = arith.cmpi eq, %eq3A, %eq3A_9 : vector<1000x256xi32>
    %convert_element_type3A = arith.extui %eq3A_10 : vector<1000x256xi1> to vector<1000x256xi32>
    %convert_element_type3A_11 = arith.sitofp %convert_element_type3A : vector<1000x256xi32> to vector<1000x256xf32>
    %mul3A = vector.broadcast %exp3A : vector<1000x1xf32> to vector<1000x256xf32>
    %mul3A_12 = arith.mulf %convert_element_type3A_11, %mul3A : vector<1000x256xf32>
    %convert_element_type3A_13 = arith.truncf %mul3A_12 : vector<1000x256xf32> to vector<1000x256xbf16>
    %get3A_14 = arith.constant 0 : index
    %get3A_15 = arith.constant 0 : index
    %get3A_16 = vector.load %arg1[%get3A_14, %get3A_15] : memref<1000x1024xf32, #tpu.memory_space<vmem>>, vector<1000x1024xf32>
    %convert_element_type3A_17 = arith.truncf %get3A_16 : vector<1000x1024xf32> to vector<1000x1024xbf16>
    %get3A_18 = arith.constant 0 : index
    %get3A_19 = arith.constant 0 : index
    %get3A_20 = vector.load %arg2[%get3A_18, %get3A_19] : memref<1024x1024xbf16, #tpu.memory_space<vmem>>, vector<1024x1024xbf16>
    %dot_general3A = arith.constant dense<0.000000e+00> : vector<1000x1024xf32>
    %dot_general3A_21 = tpu.matmul %convert_element_type3A_17, %get3A_20, %dot_general3A {dimension_numbers = #tpu.dot_dimension_numbers<[1], [0], [0], [1], [0, 0, 1, 1], [], []>, transpose_lhs_hint = false} : vector<1000x1024xbf16>, vector<1024x1024xbf16>, vector<1000x1024xf32> -> vector<1000x1024xf32>
    %convert_element_type3A_22 = arith.truncf %dot_general3A_21 : vector<1000x1024xf32> to vector<1000x1024xbf16>
    %get3A_23 = arith.constant 0 : index
    %get3A_24 = arith.constant 0 : index
    %get3A_25 = vector.load %arg3[%get3A_23, %get3A_24] : memref<1x1024xbf16, #tpu.memory_space<vmem>>, vector<1x1024xbf16>
    %add3A = vector.broadcast %get3A_25 : vector<1x1024xbf16> to vector<1000x1024xbf16>
    %add3A_26 = arith.addf %convert_element_type3A_22, %add3A : vector<1000x1024xbf16>
    %ge3A = arith.constant 0.000000e+00 : bf16
    %ge3A_27 = vector.broadcast %ge3A : bf16 to vector<1000x1024xbf16>
    %ge3A_28 = arith.cmpf oge, %add3A_26, %ge3A_27 : vector<1000x1024xbf16>
    %get3A_29 = arith.constant 0 : index
    %get3A_30 = arith.constant 0 : index
    %get3A_31 = vector.load %arg4[%get3A_29, %get3A_30] : memref<1x1xbf16, #tpu.memory_space<vmem>>, vector<1x1xbf16>
    %mul3A_32 = vector.broadcast %get3A_31 : vector<1x1xbf16> to vector<1000x1024xbf16>
    %mul3A_33 = arith.mulf %mul3A_32, %add3A_26 : vector<1000x1024xbf16>
    %select_n3A = arith.select %ge3A_28, %add3A_26, %mul3A_33 : vector<1000x1024xi1>, vector<1000x1024xbf16>
    %dot_general3A_34 = arith.constant dense<0.000000e+00> : vector<256x1024xf32>
    %dot_general3A_35 = tpu.matmul %convert_element_type3A_13, %select_n3A, %dot_general3A_34 {dimension_numbers = #tpu.dot_dimension_numbers<[0], [0], [1], [1], [0, 1, 1, 1], [], []>, transpose_lhs_hint = false} : vector<1000x256xbf16>, vector<1000x1024xbf16>, vector<256x1024xf32> -> vector<256x1024xf32>
    %eq3A_36 = arith.constant 0 : i32
    %eq3A_37 = arith.cmpi eq, %arg0, %eq3A_36 : i32
    %convert_element_type3A_38 = arith.extui %eq3A_37 : i1 to i32
    %cond3A = arith.constant 0 : i32
    %cond3A_39 = arith.cmpi ne, %convert_element_type3A_38, %cond3A : i32
    scf.if %cond3A_39 {
      %swap3A = arith.constant 0 : index
      %swap3A_48 = arith.constant 0 : index
      %swap3A_49 = vector.load %arg12[%swap3A, %swap3A_48] : memref<256x1024xf32, #tpu.memory_space<vmem>>, vector<256x1024xf32>
      tpu.vector_store %arg12[%swap3A, %swap3A_48], %dot_general3A_35 {strides = array<i32>} : memref<256x1024xf32, #tpu.memory_space<vmem>>, vector<256x1024xf32>,
    } else {
    }
    %gt3A = arith.constant 0 : i32
    %gt3A_40 = arith.cmpi sgt, %arg0, %gt3A : i32
    %convert_element_type3A_41 = arith.extui %gt3A_40 : i1 to i32
    %cond3A_42 = arith.constant 0 : i32
    %cond3A_43 = arith.cmpi ne, %convert_element_type3A_41, %cond3A_42 : i32
    scf.if %cond3A_43 {
      %get3A_48 = arith.constant 0 : index
      %get3A_49 = arith.constant 0 : index
      %get3A_50 = vector.load %arg12[%get3A_48, %get3A_49] : memref<256x1024xf32, #tpu.memory_space<vmem>>, vector<256x1024xf32>
      %add3A_51 = arith.addf %get3A_50, %dot_general3A_35 : vector<256x1024xf32>
      %swap3A = arith.constant 0 : index
      %swap3A_52 = arith.constant 0 : index
      %swap3A_53 = vector.load %arg12[%swap3A, %swap3A_52] : memref<256x1024xf32, #tpu.memory_space<vmem>>, vector<256x1024xf32>
      tpu.vector_store %arg12[%swap3A, %swap3A_52], %add3A_51 {strides = array<i32>} : memref<256x1024xf32, #tpu.memory_space<vmem>>, vector<256x1024xf32>,
    } else {
    }
    %lt3A = arith.constant 10 : i32
    %lt3A_44 = arith.cmpi slt, %arg0, %lt3A : i32
    %convert_element_type3A_45 = arith.extui %lt3A_44 : i1 to i32
    %cond3A_46 = arith.constant 0 : i32
    %cond3A_47 = arith.cmpi ne, %convert_element_type3A_45, %cond3A_46 : i32
    scf.if %cond3A_47 {
      %get3A_48 = arith.constant 0 : index
      %get3A_49 = arith.constant 0 : index
      %get3A_50 = vector.load %arg10[%get3A_48, %get3A_49] : memref<1000x1xf32, #tpu.memory_space<vmem>>, vector<1000x1xf32>
      %get3A_51 = arith.constant 0 : index
      %get3A_52 = arith.constant 0 : index
      %get3A_53 = vector.load %arg11[%get3A_51, %get3A_52] : memref<1x1xf32, #tpu.memory_space<vmem>>, vector<1x1xf32>
      %sub3A_54 = vector.broadcast %get3A_53 : vector<1x1xf32> to vector<1000x1xf32>
      %sub3A_55 = arith.subf %get3A_50, %sub3A_54 : vector<1000x1xf32>
      %exp3A_56 = math.exp %sub3A_55 : vector<1000x1xf32>
      %get3A_57 = arith.constant 0 : index
      %get3A_58 = arith.constant 0 : index
      %get3A_59 = vector.load %arg9[%get3A_57, %get3A_58] : memref<1000x1xi32, #tpu.memory_space<vmem>>, vector<1000x1xi32>
      %iota3A_60 = tpu.iota {dimensions = array<i32: 1>} : vector<1x256xi32>
      %eq3A_61 = vector.broadcast %get3A_59 : vector<1000x1xi32> to vector<1000x256xi32>
      %eq3A_62 = vector.broadcast %iota3A_60 : vector<1x256xi32> to vector<1000x256xi32>
      %eq3A_63 = arith.cmpi eq, %eq3A_61, %eq3A_62 : vector<1000x256xi32>
      %convert_element_type3A_64 = arith.extui %eq3A_63 : vector<1000x256xi1> to vector<1000x256xi32>
      %convert_element_type3A_65 = arith.sitofp %convert_element_type3A_64 : vector<1000x256xi32> to vector<1000x256xf32>
      %mul3A_66 = vector.broadcast %exp3A_56 : vector<1000x1xf32> to vector<1000x256xf32>
      %mul3A_67 = arith.mulf %convert_element_type3A_65, %mul3A_66 : vector<1000x256xf32>
      %convert_element_type3A_68 = arith.truncf %mul3A_67 : vector<1000x256xf32> to vector<1000x256xbf16>
      %get3A_69 = arith.constant 0 : index
      %get3A_70 = arith.constant 0 : index
      %get3A_71 = vector.load %arg8[%get3A_69, %get3A_70] : memref<1000x1024xf32, #tpu.memory_space<vmem>>, vector<1000x1024xf32>
      %convert_element_type3A_72 = arith.truncf %get3A_71 : vector<1000x1024xf32> to vector<1000x1024xbf16>
      %get3A_73 = arith.constant 0 : index
      %get3A_74 = arith.constant 0 : index
      %get3A_75 = vector.load %arg2[%get3A_73, %get3A_74] : memref<1024x1024xbf16, #tpu.memory_space<vmem>>, vector<1024x1024xbf16>
      %dot_general3A_76 = arith.constant dense<0.000000e+00> : vector<1000x1024xf32>
      %dot_general3A_77 = tpu.matmul %convert_element_type3A_72, %get3A_75, %dot_general3A_76 {dimension_numbers = #tpu.dot_dimension_numbers<[1], [0], [0], [1], [0, 0, 1, 1], [], []>, transpose_lhs_hint = false} : vector<1000x1024xbf16>, vector<1024x1024xbf16>, vector<1000x1024xf32> -> vector<1000x1024xf32>
      %convert_element_type3A_78 = arith.truncf %dot_general3A_77 : vector<1000x1024xf32> to vector<1000x1024xbf16>
      %get3A_79 = arith.constant 0 : index
      %get3A_80 = arith.constant 0 : index
      %get3A_81 = vector.load %arg3[%get3A_79, %get3A_80] : memref<1x1024xbf16, #tpu.memory_space<vmem>>, vector<1x1024xbf16>
      %add3A_82 = vector.broadcast %get3A_81 : vector<1x1024xbf16> to vector<1000x1024xbf16>
      %add3A_83 = arith.addf %convert_element_type3A_78, %add3A_82 : vector<1000x1024xbf16>
      %ge3A_84 = arith.constant 0.000000e+00 : bf16
      %ge3A_85 = vector.broadcast %ge3A_84 : bf16 to vector<1000x1024xbf16>
      %ge3A_86 = arith.cmpf oge, %add3A_83, %ge3A_85 : vector<1000x1024xbf16>
      %get3A_87 = arith.constant 0 : index
      %get3A_88 = arith.constant 0 : index
      %get3A_89 = vector.load %arg4[%get3A_87, %get3A_88] : memref<1x1xbf16, #tpu.memory_space<vmem>>, vector<1x1xbf16>
      %mul3A_90 = vector.broadcast %get3A_89 : vector<1x1xbf16> to vector<1000x1024xbf16>
      %mul3A_91 = arith.mulf %mul3A_90, %add3A_83 : vector<1000x1024xbf16>
      %select_n3A_92 = arith.select %ge3A_86, %add3A_83, %mul3A_91 : vector<1000x1024xi1>, vector<1000x1024xbf16>
      %dot_general3A_93 = arith.constant dense<0.000000e+00> : vector<256x1024xf32>
      %dot_general3A_94 = tpu.matmul %convert_element_type3A_68, %select_n3A_92, %dot_general3A_93 {dimension_numbers = #tpu.dot_dimension_numbers<[0], [0], [1], [1], [0, 1, 1, 1], [], []>, transpose_lhs_hint = false} : vector<1000x256xbf16>, vector<1000x1024xbf16>, vector<256x1024xf32> -> vector<256x1024xf32>
      %eq3A_95 = arith.constant 0 : i32
      %eq3A_96 = arith.cmpi eq, %arg0, %eq3A_95 : i32
      %convert_element_type3A_97 = arith.extui %eq3A_96 : i1 to i32
      %cond3A_98 = arith.constant 0 : i32
      %cond3A_99 = arith.cmpi ne, %convert_element_type3A_97, %cond3A_98 : i32
      scf.if %cond3A_99 {
        %swap3A = arith.constant 0 : index
        %swap3A_105 = arith.constant 0 : index
        %swap3A_106 = vector.load %arg13[%swap3A, %swap3A_105] : memref<256x1024xf32, #tpu.memory_space<vmem>>, vector<256x1024xf32>
        tpu.vector_store %arg13[%swap3A, %swap3A_105], %dot_general3A_94 {strides = array<i32>} : memref<256x1024xf32, #tpu.memory_space<vmem>>, vector<256x1024xf32>,
      } else {
      }
      %gt3A_100 = arith.constant 0 : i32
      %gt3A_101 = arith.cmpi sgt, %arg0, %gt3A_100 : i32
      %convert_element_type3A_102 = arith.extui %gt3A_101 : i1 to i32
      %cond3A_103 = arith.constant 0 : i32
      %cond3A_104 = arith.cmpi ne, %convert_element_type3A_102, %cond3A_103 : i32
      scf.if %cond3A_104 {
        %get3A_105 = arith.constant 0 : index
        %get3A_106 = arith.constant 0 : index
        %get3A_107 = vector.load %arg13[%get3A_105, %get3A_106] : memref<256x1024xf32, #tpu.memory_space<vmem>>, vector<256x1024xf32>
        %add3A_108 = arith.addf %get3A_107, %dot_general3A_94 : vector<256x1024xf32>
        %swap3A = arith.constant 0 : index
        %swap3A_109 = arith.constant 0 : index
        %swap3A_110 = vector.load %arg13[%swap3A, %swap3A_109] : memref<256x1024xf32, #tpu.memory_space<vmem>>, vector<256x1024xf32>
        tpu.vector_store %arg13[%swap3A, %swap3A_109], %add3A_108 {strides = array<i32>} : memref<256x1024xf32, #tpu.memory_space<vmem>>, vector<256x1024xf32>,
      } else {
      }
    } else {
    }
    return
  }
  func.func @transform_0(%arg0: i32) -> (i32, i32) {
    %c0_i32 = arith.constant 0 : i32
    %c0_i32_0 = arith.constant 0 : i32
    return %arg0, %c0_i32 : i32, i32
  }
  func.func @transform_1(%arg0: i32) -> (i32, i32) {
    %c0_i32 = arith.constant 0 : i32
    %c0_i32_0 = arith.constant 0 : i32
    %c0_i32_1 = arith.constant 0 : i32
    return %c0_i32, %c0_i32_0 : i32, i32
  }
  func.func @transform_2(%arg0: i32) -> (i32, i32) {
    %c0_i32 = arith.constant 0 : i32
    %c0_i32_0 = arith.constant 0 : i32
    %c0_i32_1 = arith.constant 0 : i32
    return %c0_i32, %c0_i32_0 : i32, i32
  }
  func.func @transform_3(%arg0: i32) -> (i32, i32) {
    %c0_i32 = arith.constant 0 : i32
    %c0_i32_0 = arith.constant 0 : i32
    %c0_i32_1 = arith.constant 0 : i32
    return %c0_i32, %c0_i32_0 : i32, i32
  }
  func.func @transform_4(%arg0: i32) -> (i32, i32) {
    %c0_i32 = arith.constant 0 : i32
    %c0_i32_0 = arith.constant 0 : i32
    return %arg0, %c0_i32 : i32, i32
  }
  func.func @transform_5(%arg0: i32) -> (i32, i32) {
    %c0_i32 = arith.constant 0 : i32
    %c0_i32_0 = arith.constant 0 : i32
    return %arg0, %c0_i32 : i32, i32
  }
  func.func @transform_6(%arg0: i32) -> (i32, i32) {
    %c0_i32 = arith.constant 0 : i32
    %c0_i32_0 = arith.constant 0 : i32
    %c0_i32_1 = arith.constant 0 : i32
    return %c0_i32, %c0_i32_0 : i32, i32
  }
  func.func @transform_7(%arg0: i32) -> (i32, i32) {
    %min3A = arith.constant 9 : i32
    %min3A_0 = arith.minsi %arg0, %min3A : i32
    %c0_i32 = arith.constant 0 : i32
    %c0_i32_1 = arith.constant 0 : i32
    return %min3A_0, %c0_i32 : i32, i32
  }
  func.func @transform_8(%arg0: i32) -> (i32, i32) {
    %min3A = arith.constant 9 : i32
    %min3A_0 = arith.minsi %arg0, %min3A : i32
    %c0_i32 = arith.constant 0 : i32
    %c0_i32_1 = arith.constant 0 : i32
    return %min3A_0, %c0_i32 : i32, i32
  }
  func.func @transform_9(%arg0: i32) -> (i32, i32) {
    %min3A = arith.constant 9 : i32
    %min3A_0 = arith.minsi %arg0, %min3A : i32
    %c0_i32 = arith.constant 0 : i32
    %c0_i32_1 = arith.constant 0 : i32
    return %min3A_0, %c0_i32 : i32, i32
  }
  func.func @transform_10(%arg0: i32) -> (i32, i32) {
    %c0_i32 = arith.constant 0 : i32
    %c0_i32_0 = arith.constant 0 : i32
    %c0_i32_1 = arith.constant 0 : i32
    return %c0_i32, %c0_i32_0 : i32, i32
  }
  func.func @transform_11(%arg0: i32) -> (i32, i32) {
    %c0_i32 = arith.constant 0 : i32
    %c0_i32_0 = arith.constant 0 : i32
    %c0_i32_1 = arith.constant 0 : i32
    return %c0_i32, %c0_i32_0 : i32, i32
  }
  func.func @transform_12(%arg0: i32) -> (i32, i32) {
    %c0_i32 = arith.constant 0 : i32
    %c0_i32_0 = arith.constant 0 : i32
    %c0_i32_1 = arith.constant 0 : i32
    return %c0_i32, %c0_i32_0 : i32, i32
  }
}

module attributes {stable_mosaic.version = 14 : i64} {
  func.func @_epilogue_body(%arg0: memref<256x1024xf32, #tpu.memory_space<vmem>>, %arg1: memref<256x1024xf32, #tpu.memory_space<vmem>>, %arg2: memref<256x1024xf32, #tpu.memory_space<vmem>>, %arg3: memref<1x1xf32, #tpu.memory_space<vmem>>, %arg4: memref<1x1xf32, #tpu.memory_space<vmem>>, %arg5: memref<256x1xf32, #tpu.memory_space<vmem>>, %arg6: memref<1x1024xf32, #tpu.memory_space<vmem>>, %arg7: memref<1x1024xf32, #tpu.memory_space<vmem>>, %arg8: memref<1024x1024xf32, #tpu.memory_space<vmem>>, %arg9: memref<1x1024xf32, #tpu.memory_space<vmem>>, %arg10: memref<256x1024xf32, #tpu.memory_space<vmem>>) attributes {dimension_semantics = [], scalar_prefetch = 0 : i64, scratch_operands = 0 : i64, tpu.core_type = #tpu.core_type<tc>} {
    %get3A = arith.constant 0 : index
    %get3A_0 = arith.constant 0 : index
    %get3A_1 = vector.load %arg3[%get3A, %get3A_0] : memref<1x1xf32, #tpu.memory_space<vmem>>, vector<1x1xf32>
    %get3A_2 = arith.constant 0 : index
    %get3A_3 = arith.constant 0 : index
    %get3A_4 = vector.load %arg0[%get3A_2, %get3A_3] : memref<256x1024xf32, #tpu.memory_space<vmem>>, vector<256x1024xf32>
    %get3A_5 = arith.constant 0 : index
    %get3A_6 = arith.constant 0 : index
    %get3A_7 = vector.load %arg2[%get3A_5, %get3A_6] : memref<256x1024xf32, #tpu.memory_space<vmem>>, vector<256x1024xf32>
    %add3A = arith.addf %get3A_4, %get3A_7 : vector<256x1024xf32>
    %mul3A = vector.broadcast %get3A_1 : vector<1x1xf32> to vector<256x1024xf32>
    %mul3A_8 = arith.mulf %mul3A, %add3A : vector<256x1024xf32>
    %get3A_9 = arith.constant 0 : index
    %get3A_10 = arith.constant 0 : index
    %get3A_11 = vector.load %arg4[%get3A_9, %get3A_10] : memref<1x1xf32, #tpu.memory_space<vmem>>, vector<1x1xf32>
    %get3A_12 = arith.constant 0 : index
    %get3A_13 = arith.constant 0 : index
    %get3A_14 = vector.load %arg1[%get3A_12, %get3A_13] : memref<256x1024xf32, #tpu.memory_space<vmem>>, vector<256x1024xf32>
    %mul3A_15 = vector.broadcast %get3A_11 : vector<1x1xf32> to vector<256x1024xf32>
    %mul3A_16 = arith.mulf %mul3A_15, %get3A_14 : vector<256x1024xf32>
    %add3A_17 = arith.addf %mul3A_8, %mul3A_16 : vector<256x1024xf32>
    %get3A_18 = arith.constant 0 : index
    %get3A_19 = arith.constant 0 : index
    %get3A_20 = vector.load %arg5[%get3A_18, %get3A_19] : memref<256x1xf32, #tpu.memory_space<vmem>>, vector<256x1xf32>
    %add3A_21 = arith.constant 1.000000e-16 : f32
    %add3A_22 = vector.broadcast %add3A_21 : f32 to vector<256x1xf32>
    %add3A_23 = arith.addf %get3A_20, %add3A_22 : vector<256x1xf32>
    %get3A_24 = arith.constant 0 : index
    %get3A_25 = arith.constant 0 : index
    %get3A_26 = vector.load %arg5[%get3A_24, %get3A_25] : memref<256x1xf32, #tpu.memory_space<vmem>>, vector<256x1xf32>
    %div3A = arith.divf %get3A_26, %add3A_23 : vector<256x1xf32>
    %div3A_27 = vector.broadcast %add3A_23 : vector<256x1xf32> to vector<256x1024xf32>
    %div3A_28 = arith.divf %add3A_17, %div3A_27 : vector<256x1024xf32>
    %get3A_29 = arith.constant 0 : index
    %get3A_30 = arith.constant 0 : index
    %get3A_31 = vector.load %arg6[%get3A_29, %get3A_30] : memref<1x1024xf32, #tpu.memory_space<vmem>>, vector<1x1024xf32>
    %mul3A_32 = vector.broadcast %get3A_31 : vector<1x1024xf32> to vector<256x1024xf32>
    %mul3A_33 = arith.mulf %div3A_28, %mul3A_32 : vector<256x1024xf32>
    %get3A_34 = arith.constant 0 : index
    %get3A_35 = arith.constant 0 : index
    %get3A_36 = vector.load %arg7[%get3A_34, %get3A_35] : memref<1x1024xf32, #tpu.memory_space<vmem>>, vector<1x1024xf32>
    %mul3A_37 = vector.broadcast %div3A : vector<256x1xf32> to vector<256x1024xf32>
    %mul3A_38 = vector.broadcast %get3A_36 : vector<1x1024xf32> to vector<256x1024xf32>
    %mul3A_39 = arith.mulf %mul3A_37, %mul3A_38 : vector<256x1024xf32>
    %add3A_40 = arith.addf %mul3A_33, %mul3A_39 : vector<256x1024xf32>
    %get3A_41 = arith.constant 0 : index
    %get3A_42 = arith.constant 0 : index
    %get3A_43 = vector.load %arg8[%get3A_41, %get3A_42] : memref<1024x1024xf32, #tpu.memory_space<vmem>>, vector<1024x1024xf32>
    %dot_general3A = arith.constant dense<0.000000e+00> : vector<256x1024xf32>
    %dot_general3A_44 = tpu.matmul %add3A_40, %get3A_43, %dot_general3A {dimension_numbers = #tpu.dot_dimension_numbers<[1], [0], [0], [1], [0, 0, 1, 1], [], []>, transpose_lhs_hint = false} : vector<256x1024xf32>, vector<1024x1024xf32>, vector<256x1024xf32> -> vector<256x1024xf32>
    %get3A_45 = arith.constant 0 : index
    %get3A_46 = arith.constant 0 : index
    %get3A_47 = vector.load %arg9[%get3A_45, %get3A_46] : memref<1x1024xf32, #tpu.memory_space<vmem>>, vector<1x1024xf32>
    %mul3A_48 = vector.broadcast %div3A : vector<256x1xf32> to vector<256x1024xf32>
    %mul3A_49 = vector.broadcast %get3A_47 : vector<1x1024xf32> to vector<256x1024xf32>
    %mul3A_50 = arith.mulf %mul3A_48, %mul3A_49 : vector<256x1024xf32>
    %add3A_51 = arith.addf %dot_general3A_44, %mul3A_50 : vector<256x1024xf32>
    %swap3A = arith.constant 0 : index
    %swap3A_52 = arith.constant 0 : index
    %swap3A_53 = vector.load %arg10[%swap3A, %swap3A_52] : memref<256x1024xf32, #tpu.memory_space<vmem>>, vector<256x1024xf32>
    tpu.vector_store %arg10[%swap3A, %swap3A_52], %add3A_51 {strides = array<i32>} : memref<256x1024xf32, #tpu.memory_space<vmem>>, vector<256x1024xf32>,
    return
  }
}

</mosaic_0001>

<sc_bundles>
// kernel: kernel.11.cloned.1.call-start
scs
__scs_entry_jumppad:
0x0: {  	(pc) =	sbr.rel $0x88, $3  }
0x1: {  	(tag) =	ssettag $0x0;
	lr =	simm.s32 $0x1  }
0x2: {  	[smem:$0x3F92] =	sst lr;
	_ =	strace $0xD0000000  }
0x3: {  	_ = 	snop  }
0x4: {  	_ = 	snop  }
0x5: {  	_ = 	snop  }
0x6: {  	_ = 	snop  }
0x7: {  	_ = 	snop  }
__scs_overlays_trampoline_lowered:
0x8: {  	[smem:$0x3FA1] =	sst s0  }
0x9: {  	[smem:$0x3FA2] =	sst s1  }
0xa: {  	[smem:$0x3FA3] =	sst s2  }
0xb: {  	[smem:$0x3FA4] =	sst s3  }
0xc: {  	[smem:$0x3FA5] =	sst s4  }
0xd: {  	[smem:$0x3FA6] =	sst s5  }
0xe: {  	[smem:$0x3FA7] =	sst s6  }
0xf: {  	[smem:$0x3FA8] =	sst s7  }
0x10: {  	[smem:$0x3FA9] =	sst s8  }
0x11: {  	[smem:$0x3FAA] =	sst s9;
	s0 =	simm.s32 @!p0 $0x0  }
0x12: {  	s1 =	sld [smem:$0x3F90];
	s0 =	simm.s32 @p0 $0x1  }
0x13: {  	[smem:$0x3FAB] =	sst s0;
	s0 =	simm.s32 @!p1 $0x0  }
0x14: {  	s2 =	sld [smem:$0x3F8F];
	s0 =	simm.s32 @p1 $0x1  }
0x15: {  	[smem:$0x3FAC] =	sst s0;
	s0 =	simm.s32 @!p2 $0x0  }
0x16: {  	s3 =	sld [smem:$0x3FDB];
	s0 =	simm.s32 @p2 $0x1  }
0x17: {  	s4 =	simm.s32 $0x1BF5;
	[smem:$0x3FAE] =	sst s0  }
0x18: {  	s0 =	sld [smem:$0x3F91];
	_ =	swait.ge [sflag:s4], $0x0  }
0x19: {  	s7 =	sld [smem:$0x3F92]  }
0x1a: {  	s8 =	sadd.s32 $0xFFFFE003, lr  }
0x1b: {  	s9 =	sadd.s32 $0xFFFFFEF7, lr;
	s5 =	simm.s32 $0xFFFFFFFF;
	p2 =	slt.u32 s8, $0xFFFFF086  }
0x1c: {  	p1 =	slt.u32 s9, $0xF7A;
	s5 =	simm.s32 @!p2 $0x0  }
0x1d: {  	s5 =	simm.s32 @p1 $0x1;
	p0 =	seq.s32 s7, s2  }
0x1e: {  	s7 =	smul.u32 @!p0 $0xF7A, s2;
	p2 =	seq.s32 @!p0 s5, $0x0  }
0x1f: {  	s9 =	smul.u32 $0xF7A, s1;
	s8 =	simm.s32 @!p0 $0x1BF5;
	p2 =	por !p2, p0  }
0x20: {  	[sflag:s8] =	ssyncset.s32 @!p0 $0xFFFFF086;
	s6 =	sadd.s32 @!p0 s3, s7;
	s7 =	simm.s32 @!p0 $0x108  }
0x21: {  	s3 =	sadd.s32 s3, s9;
	s6 =	sadd.s32 @!p0 $0x88, s6;
	s7 =	simm.s32 @p2 $0x1082  }
0x22: {  	[simem:s7], [sflag:s8] =	dma.local @!p0 [hbm:s6], $0xF7A  }
0x23: {  	s9 =	sor.u32 $0xD0000000, s2;
	s6 =	simm.s32 $0x108;
	_ =	swait.ge @!p0 [sflag:s8], $0x0  }
0x24: {  	s3 =	sadd.s32 $0x88, s3;
	s6 =	simm.s32 @!p1 $0x1082;
	[sflag:s4] =	ssyncset.s32 $0xFFFFF086  }
0x25: {  	[simem:s6], [sflag:s4] =	dma.local [hbm:s3], $0xF7A  }
0x26: {  	[smem:$0x3F92] =	sst s1;
	(tag) =	ssettag s2;
	_ =	strace s9  }
0x27: {  	s1 =	sld [smem:$0x3FA2]  }
0x28: {  	s2 =	sld [smem:$0x3FA3]  }
0x29: {  	s4 =	sld [smem:$0x3FA5]  }
0x2a: {  	p0 =	seq.s32 s5, $0x0;
	s5 =	sld [smem:$0x3FA6]  }
0x2b: {  	s6 =	sld [smem:$0x3FA7]  }
0x2c: {  	s7 =	sld [smem:$0x3FA8]  }
0x2d: {  	s3 =	simm.s32 $0x108;
	s8 =	sld [smem:$0x3FA9]  }
0x2e: {  	s3 =	simm.s32 @!p0 $0x1082;
	s9 =	sld [smem:$0x3FAA]  }
0x2f: {  	lr =	sadd.s32 s0, s3;
	s0 =	sld [smem:$0x3FA1]  }
0x30: {  	s3 =	sld [smem:$0x3FA4]  }
0x31: {  	[smem:$0x3FAD] =	sst s10  }
0x32: {  	s10 =	sld [smem:$0x3FAB];
	_ =	sdelay $0x3  }
0x33: {  	p0 =	seq.s32 s10, $0x1;
	s10 =	sld [smem:$0x3FAD];
	_ =	sdelay $0x3  }
0x34: {  	[smem:$0x3FAD] =	sst s10  }
0x35: {  	s10 =	sld [smem:$0x3FAC];
	_ =	sdelay $0x3  }
0x36: {  	p1 =	seq.s32 s10, $0x1;
	s10 =	sld [smem:$0x3FAD];
	_ =	sdelay $0x3  }
0x37: {  	[smem:$0x3FAD] =	sst s10  }
0x38: {  	s10 =	sld [smem:$0x3FAE]  }
0x39: {  	_ = 	snop;
	(pc) =	sbr.ind lr, $3  }
0x3a: {  	_ = 	snop  }
0x3b: {  	_ = 	snop  }
0x3c: {  	p2 =	seq.s32 s10, $0x1;
	s10 =	sld [smem:$0x3FAD]  }
0x3d: {  	_ =	shalt  }
0x3e: {  	_ =	shalt  }
0x3f: {  	_ =	shalt  }
0x40: {  	_ =	shalt  }
0x41: {  	_ =	shalt  }
0x42: {  	_ =	shalt  }
0x43: {  	_ =	shalt  }
0x44: {  	_ =	shalt  }
0x45: {  	_ =	shalt  }
0x46: {  	_ =	shalt  }
0x47: {  	_ =	shalt  }
0x48: {  	_ =	shalt  }
0x49: {  	_ =	shalt  }
0x4a: {  	_ =	shalt  }
0x4b: {  	_ =	shalt  }
0x4c: {  	_ =	shalt  }
0x4d: {  	_ =	shalt  }
0x4e: {  	_ =	shalt  }
0x4f: {  	_ =	shalt  }
0x50: {  	_ =	shalt  }
0x51: {  	_ =	shalt  }
0x52: {  	_ =	shalt  }
0x53: {  	_ =	shalt  }
0x54: {  	_ =	shalt  }
0x55: {  	_ =	shalt  }
0x56: {  	_ =	shalt  }
0x57: {  	_ =	shalt  }
0x58: {  	_ =	shalt  }
0x59: {  	_ =	shalt  }
0x5a: {  	_ =	shalt  }
0x5b: {  	_ =	shalt  }
0x5c: {  	_ =	shalt  }
0x5d: {  	_ =	shalt  }
0x5e: {  	_ =	shalt  }
0x5f: {  	_ =	shalt  }
0x60: {  	_ =	shalt  }
0x61: {  	_ =	shalt  }
0x62: {  	_ =	shalt  }
0x63: {  	_ =	shalt  }
0x64: {  	_ =	shalt  }
0x65: {  	_ =	shalt  }
0x66: {  	_ =	shalt  }
0x67: {  	_ =	shalt  }
0x68: {  	_ =	shalt  }
0x69: {  	_ =	shalt  }
0x6a: {  	_ =	shalt  }
0x6b: {  	_ =	shalt  }
0x6c: {  	_ =	shalt  }
0x6d: {  	_ =	shalt  }
0x6e: {  	_ =	shalt  }
0x6f: {  	_ =	shalt  }
0x70: {  	_ =	shalt  }
0x71: {  	_ =	shalt  }
0x72: {  	_ =	shalt  }
0x73: {  	_ =	shalt  }
0x74: {  	_ =	shalt  }
0x75: {  	_ =	shalt  }
0x76: {  	_ =	shalt  }
0x77: {  	_ =	shalt  }
0x78: {  	_ =	shalt  }
0x79: {  	_ =	shalt  }
0x7a: {  	_ =	shalt  }
0x7b: {  	_ =	shalt  }
0x7c: {  	_ =	shalt  }
0x7d: {  	_ =	shalt  }
0x7e: {  	_ =	shalt  }
0x7f: {  	_ =	shalt  }
0x80: {  	_ =	shalt  }
0x81: {  	_ =	shalt  }
0x82: {  	_ =	shalt  }
0x83: {  	_ =	shalt  }
0x84: {  	_ =	shalt  }
0x85: {  	_ =	shalt  }
0x86: {  	_ =	shalt  }
0x87: {  	_ =	shalt  }
.Lfunc_end0:
.L_simem_size_0:
called_computation.1_lowered:
.L_overlay_start_0:
0x88: {  	s2 =	sld [smem:$0x3FD9]  }
0x89: {  	s3 =	sld [smem:$0x3FFE];
	_ =	sdelay $0x1  }
0x8a: {  	s1 =	srdreg.scid  }
0x8b: {  	s0 =	sand.u32 $0x1, s1  }
0x8c: {  	s17 =	sshll.u32 s0, $0xA;
	s2 =	sadd.s32 s3, s2  }
0x8d: {  	s2 =	sadd.s32 s2, s17  }
0x8e: {  	[smem:$0x3FB9] =	sst s2  }
0x8f: {  	_ = 	snop  }
0x90: {  	s2 =	sld [smem:$0x3FD0];
	(tm) =	ssettm $0x1  }
0x91: {  	s18 =	sld [smem:$0x3FFB];
	_ =	sdelay $0x3  }
0x92: {  	_ =	strace s18  }
0x93: {  	s3 =	sld [smem:$0x3FFC];
	_ =	sdelay $0x3  }
0x94: {  	_ =	strace s3  }
0x95: {  	s3 =	sld [smem:$0x3FFD];
	_ =	sdelay $0x3  }
0x96: {  	_ =	strace s3  }
0x97: {  	_ =	strace $0x8FFFFFFF  }
0x98: {  	s19 =	sld [smem:$0x3FDB];
	_ =	sdelay $0x1  }
0x99: {  	s4 =	simm.s32 $_scs_section_size  }
0x9a: {  	s5 =	simm.s32 $_size__tile_overlayer_lowered;
	s6 =	simm.s32 $_tile_overlayer_lowered  }
0x9b: {  	s22 =	simm.s32 $0x1BFF;
	s21 =	sshll.u32 s6, $0x1;
	s3 =	sadd.s32 s4, s19  }
0x9c: {  	s7 =	simm.s32 $0x0;
	s20 =	sshll.u32 s5, $0x1;
	s5 =	sadd.s32 s21, s3  }
0x9d: {  	[timem:s7], [sflag:s22] =	dma.local [hbm:s5], s20  }
0x9e: {  	_ =	swait.ge [sflag:s22], s20  }
0x9f: {  	s4 =	ssub.s32 $0x0, s20;
	[sflag:s22] =	ssyncset.done $0x0  }
0xa0: {  	[sflag:s22] =	ssyncadd.s32 s4;
	_ =	sdelay $0x1  }
0xa1: {  	s23 =	simm.s32 $0x1B8B  }
0xa2: {  	_ =	swait.ge [sflag:s23], $0x1  }
0xa3: {  	[sflag:s23] =	ssyncset.done $0x0  }
0xa4: {  	s25 =	simm.s32 $0x1B8E;
	s24 =	sld [smem:$0x3FFE];
	[sflag:s23] =	ssyncadd.s32 $0xFFFFFFFF  }
0xa5: {  	s26 =	simm.s32 $execute0_lowered;
	[smem:$0x3FD2] =	sst s25  }
0xa6: {  	s5 =	sshll.u32 s26, $0x1;
	_ =	strace $0x80000049;
	[dreg:$0x1] =	wrdreg $0xFFFFFFFF  }
0xa7: {  	s28 =	simm.s32 $_size_execute0_lowered;
	s3 =	sadd.s32 s3, s5;
	[dreg:$0x0] =	wrdreg $0x0  }
0xa8: {  	s5 =	sshll.u32 s28, $0x1;
	[dreg:$0x2] =	wrdreg s3  }
0xa9: {  	[dreg:$0x3] =	wrdreg s5  }
0xaa: {  	[dreg:$0x4] =	wrdreg $0xC0  }
0xab: {  	_ =	task [dreg:s7], $0x5FFFF  }
0xac: {  	[dreg:$0x1] =	wrdreg $0xFFFFFFFF  }
0xad: {  	[dreg:$0x0] =	wrdreg $0x60  }
0xae: {  	[dreg:$0x2] =	wrdreg s2  }
0xaf: {  	[dreg:$0x3] =	wrdreg s24  }
0xb0: {  	[dreg:$0x4] =	wrdreg $0x1A800  }
0xb1: {  	[dreg:$0x5] =	wrdreg $0x1A900  }
0xb2: {  	[dreg:$0x6] =	wrdreg $0x9  }
0xb3: {  	_ =	task.clear_ibuf [dreg:s7], $0x7FFFF;
	_ =	strace $0x90000049  }
0xb4: {  	s29 =	simm.s32 $0x9;
	_ =	strace $0x8000004B  }
0xb5: {  	_ =	swait.ge [sflag:s29], $0x1  }
0xb6: {  	[sflag:s29] =	ssyncadd.s32 $0xFFFFFFFF  }
0xb7: {  	_ =	strace $0x9000004B  }
0xb8: {  	_ =	sfence  }
0xb9: {  	s30 =	sld [smem:$0x0];
	_ =	sdelay $0x2  }
0xba: {  	s31 =	sshll.u32 s1, $0xD;
	s1 =	sshrl.u32 s1, $0x2  }
0xbb: {  	s3 =	sand.u32 $0x4000, s31;
	s1 =	sadd.s32 s1, s30  }
0xbc: {  	s0 =	sor.u32 s3, s0;
	s1 =	sshll.u32 s1, $0x11  }
0xbd: {  	s0 =	sor.u32 s1, s0  }
0xbe: {  	s0 =	sadd.s32 $0x8F2B, s0  }
0xbf: {  	[sflag:s0] =	ssyncadd.remote.s32 $0x1  }
0xc0: {  	_ =	sfence.sel $0xFFFF  }
0xc1: {  	[dreg:$0x0] =	wrdreg $0xFFFFFFFF;
	(pc) =	sbr.abs _section_cstart, $3  }
0xc2: {  	[dreg:$0x1] =	wrdreg $0xFFFFFFFF  }
0xc3: {  	_ =	task.clear_ibuf [dreg:s7], $0x2FFFF;
	_ =	strace $0x9FFFFFFF  }
0xc4: {  	(tm) =	ssettm $0x7FFFFFFF  }
0xc5: {  	_ =	shalt  }
tec
execute0_lowered:
.L_overlay_start_1:
0x0: {  	(tag) =	ssettag $0x1  }
0x1: {  	s0 =	rddreg [dreg:$0x0]  }
0x2: {  	s1 =	rddreg [dreg:$0x1]  }
0x3: {  	s10 =	rddreg [dreg:$0x2]  }
0x4: {  	s2 =	rddreg [dreg:$0x3];
	s3 =	simm.s32 $0x0;
	s11 =	simm.s32 $0x1000  }
0x5: {  	s4 =	srdreg.scid;
	s12 =	stileid.u32;
	v0 =	vimm.s32 $0xFEDCBA98;
	v1 =	vimm.s32 $0x76543210;
	v2 =	vimm.s32 $0xBA98FEDC;
	s14 =	simm.s32 $0x80  }
0x6: {  	v3 =	vimm.s32 $0x32107654;
	s13 =	simm.s32 $0x1500;
	s15 =	simm.s32 $0xD00;
	s16 =	simm.s32 $0x1580  }
0x7: {  	v4 =	vimm.s32 $0xDCFE98BA;
	s17 =	simm.s32 $0xD80;
	s18 =	simm.s32 $0x1600;
	s19 =	simm.s32 $0xE00  }
0x8: {  	v5 =	vimm.s32 $0x54761032;
	s20 =	simm.s32 $0x1680;
	s21 =	simm.s32 $0xE80;
	s22 =	simm.s32 $0x1700  }
0x9: {  	v6 =	vimm.s32 $0xEFCDAB89;
	s23 =	simm.s32 $0xF00;
	s24 =	simm.s32 $0x1780;
	s25 =	simm.s32 $0xF80  }
0xa: {  	v7 =	vimm.s32 $0x67452301;
	s26 =	simm.s32 $0x0;
	[smem:$0x7FF] =	sst s3;
	s4 =	sand.u32 $0x1, s4;
	v0 =	vunpack.c.l.s4.s8 v0;
	v1 =	vunpack.c.l.s4.s8 v1  }
0xb: {  	s6 =	sshll.u32 s12, $0x8;
	s31 =	sshll.u32 s12, $0x4;
	p0 =	sne.s32 s12, $0x0;
	v2 =	vunpack.c.l.s4.s8 v2;
	v3 =	vunpack.c.l.s4.s8 v3;
	v4 =	vunpack.c.l.s4.s8 v4  }
0xc: {  	v5 =	vunpack.c.l.s4.s8 v5;
	v6 =	vunpack.c.l.s4.s8 v6;
	v7 =	vunpack.c.l.s4.s8 v7;
	s12 =	simm.s32 $0xC80;
	_ =	strace $0x8000004A;
	s5 =	sshll.u32 s4, $0xC  }
0xd: {  	s7 =	ssub.s32 $0x2, s4;
	s4 =	sshll.u32 s4, $0x5;
	s5 =	sor.u32 s6, s5;
	v0 =	vunpack.c.0.s8.s32 v0;
	v1 =	vunpack.c.0.s8.s32 v1;
	v2 =	vunpack.c.0.s8.s32 v2  }
0xe: {  	s30 =	sshrl.u32 s7, $0x1;
	s6 =	sadd.s32 s31, s10;
	s10 =	simm.s32 $0x1;
	v3 =	vunpack.c.0.s8.s32 v3;
	v4 =	vunpack.c.0.s8.s32 v4;
	v5 =	vunpack.c.0.s8.s32 v5  }
0xf: {  	v6 =	vunpack.c.0.s8.s32 v6;
	v7 =	vunpack.c.0.s8.s32 v7;
	s8 =	sadd.s32 s5, s1;
	s1 =	sadd.s32 s4, s1;
	s9 =	ssub.s32 s7, s30;
	v0 =	vand.u32 $0xF, v0  }
0x10: {  	s4 =	sadd.s32 s0, s5;
	s5 =	sadd.s32 $0x1B1600, s8;
	s7 =	sadd.s32 $0xEBE00, s1;
	v0 =	vcombine.low v0, v1;
	v1 =	vcombine.low v3, v2  }
0x11: {  	s8 =	sadd.s32 $0xEBC00, s1;
	s9 =	smax.u32 s9, $0x1;
	s1 =	simm.s32 $0x1480;
	v2 =	vcombine.low v5, v4;
	v3 =	vcombine.low v7, v6  }
.LBB2_1:
0x12: {  	[tilespmem:s3], [sflag:$0x1] =	stream.linear.gather [hbm4b:s4+s3], $0x800, $0x38;
	[tilespmem:$0x1AA0] =	vst v63  }
0x13: {  	_ =	swait.ge [sflag:s10], $0x800  }
0x14: {  	[sflag:s10] =	ssyncset.done $0x0  }
0x15: {  	[sflag:s10] =	ssyncadd.s32 $0xFFFFF800  }
0x16: {  	[tilespmem:s11], [sflag:$0x1] =	stream.linear.gather [hbm4b:s5+s3], $0x800, $0x38;
	[tilespmem:$0x1AA0] =	vst v63  }
0x17: {  	_ =	swait.ge [sflag:s10], $0x800  }
0x18: {  	[sflag:s10] =	ssyncset.done $0x0  }
0x19: {  	s29 =	simm.s32 $0x0;
	[sflag:s10] =	ssyncadd.s32 $0xFFFFF800  }
0x1a: {  	v4 =	vimm.f32 $-1.000000020e+30;
	s28 =	simm.s32 $0x40;
	v5 =	vld [tilespmem:s29+$0x0]  }
.LBB2_2:
0x1b: {  	p1 =	sne.s32 s28, $0x1FC0  }
.Ltmp0:
0x1c: {  	_ = 	snop;
	(pc) =	sbr.rel @p1 .LBB2_2-.Ltmp0, $3  }
0x1d: {  	_ =	sdelay $0x1  }
0x1e: {  	s29 =	sshra.s32 s28, $0x2;
	s28 =	sadd.s32 $0x40, s28;
	v4 =	vmax.f32 v4, v5  }
0x1f: {  	v5 =	vld [tilespmem:s29+$0x0]  }
0x20: {  	_ =	sdelay $0x3  }
0x21: {  	v4 =	vmax.f32 v4, v5  }
0x22: {  	s0 =	simm.s32 $0x1A00;
	[tilespmem:$0x1A00] =	vst v4  }
0x23: {  	[spmem:s6] =	stream.linear.scatter [tilespmem:s0], [sflag:$0x1], $0x10, $0x38;
	[tilespmem:$0x1AA0] =	vst v63  }
0x24: {  	_ =	swait.ge [sflag:s10], $0x10  }
0x25: {  	[sflag:s10] =	ssyncset.done $0x0  }
0x26: {  	[sflag:s10] =	ssyncadd.s32 $0xFFFFFFF0  }
0x27: {  	[bflag:$0x0] =	sbarrier.arrive $0xFFFF  }
0x28: {  	s28 =	simm.s32 $0x1900;
	s0 =	rddreg [dreg:$0x2]  }
0x29: {  	[tilespmem:s28], [sflag:$0x1] =	stream.linear.gather [spmem:s0], $0x100, $0x38;
	[tilespmem:$0x1AA0] =	vst v63  }
0x2a: {  	_ =	swait.ge [sflag:s10], $0x100  }
0x2b: {  	[sflag:s10] =	ssyncset.done $0x0  }
0x2c: {  	[sflag:s10] =	ssyncadd.s32 $0xFFFFFF00  }
0x2d: {  	v4 =	vld [tilespmem:$0x1900]  }
0x2e: {  	v5 =	vld [tilespmem:$0x1910]  }
0x2f: {  	v6 =	vld [tilespmem:$0x1920]  }
0x30: {  	v7 =	vld [tilespmem:$0x1930]  }
0x31: {  	v8 =	vld [tilespmem:$0x1940]  }
0x32: {  	v9 =	vld [tilespmem:$0x1950];
	v4 =	vmax.f32 v4, $-1.000000020e+30  }
0x33: {  	v4 =	vmax.f32 v4, v5;
	v5 =	vld [tilespmem:$0x1960]  }
0x34: {  	v4 =	vmax.f32 v4, v6;
	v6 =	vld [tilespmem:$0x1970]  }
0x35: {  	v4 =	vmax.f32 v4, v7;
	v7 =	vld [tilespmem:$0x1980]  }
0x36: {  	v60 =	vld [tilespmem:$0x1990];
	v4 =	vmax.f32 v4, v8  }
0x37: {  	v61 =	vld [tilespmem:$0x19A0];
	v4 =	vmax.f32 v4, v9  }
0x38: {  	v4 =	vmax.f32 v4, v5;
	v5 =	vld [tilespmem:$0x19B0]  }
0x39: {  	v4 =	vmax.f32 v4, v6;
	v6 =	vld [tilespmem:$0x19C0]  }
0x3a: {  	v4 =	vmax.f32 v4, v7;
	v7 =	vld [tilespmem:$0x19D0]  }
0x3b: {  	v62 =	vld [tilespmem:$0x19E0];
	v4 =	vmax.f32 v4, v60  }
0x3c: {  	v63 =	vld [tilespmem:$0x19F0];
	v4 =	vmax.f32 v4, v61  }
0x3d: {  	v4 =	vmax.f32 v4, v5  }
0x3e: {  	v4 =	vmax.f32 v4, v6  }
0x3f: {  	v4 =	vmax.f32 v4, v7  }
0x40: {  	v4 =	vmax.f32 v4, v62  }
0x41: {  	v4 =	vmax.f32 v4, v63  }
0x42: {  	v5 =	vperm.xlane v4, v0;
	_ =	sdelay $0x1  }
0x43: {  	v4 =	vmax.f32 v4, v5  }
0x44: {  	v5 =	vperm.xlane v4, v1;
	_ =	sdelay $0x1  }
0x45: {  	v4 =	vmax.f32 v4, v5  }
0x46: {  	s28 =	simm.s32 $0x0;
	v5 =	vperm.xlane v4, v2  }
0x47: {  	v6 =	vld [tilespmem:s28+$0x0]  }
0x48: {  	v4 =	vmax.f32 v4, v5  }
0x49: {  	s29 =	simm.s32 $0x10;
	v7 =	vperm.xlane v4, v3  }
0x4a: {  	v5 =	vld [tilespmem:s29+$0x0]  }
0x4b: {  	v4 =	vmax.f32 v4, v7  }
0x4c: {  	v6 =	vsub.f32 v6, v4;
	_ =	sdelay $0x1  }
0x4d: {  	v6 =	vmul.f32 $1.442695020e+00, v6  }
0x4e: {  	v5 =	vsub.f32 v5, v4  }
0x4f: {  	(erf) = vpow2.f32 v6  }
0x50: {  	v7 =	vmul.f32 $1.442695020e+00, v5  }
0x51: {  	s30 =	simm.s32 $0x20  }
0x52: {  	v5 =	vld [tilespmem:s30+$0x0];
	(erf) = vpow2.f32 v7;
	_ =	sdelay $0x2  }
0x53: {  	s31 =	simm.s32 $0xC0  }
.LBB2_4:
0x54: {  	p1 =	sne.s32 s31, $0x1FC0  }
.Ltmp1:
0x55: {  	s0 =	sshra.s32 s31, $0x2;
	s31 =	sadd.s32 $0x40, s31;
	v6 =	vsub.f32 v5, v4;
	(pc) =	sbr.rel @p1 .LBB2_4-.Ltmp1, $4  }
0x56: {  	v5 =	vld [tilespmem:s0+$0x0];
	v7 =	vpop (erf)  }
0x57: {  	v6 =	vmul.f32 $1.442695020e+00, v6;
	[tilespmem:s28+$0x800] =	vst v7;
	s28 =	smov.u32 s29;
	s29 =	smov.u32 s30;
	s30 =	smov.u32 s0  }
0x58: {  	_ = 	snop  }
0x59: {  	(erf) = vpow2.f32 v6  }
0x5a: {  	_ = 	snop  }
0x5b: {  	v5 =	vsub.f32 v5, v4;
	_ =	sdelay $0x1  }
0x5c: {  	v5 =	vmul.f32 $1.442695020e+00, v5;
	_ =	sdelay $0x1  }
0x5d: {  	(erf) = vpow2.f32 v5;
	_ =	sdelay $0x6  }
0x5e: {  	v5 =	vpop (erf)  }
0x5f: {  	[tilespmem:s28+$0x800] =	vst v5;
	v5 =	vpop (erf)  }
0x60: {  	[tilespmem:s29+$0x800] =	vst v5;
	v5 =	vpop (erf)  }
0x61: {  	[tilespmem:s30+$0x800] =	vst v5;
	v5 =	vimm.f32 @!p0 $0.0e+00  }
0x62: {  	[tilespmem:$0x1800] =	vst @!p0 v5  }
0x63: {  	[tilespmem:$0x1810] =	vst @!p0 v5  }
0x64: {  	[tilespmem:$0x1820] =	vst @!p0 v5  }
0x65: {  	[tilespmem:$0x1830] =	vst @!p0 v5  }
0x66: {  	[tilespmem:$0x1840] =	vst @!p0 v5  }
0x67: {  	[tilespmem:$0x1850] =	vst @!p0 v5  }
0x68: {  	[tilespmem:$0x1860] =	vst @!p0 v5  }
0x69: {  	[tilespmem:$0x1870] =	vst @!p0 v5  }
0x6a: {  	[tilespmem:$0x1880] =	vst @!p0 v5  }
0x6b: {  	[tilespmem:$0x1890] =	vst @!p0 v5  }
0x6c: {  	[tilespmem:$0x18A0] =	vst @!p0 v5  }
0x6d: {  	[tilespmem:$0x18B0] =	vst @!p0 v5  }
0x6e: {  	[tilespmem:$0x18C0] =	vst @!p0 v5  }
0x6f: {  	[tilespmem:$0x18D0] =	vst @!p0 v5  }
0x70: {  	[tilespmem:$0x18E0] =	vst @!p0 v5  }
0x71: {  	s28 =	simm.s32 @!p0 $0x1;
	s29 =	simm.s32 @!p0 $0x1800;
	[tilespmem:$0x18F0] =	vst @!p0 v5  }
0x72: {  	[spmem:s2] =	stream.linear.scatter @!p0 [tilespmem:s29], [sflag:$0x1], $0x100, $0x38;
	[tilespmem:$0x1AA0] =	vst v63  }
0x73: {  	_ =	swait.ge @!p0 [sflag:s28], $0x100  }
0x74: {  	[sflag:s28] =	ssyncset.done @!p0 $0x0  }
0x75: {  	[sflag:s28] =	ssyncadd.s32 @!p0 $0xFFFFFF00  }
0x76: {  	s0 =	simm.s32 $0x800;
	[bflag:$0x0] =	sbarrier.arrive $0xFFFF  }
0x77: {  	[spmem:s2] =	stream.indirect.scatter.add.f32 [tilespmem:s0], [sflag:$0x1], $0x1, s11, s14, $0xb8;
	[tilespmem:$0x1AA0] =	vst v63  }
0x78: {  	_ =	swait.ge [sflag:s10], $0x80  }
0x79: {  	[sflag:s10] =	ssyncset.done $0x0  }
0x7a: {  	s31 =	simm.s32 $0x880;
	s0 =	simm.s32 $0x1080;
	[sflag:s10] =	ssyncadd.s32 $0xFFFFFF80  }
0x7b: {  	[spmem:s2] =	stream.indirect.scatter.add.f32 [tilespmem:s31], [sflag:$0x1], $0x1, s0, s14, $0xb8;
	[tilespmem:$0x1AA0] =	vst v63  }
0x7c: {  	_ =	swait.ge [sflag:s10], $0x80  }
0x7d: {  	[sflag:s10] =	ssyncset.done $0x0  }
0x7e: {  	s0 =	simm.s32 $0x1100;
	s31 =	simm.s32 $0x900;
	[sflag:s10] =	ssyncadd.s32 $0xFFFFFF80  }
0x7f: {  	[spmem:s2] =	stream.indirect.scatter.add.f32 [tilespmem:s31], [sflag:$0x1], $0x1, s0, s14, $0xb8;
	[tilespmem:$0x1AA0] =	vst v63  }
0x80: {  	_ =	swait.ge [sflag:s10], $0x80  }
0x81: {  	[sflag:s10] =	ssyncset.done $0x0  }
0x82: {  	s0 =	simm.s32 $0x1180;
	s31 =	simm.s32 $0x980;
	[sflag:s10] =	ssyncadd.s32 $0xFFFFFF80  }
0x83: {  	[spmem:s2] =	stream.indirect.scatter.add.f32 [tilespmem:s31], [sflag:$0x1], $0x1, s0, s14, $0xb8;
	[tilespmem:$0x1AA0] =	vst v63  }
0x84: {  	_ =	swait.ge [sflag:s10], $0x80  }
0x85: {  	[sflag:s10] =	ssyncset.done $0x0  }
0x86: {  	s0 =	simm.s32 $0x1200;
	s31 =	simm.s32 $0xA00;
	[sflag:s10] =	ssyncadd.s32 $0xFFFFFF80  }
0x87: {  	[spmem:s2] =	stream.indirect.scatter.add.f32 [tilespmem:s31], [sflag:$0x1], $0x1, s0, s14, $0xb8;
	[tilespmem:$0x1AA0] =	vst v63  }
0x88: {  	_ =	swait.ge [sflag:s10], $0x80  }
0x89: {  	[sflag:s10] =	ssyncset.done $0x0  }
0x8a: {  	s0 =	simm.s32 $0x1280;
	s31 =	simm.s32 $0xA80;
	[sflag:s10] =	ssyncadd.s32 $0xFFFFFF80  }
0x8b: {  	[spmem:s2] =	stream.indirect.scatter.add.f32 [tilespmem:s31], [sflag:$0x1], $0x1, s0, s14, $0xb8;
	[tilespmem:$0x1AA0] =	vst v63  }
0x8c: {  	_ =	swait.ge [sflag:s10], $0x80  }
0x8d: {  	[sflag:s10] =	ssyncset.done $0x0  }
0x8e: {  	s0 =	simm.s32 $0x1300;
	s31 =	simm.s32 $0xB00;
	[sflag:s10] =	ssyncadd.s32 $0xFFFFFF80  }
0x8f: {  	[spmem:s2] =	stream.indirect.scatter.add.f32 [tilespmem:s31], [sflag:$0x1], $0x1, s0, s14, $0xb8;
	[tilespmem:$0x1AA0] =	vst v63  }
0x90: {  	_ =	swait.ge [sflag:s10], $0x80  }
0x91: {  	[sflag:s10] =	ssyncset.done $0x0  }
0x92: {  	s0 =	simm.s32 $0x1380;
	s31 =	simm.s32 $0xB80;
	[sflag:s10] =	ssyncadd.s32 $0xFFFFFF80  }
0x93: {  	[spmem:s2] =	stream.indirect.scatter.add.f32 [tilespmem:s31], [sflag:$0x1], $0x1, s0, s14, $0xb8;
	[tilespmem:$0x1AA0] =	vst v63  }
0x94: {  	_ =	swait.ge [sflag:s10], $0x80  }
0x95: {  	[sflag:s10] =	ssyncset.done $0x0  }
0x96: {  	s0 =	simm.s32 $0x1400;
	s31 =	simm.s32 $0xC00;
	[sflag:s10] =	ssyncadd.s32 $0xFFFFFF80  }
0x97: {  	[spmem:s2] =	stream.indirect.scatter.add.f32 [tilespmem:s31], [sflag:$0x1], $0x1, s0, s14, $0xb8;
	[tilespmem:$0x1AA0] =	vst v63  }
0x98: {  	_ =	swait.ge [sflag:s10], $0x80  }
0x99: {  	[sflag:s10] =	ssyncset.done $0x0  }
0x9a: {  	[sflag:s10] =	ssyncadd.s32 $0xFFFFFF80  }
0x9b: {  	[spmem:s2] =	stream.indirect.scatter.add.f32 [tilespmem:s12], [sflag:$0x1], $0x1, s1, s14, $0xb8;
	[tilespmem:$0x1AA0] =	vst v63  }
0x9c: {  	_ =	swait.ge [sflag:s10], $0x80  }
0x9d: {  	[sflag:s10] =	ssyncset.done $0x0  }
0x9e: {  	[sflag:s10] =	ssyncadd.s32 $0xFFFFFF80  }
0x9f: {  	[spmem:s2] =	stream.indirect.scatter.add.f32 [tilespmem:s15], [sflag:$0x1], $0x1, s13, s14, $0xb8;
	[tilespmem:$0x1AA0] =	vst v63  }
0xa0: {  	_ =	swait.ge [sflag:s10], $0x80  }
0xa1: {  	[sflag:s10] =	ssyncset.done $0x0  }
0xa2: {  	[sflag:s10] =	ssyncadd.s32 $0xFFFFFF80  }
0xa3: {  	[spmem:s2] =	stream.indirect.scatter.add.f32 [tilespmem:s17], [sflag:$0x1], $0x1, s16, s14, $0xb8;
	[tilespmem:$0x1AA0] =	vst v63  }
0xa4: {  	_ =	swait.ge [sflag:s10], $0x80  }
0xa5: {  	[sflag:s10] =	ssyncset.done $0x0  }
0xa6: {  	[sflag:s10] =	ssyncadd.s32 $0xFFFFFF80  }
0xa7: {  	[spmem:s2] =	stream.indirect.scatter.add.f32 [tilespmem:s19], [sflag:$0x1], $0x1, s18, s14, $0xb8;
	[tilespmem:$0x1AA0] =	vst v63  }
0xa8: {  	_ =	swait.ge [sflag:s10], $0x80  }
0xa9: {  	[sflag:s10] =	ssyncset.done $0x0  }
0xaa: {  	[sflag:s10] =	ssyncadd.s32 $0xFFFFFF80  }
0xab: {  	[spmem:s2] =	stream.indirect.scatter.add.f32 [tilespmem:s21], [sflag:$0x1], $0x1, s20, s14, $0xb8;
	[tilespmem:$0x1AA0] =	vst v63  }
0xac: {  	_ =	swait.ge [sflag:s10], $0x80  }
0xad: {  	[sflag:s10] =	ssyncset.done $0x0  }
0xae: {  	[sflag:s10] =	ssyncadd.s32 $0xFFFFFF80  }
0xaf: {  	[spmem:s2] =	stream.indirect.scatter.add.f32 [tilespmem:s23], [sflag:$0x1], $0x1, s22, s14, $0xb8;
	[tilespmem:$0x1AA0] =	vst v63  }
0xb0: {  	_ =	swait.ge [sflag:s10], $0x80  }
0xb1: {  	[sflag:s10] =	ssyncset.done $0x0  }
0xb2: {  	[sflag:s10] =	ssyncadd.s32 $0xFFFFFF80  }
0xb3: {  	[spmem:s2] =	stream.indirect.scatter.add.f32 [tilespmem:s25], [sflag:$0x1], $0x1, s24, s14, $0xb8;
	[tilespmem:$0x1AA0] =	vst v63  }
0xb4: {  	_ =	swait.ge [sflag:s10], $0x80  }
0xb5: {  	[sflag:s10] =	ssyncset.done $0x0  }
0xb6: {  	[sflag:s10] =	ssyncadd.s32 $0xFFFFFF80  }
0xb7: {  	s30 =	simm.s32 @!p0 $0x1C01;
	s0 =	sshrl.u32 @!p0 s2, $0x3;
	[bflag:$0x0] =	sbarrier.arrive $0xFFFF  }
0xb8: {  	[hbm:s7], [sflag:s30] =	dma.local @!p0 [spmem:s0], $0x20  }
0xb9: {  	_ =	swait.ge @!p0 [sflag:s28], $0x20  }
0xba: {  	[sflag:s28] =	ssyncset.done @!p0 $0x0  }
0xbb: {  	[sflag:s28] =	ssyncadd.s32 @!p0 $0xFFFFFFE0  }
0xbc: {  	[tilespmem:$0x1800] =	vst @!p0 v4  }
0xbd: {  	[tilespmem:$0x1810] =	vst @!p0 v4  }
0xbe: {  	[tilespmem:$0x1820] =	vst @!p0 v4  }
0xbf: {  	[tilespmem:$0x1830] =	vst @!p0 v4  }
0xc0: {  	[tilespmem:$0x1840] =	vst @!p0 v4  }
0xc1: {  	[tilespmem:$0x1850] =	vst @!p0 v4  }
0xc2: {  	[tilespmem:$0x1860] =	vst @!p0 v4  }
0xc3: {  	[tilespmem:$0x1870] =	vst @!p0 v4  }
0xc4: {  	[tilespmem:$0x1880] =	vst @!p0 v4  }
0xc5: {  	[tilespmem:$0x1890] =	vst @!p0 v4  }
0xc6: {  	[tilespmem:$0x18A0] =	vst @!p0 v4  }
0xc7: {  	[tilespmem:$0x18B0] =	vst @!p0 v4  }
0xc8: {  	[tilespmem:$0x18C0] =	vst @!p0 v4  }
0xc9: {  	s26 =	sadd.s32 $0x1, s26;
	[tilespmem:$0x18D0] =	vst @!p0 v4  }
0xca: {  	p1 =	sne.s32 s26, s9;
	[tilespmem:$0x18E0] =	vst @!p0 v4  }
.Ltmp2:
0xcb: {  	s0 =	simm.s32 @!p0 $0x0;
	[tilespmem:$0x18F0] =	vst @!p0 v4;
	(pc) =	sbr.rel @p1 .LBB2_1-.Ltmp2, $4  }
0xcc: {  	[hbm4b:s8+s0] =	stream.linear.scatter @!p0 [tilespmem:s29], [sflag:$0x1], $0x100, $0x38;
	[tilespmem:$0x1AA0] =	vst v63  }
0xcd: {  	_ =	swait.ge @!p0 [sflag:s28], $0x100  }
0xce: {  	[sflag:s28] =	ssyncset.done @!p0 $0x0  }
0xcf: {  	[sflag:s28] =	ssyncadd.s32 @!p0 $0xFFFFFF00  }
0xd0: {  	_ =	sfence.sel $0x180000  }
0xd1: {  	[bflag:$0x0] =	sbarrier.arrive $0xFFFF  }
0xd2: {  	_ =	strace $0x9000004A  }
0xd3: {  	[bflag:$0x2] =	sbarrier.arrive $0xFFFF  }
0xd4: {  	s0 =	rddreg [dreg:$0x4]  }
0xd5: {  	s0 =	sadd.s32 @!p0 $0x100000, s0  }
0xd6: {  	[sflag:s0] =	ssyncadd.tile.s32 @!p0 $0x1;
	_ =	shalt  }
.Lfunc_end2:
_tile_overlayer_lowered:
.L_overlay_start_2:
0xd7: {  	(tag) =	ssettag $0x2  }
0xd8: {  	s0 =	rddreg [dreg:$0x0];
	s2 =	stileid.u32  }
0xd9: {  	s1 =	rddreg [dreg:$0x1];
	p0 =	sne.s32 s2, $0x0  }
0xda: {  	s3 =	rddreg [dreg:$0x2];
	[bflag:$0x3] =	sbarrier.arrive $0xFFFF;
	s2 =	simm.s32 @!p0 $0x1C01  }
0xdb: {  	[timem:s3], [sflag:s2] =	dma.local @!p0 [hbm:s0], s1  }
0xdc: {  	s0 =	simm.s32 @!p0 $0x1  }
0xdd: {  	_ =	swait.ge @!p0 [sflag:s0], s1  }
0xde: {  	s1 =	ssub.s32 @!p0 $0x0, s1;
	[sflag:s0] =	ssyncset.done @!p0 $0x0  }
0xdf: {  	[sflag:s0] =	ssyncadd.s32 @!p0 s1  }
0xe0: {  	[bflag:$0x3] =	sbarrier.arrive $0xFFFF  }
0xe1: {  	_ =	shalt  }

// kernel: kernel.8.cloned.1.call-start
scs
__scs_entry_jumppad:
0x0: {  	(pc) =	sbr.rel $0x88, $3  }
0x1: {  	(tag) =	ssettag $0x0;
	lr =	simm.s32 $0x1  }
0x2: {  	[smem:$0x3F92] =	sst lr;
	_ =	strace $0xD0000000  }
0x3: {  	_ = 	snop  }
0x4: {  	_ = 	snop  }
0x5: {  	_ = 	snop  }
0x6: {  	_ = 	snop  }
0x7: {  	_ = 	snop  }
__scs_overlays_trampoline_lowered:
0x8: {  	[smem:$0x3FA1] =	sst s0  }
0x9: {  	[smem:$0x3FA2] =	sst s1  }
0xa: {  	[smem:$0x3FA3] =	sst s2  }
0xb: {  	[smem:$0x3FA4] =	sst s3  }
0xc: {  	[smem:$0x3FA5] =	sst s4  }
0xd: {  	[smem:$0x3FA6] =	sst s5  }
0xe: {  	[smem:$0x3FA7] =	sst s6  }
0xf: {  	[smem:$0x3FA8] =	sst s7  }
0x10: {  	[smem:$0x3FA9] =	sst s8  }
0x11: {  	[smem:$0x3FAA] =	sst s9;
	s0 =	simm.s32 @!p0 $0x0  }
0x12: {  	s1 =	sld [smem:$0x3F90];
	s0 =	simm.s32 @p0 $0x1  }
0x13: {  	[smem:$0x3FAB] =	sst s0;
	s0 =	simm.s32 @!p1 $0x0  }
0x14: {  	s2 =	sld [smem:$0x3F8F];
	s0 =	simm.s32 @p1 $0x1  }
0x15: {  	[smem:$0x3FAC] =	sst s0;
	s0 =	simm.s32 @!p2 $0x0  }
0x16: {  	s3 =	sld [smem:$0x3FDB];
	s0 =	simm.s32 @p2 $0x1  }
0x17: {  	s4 =	simm.s32 $0x1BF5;
	[smem:$0x3FAE] =	sst s0  }
0x18: {  	s0 =	sld [smem:$0x3F91];
	_ =	swait.ge [sflag:s4], $0x0  }
0x19: {  	s7 =	sld [smem:$0x3F92]  }
0x1a: {  	s8 =	sadd.s32 $0xFFFFE003, lr  }
0x1b: {  	s9 =	sadd.s32 $0xFFFFFEF7, lr;
	s5 =	simm.s32 $0xFFFFFFFF;
	p2 =	slt.u32 s8, $0xFFFFF086  }
0x1c: {  	p1 =	slt.u32 s9, $0xF7A;
	s5 =	simm.s32 @!p2 $0x0  }
0x1d: {  	s5 =	simm.s32 @p1 $0x1;
	p0 =	seq.s32 s7, s2  }
0x1e: {  	s7 =	smul.u32 @!p0 $0xF7A, s2;
	p2 =	seq.s32 @!p0 s5, $0x0  }
0x1f: {  	s9 =	smul.u32 $0xF7A, s1;
	s8 =	simm.s32 @!p0 $0x1BF5;
	p2 =	por !p2, p0  }
0x20: {  	[sflag:s8] =	ssyncset.s32 @!p0 $0xFFFFF086;
	s6 =	sadd.s32 @!p0 s3, s7;
	s7 =	simm.s32 @!p0 $0x108  }
0x21: {  	s3 =	sadd.s32 s3, s9;
	s6 =	sadd.s32 @!p0 $0x88, s6;
	s7 =	simm.s32 @p2 $0x1082  }
0x22: {  	[simem:s7], [sflag:s8] =	dma.local @!p0 [hbm:s6], $0xF7A  }
0x23: {  	s9 =	sor.u32 $0xD0000000, s2;
	s6 =	simm.s32 $0x108;
	_ =	swait.ge @!p0 [sflag:s8], $0x0  }
0x24: {  	s3 =	sadd.s32 $0x88, s3;
	s6 =	simm.s32 @!p1 $0x1082;
	[sflag:s4] =	ssyncset.s32 $0xFFFFF086  }
0x25: {  	[simem:s6], [sflag:s4] =	dma.local [hbm:s3], $0xF7A  }
0x26: {  	[smem:$0x3F92] =	sst s1;
	(tag) =	ssettag s2;
	_ =	strace s9  }
0x27: {  	s1 =	sld [smem:$0x3FA2]  }
0x28: {  	s2 =	sld [smem:$0x3FA3]  }
0x29: {  	s4 =	sld [smem:$0x3FA5]  }
0x2a: {  	p0 =	seq.s32 s5, $0x0;
	s5 =	sld [smem:$0x3FA6]  }
0x2b: {  	s6 =	sld [smem:$0x3FA7]  }
0x2c: {  	s7 =	sld [smem:$0x3FA8]  }
0x2d: {  	s3 =	simm.s32 $0x108;
	s8 =	sld [smem:$0x3FA9]  }
0x2e: {  	s3 =	simm.s32 @!p0 $0x1082;
	s9 =	sld [smem:$0x3FAA]  }
0x2f: {  	lr =	sadd.s32 s0, s3;
	s0 =	sld [smem:$0x3FA1]  }
0x30: {  	s3 =	sld [smem:$0x3FA4]  }
0x31: {  	[smem:$0x3FAD] =	sst s10  }
0x32: {  	s10 =	sld [smem:$0x3FAB];
	_ =	sdelay $0x3  }
0x33: {  	p0 =	seq.s32 s10, $0x1;
	s10 =	sld [smem:$0x3FAD];
	_ =	sdelay $0x3  }
0x34: {  	[smem:$0x3FAD] =	sst s10  }
0x35: {  	s10 =	sld [smem:$0x3FAC];
	_ =	sdelay $0x3  }
0x36: {  	p1 =	seq.s32 s10, $0x1;
	s10 =	sld [smem:$0x3FAD];
	_ =	sdelay $0x3  }
0x37: {  	[smem:$0x3FAD] =	sst s10  }
0x38: {  	s10 =	sld [smem:$0x3FAE]  }
0x39: {  	_ = 	snop;
	(pc) =	sbr.ind lr, $3  }
0x3a: {  	_ = 	snop  }
0x3b: {  	_ = 	snop  }
0x3c: {  	p2 =	seq.s32 s10, $0x1;
	s10 =	sld [smem:$0x3FAD]  }
0x3d: {  	_ =	shalt  }
0x3e: {  	_ =	shalt  }
0x3f: {  	_ =	shalt  }
0x40: {  	_ =	shalt  }
0x41: {  	_ =	shalt  }
0x42: {  	_ =	shalt  }
0x43: {  	_ =	shalt  }
0x44: {  	_ =	shalt  }
0x45: {  	_ =	shalt  }
0x46: {  	_ =	shalt  }
0x47: {  	_ =	shalt  }
0x48: {  	_ =	shalt  }
0x49: {  	_ =	shalt  }
0x4a: {  	_ =	shalt  }
0x4b: {  	_ =	shalt  }
0x4c: {  	_ =	shalt  }
0x4d: {  	_ =	shalt  }
0x4e: {  	_ =	shalt  }
0x4f: {  	_ =	shalt  }
0x50: {  	_ =	shalt  }
0x51: {  	_ =	shalt  }
0x52: {  	_ =	shalt  }
0x53: {  	_ =	shalt  }
0x54: {  	_ =	shalt  }
0x55: {  	_ =	shalt  }
0x56: {  	_ =	shalt  }
0x57: {  	_ =	shalt  }
0x58: {  	_ =	shalt  }
0x59: {  	_ =	shalt  }
0x5a: {  	_ =	shalt  }
0x5b: {  	_ =	shalt  }
0x5c: {  	_ =	shalt  }
0x5d: {  	_ =	shalt  }
0x5e: {  	_ =	shalt  }
0x5f: {  	_ =	shalt  }
0x60: {  	_ =	shalt  }
0x61: {  	_ =	shalt  }
0x62: {  	_ =	shalt  }
0x63: {  	_ =	shalt  }
0x64: {  	_ =	shalt  }
0x65: {  	_ =	shalt  }
0x66: {  	_ =	shalt  }
0x67: {  	_ =	shalt  }
0x68: {  	_ =	shalt  }
0x69: {  	_ =	shalt  }
0x6a: {  	_ =	shalt  }
0x6b: {  	_ =	shalt  }
0x6c: {  	_ =	shalt  }
0x6d: {  	_ =	shalt  }
0x6e: {  	_ =	shalt  }
0x6f: {  	_ =	shalt  }
0x70: {  	_ =	shalt  }
0x71: {  	_ =	shalt  }
0x72: {  	_ =	shalt  }
0x73: {  	_ =	shalt  }
0x74: {  	_ =	shalt  }
0x75: {  	_ =	shalt  }
0x76: {  	_ =	shalt  }
0x77: {  	_ =	shalt  }
0x78: {  	_ =	shalt  }
0x79: {  	_ =	shalt  }
0x7a: {  	_ =	shalt  }
0x7b: {  	_ =	shalt  }
0x7c: {  	_ =	shalt  }
0x7d: {  	_ =	shalt  }
0x7e: {  	_ =	shalt  }
0x7f: {  	_ =	shalt  }
0x80: {  	_ =	shalt  }
0x81: {  	_ =	shalt  }
0x82: {  	_ =	shalt  }
0x83: {  	_ =	shalt  }
0x84: {  	_ =	shalt  }
0x85: {  	_ =	shalt  }
0x86: {  	_ =	shalt  }
0x87: {  	_ =	shalt  }
.Lfunc_end0:
.L_simem_size_0:
called_computation_lowered:
.L_overlay_start_0:
0x88: {  	s2 =	sld [smem:$0x3FD9]  }
0x89: {  	s3 =	sld [smem:$0x3FFE];
	_ =	sdelay $0x1  }
0x8a: {  	s1 =	srdreg.scid  }
0x8b: {  	s0 =	sand.u32 $0x1, s1  }
0x8c: {  	s17 =	sshll.u32 s0, $0xA;
	s2 =	sadd.s32 s3, s2  }
0x8d: {  	s2 =	sadd.s32 s2, s17  }
0x8e: {  	[smem:$0x3FB9] =	sst s2  }
0x8f: {  	_ = 	snop  }
0x90: {  	s2 =	sld [smem:$0x3FD0];
	(tm) =	ssettm $0x1  }
0x91: {  	s18 =	sld [smem:$0x3FFB];
	_ =	sdelay $0x3  }
0x92: {  	_ =	strace s18  }
0x93: {  	s3 =	sld [smem:$0x3FFC];
	_ =	sdelay $0x3  }
0x94: {  	_ =	strace s3  }
0x95: {  	s3 =	sld [smem:$0x3FFD];
	_ =	sdelay $0x3  }
0x96: {  	_ =	strace s3  }
0x97: {  	_ =	strace $0x8FFFFFFF  }
0x98: {  	s19 =	sld [smem:$0x3FDB];
	_ =	sdelay $0x1  }
0x99: {  	s4 =	simm.s32 $_scs_section_size  }
0x9a: {  	s5 =	simm.s32 $_size__tile_overlayer_lowered;
	s6 =	simm.s32 $_tile_overlayer_lowered  }
0x9b: {  	s22 =	simm.s32 $0x1BFF;
	s21 =	sshll.u32 s6, $0x1;
	s3 =	sadd.s32 s4, s19  }
0x9c: {  	s7 =	simm.s32 $0x0;
	s20 =	sshll.u32 s5, $0x1;
	s5 =	sadd.s32 s21, s3  }
0x9d: {  	[timem:s7], [sflag:s22] =	dma.local [hbm:s5], s20  }
0x9e: {  	_ =	swait.ge [sflag:s22], s20  }
0x9f: {  	s4 =	ssub.s32 $0x0, s20;
	[sflag:s22] =	ssyncset.done $0x0  }
0xa0: {  	[sflag:s22] =	ssyncadd.s32 s4;
	_ =	sdelay $0x1  }
0xa1: {  	s23 =	simm.s32 $0x1B8B  }
0xa2: {  	_ =	swait.ge [sflag:s23], $0x1  }
0xa3: {  	[sflag:s23] =	ssyncset.done $0x0  }
0xa4: {  	s25 =	simm.s32 $0x1B8E;
	s24 =	sld [smem:$0x3FFE];
	[sflag:s23] =	ssyncadd.s32 $0xFFFFFFFF  }
0xa5: {  	s26 =	simm.s32 $execute0_lowered;
	[smem:$0x3FD2] =	sst s25  }
0xa6: {  	s5 =	sshll.u32 s26, $0x1;
	_ =	strace $0x80000046;
	[dreg:$0x1] =	wrdreg $0xFFFFFFFF  }
0xa7: {  	s28 =	simm.s32 $_size_execute0_lowered;
	s3 =	sadd.s32 s3, s5;
	[dreg:$0x0] =	wrdreg $0x0  }
0xa8: {  	s5 =	sshll.u32 s28, $0x1;
	[dreg:$0x2] =	wrdreg s3  }
0xa9: {  	[dreg:$0x3] =	wrdreg s5  }
0xaa: {  	[dreg:$0x4] =	wrdreg $0xC0  }
0xab: {  	_ =	task [dreg:s7], $0x5FFFF  }
0xac: {  	[dreg:$0x1] =	wrdreg $0xFFFFFFFF  }
0xad: {  	[dreg:$0x0] =	wrdreg $0x60  }
0xae: {  	[dreg:$0x2] =	wrdreg s2  }
0xaf: {  	[dreg:$0x3] =	wrdreg s24  }
0xb0: {  	[dreg:$0x4] =	wrdreg $0x1A800  }
0xb1: {  	[dreg:$0x5] =	wrdreg $0x1A900  }
0xb2: {  	[dreg:$0x6] =	wrdreg $0x9  }
0xb3: {  	_ =	task.clear_ibuf [dreg:s7], $0x7FFFF;
	_ =	strace $0x90000046  }
0xb4: {  	s29 =	simm.s32 $0x9;
	_ =	strace $0x80000048  }
0xb5: {  	_ =	swait.ge [sflag:s29], $0x1  }
0xb6: {  	[sflag:s29] =	ssyncadd.s32 $0xFFFFFFFF  }
0xb7: {  	_ =	strace $0x90000048  }
0xb8: {  	_ =	sfence  }
0xb9: {  	s30 =	sld [smem:$0x0];
	_ =	sdelay $0x2  }
0xba: {  	s31 =	sshll.u32 s1, $0xD;
	s1 =	sshrl.u32 s1, $0x2  }
0xbb: {  	s3 =	sand.u32 $0x4000, s31;
	s1 =	sadd.s32 s1, s30  }
0xbc: {  	s0 =	sor.u32 s3, s0;
	s1 =	sshll.u32 s1, $0x11  }
0xbd: {  	s0 =	sor.u32 s1, s0  }
0xbe: {  	s0 =	sadd.s32 $0x8F2B, s0  }
0xbf: {  	[sflag:s0] =	ssyncadd.remote.s32 $0x1  }
0xc0: {  	_ =	sfence.sel $0xFFFF  }
0xc1: {  	[dreg:$0x0] =	wrdreg $0xFFFFFFFF;
	(pc) =	sbr.abs _section_cstart, $3  }
0xc2: {  	[dreg:$0x1] =	wrdreg $0xFFFFFFFF  }
0xc3: {  	_ =	task.clear_ibuf [dreg:s7], $0x2FFFF;
	_ =	strace $0x9FFFFFFF  }
0xc4: {  	(tm) =	ssettm $0x7FFFFFFF  }
0xc5: {  	_ =	shalt  }
tec
execute0_lowered:
.L_overlay_start_1:
0x0: {  	(tag) =	ssettag $0x1  }
0x1: {  	s0 =	rddreg [dreg:$0x0]  }
0x2: {  	s1 =	rddreg [dreg:$0x1]  }
0x3: {  	s10 =	rddreg [dreg:$0x2]  }
0x4: {  	s2 =	rddreg [dreg:$0x3];
	s3 =	simm.s32 $0x0;
	s11 =	simm.s32 $0x1000  }
0x5: {  	s4 =	srdreg.scid;
	s12 =	stileid.u32;
	v0 =	vimm.s32 $0xFEDCBA98;
	v1 =	vimm.s32 $0x76543210;
	v2 =	vimm.s32 $0xBA98FEDC;
	s14 =	simm.s32 $0x80  }
0x6: {  	v3 =	vimm.s32 $0x32107654;
	s13 =	simm.s32 $0x1500;
	s15 =	simm.s32 $0xD00;
	s16 =	simm.s32 $0x1580  }
0x7: {  	v4 =	vimm.s32 $0xDCFE98BA;
	s17 =	simm.s32 $0xD80;
	s18 =	simm.s32 $0x1600;
	s19 =	simm.s32 $0xE00  }
0x8: {  	v5 =	vimm.s32 $0x54761032;
	s20 =	simm.s32 $0x1680;
	s21 =	simm.s32 $0xE80;
	s22 =	simm.s32 $0x1700  }
0x9: {  	v6 =	vimm.s32 $0xEFCDAB89;
	s23 =	simm.s32 $0xF00;
	s24 =	simm.s32 $0x1780;
	s25 =	simm.s32 $0xF80  }
0xa: {  	v7 =	vimm.s32 $0x67452301;
	s26 =	simm.s32 $0x0;
	[smem:$0x7FF] =	sst s3;
	s4 =	sand.u32 $0x1, s4;
	v0 =	vunpack.c.l.s4.s8 v0;
	v1 =	vunpack.c.l.s4.s8 v1  }
0xb: {  	s6 =	sshll.u32 s12, $0x8;
	s31 =	sshll.u32 s12, $0x4;
	p0 =	sne.s32 s12, $0x0;
	v2 =	vunpack.c.l.s4.s8 v2;
	v3 =	vunpack.c.l.s4.s8 v3;
	v4 =	vunpack.c.l.s4.s8 v4  }
0xc: {  	v5 =	vunpack.c.l.s4.s8 v5;
	v6 =	vunpack.c.l.s4.s8 v6;
	v7 =	vunpack.c.l.s4.s8 v7;
	s12 =	simm.s32 $0xC80;
	_ =	strace $0x80000047;
	s5 =	sshll.u32 s4, $0xC  }
0xd: {  	s7 =	ssub.s32 $0x2, s4;
	s4 =	sshll.u32 s4, $0x5;
	s5 =	sor.u32 s6, s5;
	v0 =	vunpack.c.0.s8.s32 v0;
	v1 =	vunpack.c.0.s8.s32 v1;
	v2 =	vunpack.c.0.s8.s32 v2  }
0xe: {  	s30 =	sshrl.u32 s7, $0x1;
	s6 =	sadd.s32 s31, s10;
	s10 =	simm.s32 $0x1;
	v3 =	vunpack.c.0.s8.s32 v3;
	v4 =	vunpack.c.0.s8.s32 v4;
	v5 =	vunpack.c.0.s8.s32 v5  }
0xf: {  	v6 =	vunpack.c.0.s8.s32 v6;
	v7 =	vunpack.c.0.s8.s32 v7;
	s8 =	sadd.s32 s5, s1;
	s1 =	sadd.s32 s4, s1;
	s9 =	ssub.s32 s7, s30;
	v0 =	vand.u32 $0xF, v0  }
0x10: {  	s4 =	sadd.s32 s0, s5;
	s5 =	sadd.s32 $0xEBA00, s8;
	s7 =	sadd.s32 $0xEDC00, s1;
	v0 =	vcombine.low v0, v1;
	v1 =	vcombine.low v3, v2  }
0x11: {  	s8 =	sadd.s32 $0xEDA00, s1;
	s9 =	smax.u32 s9, $0x1;
	s1 =	simm.s32 $0x1480;
	v2 =	vcombine.low v5, v4;
	v3 =	vcombine.low v7, v6  }
.LBB2_1:
0x12: {  	[tilespmem:s3], [sflag:$0x1] =	stream.linear.gather [hbm4b:s4+s3], $0x800, $0x38;
	[tilespmem:$0x1AA0] =	vst v63  }
0x13: {  	_ =	swait.ge [sflag:s10], $0x800  }
0x14: {  	[sflag:s10] =	ssyncset.done $0x0  }
0x15: {  	[sflag:s10] =	ssyncadd.s32 $0xFFFFF800  }
0x16: {  	[tilespmem:s11], [sflag:$0x1] =	stream.linear.gather [hbm4b:s5+s3], $0x800, $0x38;
	[tilespmem:$0x1AA0] =	vst v63  }
0x17: {  	_ =	swait.ge [sflag:s10], $0x800  }
0x18: {  	[sflag:s10] =	ssyncset.done $0x0  }
0x19: {  	s29 =	simm.s32 $0x0;
	[sflag:s10] =	ssyncadd.s32 $0xFFFFF800  }
0x1a: {  	v4 =	vimm.f32 $-1.000000020e+30;
	s28 =	simm.s32 $0x40;
	v5 =	vld [tilespmem:s29+$0x0]  }
.LBB2_2:
0x1b: {  	p1 =	sne.s32 s28, $0x1FC0  }
.Ltmp0:
0x1c: {  	_ = 	snop;
	(pc) =	sbr.rel @p1 .LBB2_2-.Ltmp0, $3  }
0x1d: {  	_ =	sdelay $0x1  }
0x1e: {  	s29 =	sshra.s32 s28, $0x2;
	s28 =	sadd.s32 $0x40, s28;
	v4 =	vmax.f32 v4, v5  }
0x1f: {  	v5 =	vld [tilespmem:s29+$0x0]  }
0x20: {  	_ =	sdelay $0x3  }
0x21: {  	v4 =	vmax.f32 v4, v5  }
0x22: {  	s0 =	simm.s32 $0x1A00;
	[tilespmem:$0x1A00] =	vst v4  }
0x23: {  	[spmem:s6] =	stream.linear.scatter [tilespmem:s0], [sflag:$0x1], $0x10, $0x38;
	[tilespmem:$0x1AA0] =	vst v63  }
0x24: {  	_ =	swait.ge [sflag:s10], $0x10  }
0x25: {  	[sflag:s10] =	ssyncset.done $0x0  }
0x26: {  	[sflag:s10] =	ssyncadd.s32 $0xFFFFFFF0  }
0x27: {  	[bflag:$0x0] =	sbarrier.arrive $0xFFFF  }
0x28: {  	s28 =	simm.s32 $0x1900;
	s0 =	rddreg [dreg:$0x2]  }
0x29: {  	[tilespmem:s28], [sflag:$0x1] =	stream.linear.gather [spmem:s0], $0x100, $0x38;
	[tilespmem:$0x1AA0] =	vst v63  }
0x2a: {  	_ =	swait.ge [sflag:s10], $0x100  }
0x2b: {  	[sflag:s10] =	ssyncset.done $0x0  }
0x2c: {  	[sflag:s10] =	ssyncadd.s32 $0xFFFFFF00  }
0x2d: {  	v4 =	vld [tilespmem:$0x1900]  }
0x2e: {  	v5 =	vld [tilespmem:$0x1910]  }
0x2f: {  	v6 =	vld [tilespmem:$0x1920]  }
0x30: {  	v7 =	vld [tilespmem:$0x1930]  }
0x31: {  	v8 =	vld [tilespmem:$0x1940]  }
0x32: {  	v9 =	vld [tilespmem:$0x1950];
	v4 =	vmax.f32 v4, $-1.000000020e+30  }
0x33: {  	v4 =	vmax.f32 v4, v5;
	v5 =	vld [tilespmem:$0x1960]  }
0x34: {  	v4 =	vmax.f32 v4, v6;
	v6 =	vld [tilespmem:$0x1970]  }
0x35: {  	v4 =	vmax.f32 v4, v7;
	v7 =	vld [tilespmem:$0x1980]  }
0x36: {  	v60 =	vld [tilespmem:$0x1990];
	v4 =	vmax.f32 v4, v8  }
0x37: {  	v61 =	vld [tilespmem:$0x19A0];
	v4 =	vmax.f32 v4, v9  }
0x38: {  	v4 =	vmax.f32 v4, v5;
	v5 =	vld [tilespmem:$0x19B0]  }
0x39: {  	v4 =	vmax.f32 v4, v6;
	v6 =	vld [tilespmem:$0x19C0]  }
0x3a: {  	v4 =	vmax.f32 v4, v7;
	v7 =	vld [tilespmem:$0x19D0]  }
0x3b: {  	v62 =	vld [tilespmem:$0x19E0];
	v4 =	vmax.f32 v4, v60  }
0x3c: {  	v63 =	vld [tilespmem:$0x19F0];
	v4 =	vmax.f32 v4, v61  }
0x3d: {  	v4 =	vmax.f32 v4, v5  }
0x3e: {  	v4 =	vmax.f32 v4, v6  }
0x3f: {  	v4 =	vmax.f32 v4, v7  }
0x40: {  	v4 =	vmax.f32 v4, v62  }
0x41: {  	v4 =	vmax.f32 v4, v63  }
0x42: {  	v5 =	vperm.xlane v4, v0;
	_ =	sdelay $0x1  }
0x43: {  	v4 =	vmax.f32 v4, v5  }
0x44: {  	v5 =	vperm.xlane v4, v1;
	_ =	sdelay $0x1  }
0x45: {  	v4 =	vmax.f32 v4, v5  }
0x46: {  	s28 =	simm.s32 $0x0;
	v5 =	vperm.xlane v4, v2  }
0x47: {  	v6 =	vld [tilespmem:s28+$0x0]  }
0x48: {  	v4 =	vmax.f32 v4, v5  }
0x49: {  	s29 =	simm.s32 $0x10;
	v7 =	vperm.xlane v4, v3  }
0x4a: {  	v5 =	vld [tilespmem:s29+$0x0]  }
0x4b: {  	v4 =	vmax.f32 v4, v7  }
0x4c: {  	v6 =	vsub.f32 v6, v4;
	_ =	sdelay $0x1  }
0x4d: {  	v6 =	vmul.f32 $1.442695020e+00, v6  }
0x4e: {  	v5 =	vsub.f32 v5, v4  }
0x4f: {  	(erf) = vpow2.f32 v6  }
0x50: {  	v7 =	vmul.f32 $1.442695020e+00, v5  }
0x51: {  	s30 =	simm.s32 $0x20  }
0x52: {  	v5 =	vld [tilespmem:s30+$0x0];
	(erf) = vpow2.f32 v7;
	_ =	sdelay $0x2  }
0x53: {  	s31 =	simm.s32 $0xC0  }
.LBB2_4:
0x54: {  	p1 =	sne.s32 s31, $0x1FC0  }
.Ltmp1:
0x55: {  	s0 =	sshra.s32 s31, $0x2;
	s31 =	sadd.s32 $0x40, s31;
	v6 =	vsub.f32 v5, v4;
	(pc) =	sbr.rel @p1 .LBB2_4-.Ltmp1, $4  }
0x56: {  	v5 =	vld [tilespmem:s0+$0x0];
	v7 =	vpop (erf)  }
0x57: {  	v6 =	vmul.f32 $1.442695020e+00, v6;
	[tilespmem:s28+$0x800] =	vst v7;
	s28 =	smov.u32 s29;
	s29 =	smov.u32 s30;
	s30 =	smov.u32 s0  }
0x58: {  	_ = 	snop  }
0x59: {  	(erf) = vpow2.f32 v6  }
0x5a: {  	_ = 	snop  }
0x5b: {  	v5 =	vsub.f32 v5, v4;
	_ =	sdelay $0x1  }
0x5c: {  	v5 =	vmul.f32 $1.442695020e+00, v5;
	_ =	sdelay $0x1  }
0x5d: {  	(erf) = vpow2.f32 v5;
	_ =	sdelay $0x6  }
0x5e: {  	v5 =	vpop (erf)  }
0x5f: {  	[tilespmem:s28+$0x800] =	vst v5;
	v5 =	vpop (erf)  }
0x60: {  	[tilespmem:s29+$0x800] =	vst v5;
	v5 =	vpop (erf)  }
0x61: {  	[tilespmem:s30+$0x800] =	vst v5;
	v5 =	vimm.f32 @!p0 $0.0e+00  }
0x62: {  	[tilespmem:$0x1800] =	vst @!p0 v5  }
0x63: {  	[tilespmem:$0x1810] =	vst @!p0 v5  }
0x64: {  	[tilespmem:$0x1820] =	vst @!p0 v5  }
0x65: {  	[tilespmem:$0x1830] =	vst @!p0 v5  }
0x66: {  	[tilespmem:$0x1840] =	vst @!p0 v5  }
0x67: {  	[tilespmem:$0x1850] =	vst @!p0 v5  }
0x68: {  	[tilespmem:$0x1860] =	vst @!p0 v5  }
0x69: {  	[tilespmem:$0x1870] =	vst @!p0 v5  }
0x6a: {  	[tilespmem:$0x1880] =	vst @!p0 v5  }
0x6b: {  	[tilespmem:$0x1890] =	vst @!p0 v5  }
0x6c: {  	[tilespmem:$0x18A0] =	vst @!p0 v5  }
0x6d: {  	[tilespmem:$0x18B0] =	vst @!p0 v5  }
0x6e: {  	[tilespmem:$0x18C0] =	vst @!p0 v5  }
0x6f: {  	[tilespmem:$0x18D0] =	vst @!p0 v5  }
0x70: {  	[tilespmem:$0x18E0] =	vst @!p0 v5  }
0x71: {  	s28 =	simm.s32 @!p0 $0x1;
	s29 =	simm.s32 @!p0 $0x1800;
	[tilespmem:$0x18F0] =	vst @!p0 v5  }
0x72: {  	[spmem:s2] =	stream.linear.scatter @!p0 [tilespmem:s29], [sflag:$0x1], $0x100, $0x38;
	[tilespmem:$0x1AA0] =	vst v63  }
0x73: {  	_ =	swait.ge @!p0 [sflag:s28], $0x100  }
0x74: {  	[sflag:s28] =	ssyncset.done @!p0 $0x0  }
0x75: {  	[sflag:s28] =	ssyncadd.s32 @!p0 $0xFFFFFF00  }
0x76: {  	s0 =	simm.s32 $0x800;
	[bflag:$0x0] =	sbarrier.arrive $0xFFFF  }
0x77: {  	[spmem:s2] =	stream.indirect.scatter.add.f32 [tilespmem:s0], [sflag:$0x1], $0x1, s11, s14, $0xb8;
	[tilespmem:$0x1AA0] =	vst v63  }
0x78: {  	_ =	swait.ge [sflag:s10], $0x80  }
0x79: {  	[sflag:s10] =	ssyncset.done $0x0  }
0x7a: {  	s31 =	simm.s32 $0x880;
	s0 =	simm.s32 $0x1080;
	[sflag:s10] =	ssyncadd.s32 $0xFFFFFF80  }
0x7b: {  	[spmem:s2] =	stream.indirect.scatter.add.f32 [tilespmem:s31], [sflag:$0x1], $0x1, s0, s14, $0xb8;
	[tilespmem:$0x1AA0] =	vst v63  }
0x7c: {  	_ =	swait.ge [sflag:s10], $0x80  }
0x7d: {  	[sflag:s10] =	ssyncset.done $0x0  }
0x7e: {  	s0 =	simm.s32 $0x1100;
	s31 =	simm.s32 $0x900;
	[sflag:s10] =	ssyncadd.s32 $0xFFFFFF80  }
0x7f: {  	[spmem:s2] =	stream.indirect.scatter.add.f32 [tilespmem:s31], [sflag:$0x1], $0x1, s0, s14, $0xb8;
	[tilespmem:$0x1AA0] =	vst v63  }
0x80: {  	_ =	swait.ge [sflag:s10], $0x80  }
0x81: {  	[sflag:s10] =	ssyncset.done $0x0  }
0x82: {  	s0 =	simm.s32 $0x1180;
	s31 =	simm.s32 $0x980;
	[sflag:s10] =	ssyncadd.s32 $0xFFFFFF80  }
0x83: {  	[spmem:s2] =	stream.indirect.scatter.add.f32 [tilespmem:s31], [sflag:$0x1], $0x1, s0, s14, $0xb8;
	[tilespmem:$0x1AA0] =	vst v63  }
0x84: {  	_ =	swait.ge [sflag:s10], $0x80  }
0x85: {  	[sflag:s10] =	ssyncset.done $0x0  }
0x86: {  	s0 =	simm.s32 $0x1200;
	s31 =	simm.s32 $0xA00;
	[sflag:s10] =	ssyncadd.s32 $0xFFFFFF80  }
0x87: {  	[spmem:s2] =	stream.indirect.scatter.add.f32 [tilespmem:s31], [sflag:$0x1], $0x1, s0, s14, $0xb8;
	[tilespmem:$0x1AA0] =	vst v63  }
0x88: {  	_ =	swait.ge [sflag:s10], $0x80  }
0x89: {  	[sflag:s10] =	ssyncset.done $0x0  }
0x8a: {  	s0 =	simm.s32 $0x1280;
	s31 =	simm.s32 $0xA80;
	[sflag:s10] =	ssyncadd.s32 $0xFFFFFF80  }
0x8b: {  	[spmem:s2] =	stream.indirect.scatter.add.f32 [tilespmem:s31], [sflag:$0x1], $0x1, s0, s14, $0xb8;
	[tilespmem:$0x1AA0] =	vst v63  }
0x8c: {  	_ =	swait.ge [sflag:s10], $0x80  }
0x8d: {  	[sflag:s10] =	ssyncset.done $0x0  }
0x8e: {  	s0 =	simm.s32 $0x1300;
	s31 =	simm.s32 $0xB00;
	[sflag:s10] =	ssyncadd.s32 $0xFFFFFF80  }
0x8f: {  	[spmem:s2] =	stream.indirect.scatter.add.f32 [tilespmem:s31], [sflag:$0x1], $0x1, s0, s14, $0xb8;
	[tilespmem:$0x1AA0] =	vst v63  }
0x90: {  	_ =	swait.ge [sflag:s10], $0x80  }
0x91: {  	[sflag:s10] =	ssyncset.done $0x0  }
0x92: {  	s0 =	simm.s32 $0x1380;
	s31 =	simm.s32 $0xB80;
	[sflag:s10] =	ssyncadd.s32 $0xFFFFFF80  }
0x93: {  	[spmem:s2] =	stream.indirect.scatter.add.f32 [tilespmem:s31], [sflag:$0x1], $0x1, s0, s14, $0xb8;
	[tilespmem:$0x1AA0] =	vst v63  }
0x94: {  	_ =	swait.ge [sflag:s10], $0x80  }
0x95: {  	[sflag:s10] =	ssyncset.done $0x0  }
0x96: {  	s0 =	simm.s32 $0x1400;
	s31 =	simm.s32 $0xC00;
	[sflag:s10] =	ssyncadd.s32 $0xFFFFFF80  }
0x97: {  	[spmem:s2] =	stream.indirect.scatter.add.f32 [tilespmem:s31], [sflag:$0x1], $0x1, s0, s14, $0xb8;
	[tilespmem:$0x1AA0] =	vst v63  }
0x98: {  	_ =	swait.ge [sflag:s10], $0x80  }
0x99: {  	[sflag:s10] =	ssyncset.done $0x0  }
0x9a: {  	[sflag:s10] =	ssyncadd.s32 $0xFFFFFF80  }
0x9b: {  	[spmem:s2] =	stream.indirect.scatter.add.f32 [tilespmem:s12], [sflag:$0x1], $0x1, s1, s14, $0xb8;
	[tilespmem:$0x1AA0] =	vst v63  }
0x9c: {  	_ =	swait.ge [sflag:s10], $0x80  }
0x9d: {  	[sflag:s10] =	ssyncset.done $0x0  }
0x9e: {  	[sflag:s10] =	ssyncadd.s32 $0xFFFFFF80  }
0x9f: {  	[spmem:s2] =	stream.indirect.scatter.add.f32 [tilespmem:s15], [sflag:$0x1], $0x1, s13, s14, $0xb8;
	[tilespmem:$0x1AA0] =	vst v63  }
0xa0: {  	_ =	swait.ge [sflag:s10], $0x80  }
0xa1: {  	[sflag:s10] =	ssyncset.done $0x0  }
0xa2: {  	[sflag:s10] =	ssyncadd.s32 $0xFFFFFF80  }
0xa3: {  	[spmem:s2] =	stream.indirect.scatter.add.f32 [tilespmem:s17], [sflag:$0x1], $0x1, s16, s14, $0xb8;
	[tilespmem:$0x1AA0] =	vst v63  }
0xa4: {  	_ =	swait.ge [sflag:s10], $0x80  }
0xa5: {  	[sflag:s10] =	ssyncset.done $0x0  }
0xa6: {  	[sflag:s10] =	ssyncadd.s32 $0xFFFFFF80  }
0xa7: {  	[spmem:s2] =	stream.indirect.scatter.add.f32 [tilespmem:s19], [sflag:$0x1], $0x1, s18, s14, $0xb8;
	[tilespmem:$0x1AA0] =	vst v63  }
0xa8: {  	_ =	swait.ge [sflag:s10], $0x80  }
0xa9: {  	[sflag:s10] =	ssyncset.done $0x0  }
0xaa: {  	[sflag:s10] =	ssyncadd.s32 $0xFFFFFF80  }
0xab: {  	[spmem:s2] =	stream.indirect.scatter.add.f32 [tilespmem:s21], [sflag:$0x1], $0x1, s20, s14, $0xb8;
	[tilespmem:$0x1AA0] =	vst v63  }
0xac: {  	_ =	swait.ge [sflag:s10], $0x80  }
0xad: {  	[sflag:s10] =	ssyncset.done $0x0  }
0xae: {  	[sflag:s10] =	ssyncadd.s32 $0xFFFFFF80  }
0xaf: {  	[spmem:s2] =	stream.indirect.scatter.add.f32 [tilespmem:s23], [sflag:$0x1], $0x1, s22, s14, $0xb8;
	[tilespmem:$0x1AA0] =	vst v63  }
0xb0: {  	_ =	swait.ge [sflag:s10], $0x80  }
0xb1: {  	[sflag:s10] =	ssyncset.done $0x0  }
0xb2: {  	[sflag:s10] =	ssyncadd.s32 $0xFFFFFF80  }
0xb3: {  	[spmem:s2] =	stream.indirect.scatter.add.f32 [tilespmem:s25], [sflag:$0x1], $0x1, s24, s14, $0xb8;
	[tilespmem:$0x1AA0] =	vst v63  }
0xb4: {  	_ =	swait.ge [sflag:s10], $0x80  }
0xb5: {  	[sflag:s10] =	ssyncset.done $0x0  }
0xb6: {  	[sflag:s10] =	ssyncadd.s32 $0xFFFFFF80  }
0xb7: {  	s30 =	simm.s32 @!p0 $0x1C01;
	s0 =	sshrl.u32 @!p0 s2, $0x3;
	[bflag:$0x0] =	sbarrier.arrive $0xFFFF  }
0xb8: {  	[hbm:s7], [sflag:s30] =	dma.local @!p0 [spmem:s0], $0x20  }
0xb9: {  	_ =	swait.ge @!p0 [sflag:s28], $0x20  }
0xba: {  	[sflag:s28] =	ssyncset.done @!p0 $0x0  }
0xbb: {  	[sflag:s28] =	ssyncadd.s32 @!p0 $0xFFFFFFE0  }
0xbc: {  	[tilespmem:$0x1800] =	vst @!p0 v4  }
0xbd: {  	[tilespmem:$0x1810] =	vst @!p0 v4  }
0xbe: {  	[tilespmem:$0x1820] =	vst @!p0 v4  }
0xbf: {  	[tilespmem:$0x1830] =	vst @!p0 v4  }
0xc0: {  	[tilespmem:$0x1840] =	vst @!p0 v4  }
0xc1: {  	[tilespmem:$0x1850] =	vst @!p0 v4  }
0xc2: {  	[tilespmem:$0x1860] =	vst @!p0 v4  }
0xc3: {  	[tilespmem:$0x1870] =	vst @!p0 v4  }
0xc4: {  	[tilespmem:$0x1880] =	vst @!p0 v4  }
0xc5: {  	[tilespmem:$0x1890] =	vst @!p0 v4  }
0xc6: {  	[tilespmem:$0x18A0] =	vst @!p0 v4  }
0xc7: {  	[tilespmem:$0x18B0] =	vst @!p0 v4  }
0xc8: {  	[tilespmem:$0x18C0] =	vst @!p0 v4  }
0xc9: {  	s26 =	sadd.s32 $0x1, s26;
	[tilespmem:$0x18D0] =	vst @!p0 v4  }
0xca: {  	p1 =	sne.s32 s26, s9;
	[tilespmem:$0x18E0] =	vst @!p0 v4  }
.Ltmp2:
0xcb: {  	s0 =	simm.s32 @!p0 $0x0;
	[tilespmem:$0x18F0] =	vst @!p0 v4;
	(pc) =	sbr.rel @p1 .LBB2_1-.Ltmp2, $4  }
0xcc: {  	[hbm4b:s8+s0] =	stream.linear.scatter @!p0 [tilespmem:s29], [sflag:$0x1], $0x100, $0x38;
	[tilespmem:$0x1AA0] =	vst v63  }
0xcd: {  	_ =	swait.ge @!p0 [sflag:s28], $0x100  }
0xce: {  	[sflag:s28] =	ssyncset.done @!p0 $0x0  }
0xcf: {  	[sflag:s28] =	ssyncadd.s32 @!p0 $0xFFFFFF00  }
0xd0: {  	_ =	sfence.sel $0x180000  }
0xd1: {  	[bflag:$0x0] =	sbarrier.arrive $0xFFFF  }
0xd2: {  	_ =	strace $0x90000047  }
0xd3: {  	[bflag:$0x2] =	sbarrier.arrive $0xFFFF  }
0xd4: {  	s0 =	rddreg [dreg:$0x4]  }
0xd5: {  	s0 =	sadd.s32 @!p0 $0x100000, s0  }
0xd6: {  	[sflag:s0] =	ssyncadd.tile.s32 @!p0 $0x1;
	_ =	shalt  }
.Lfunc_end2:
_tile_overlayer_lowered:
.L_overlay_start_2:
0xd7: {  	(tag) =	ssettag $0x2  }
0xd8: {  	s0 =	rddreg [dreg:$0x0];
	s2 =	stileid.u32  }
0xd9: {  	s1 =	rddreg [dreg:$0x1];
	p0 =	sne.s32 s2, $0x0  }
0xda: {  	s3 =	rddreg [dreg:$0x2];
	[bflag:$0x3] =	sbarrier.arrive $0xFFFF;
	s2 =	simm.s32 @!p0 $0x1C01  }
0xdb: {  	[timem:s3], [sflag:s2] =	dma.local @!p0 [hbm:s0], s1  }
0xdc: {  	s0 =	simm.s32 @!p0 $0x1  }
0xdd: {  	_ =	swait.ge @!p0 [sflag:s0], s1  }
0xde: {  	s1 =	ssub.s32 @!p0 $0x0, s1;
	[sflag:s0] =	ssyncset.done @!p0 $0x0  }
0xdf: {  	[sflag:s0] =	ssyncadd.s32 @!p0 s1  }
0xe0: {  	[bflag:$0x3] =	sbarrier.arrive $0xFFFF  }
0xe1: {  	_ =	shalt  }

</sc_bundles>
